<compile_context>
chip_gen: v7x
topology: tpu7x:2x2x1
jax: 0.10.2.dev20260603
libtpu: 0.0.44.dev20260713+nightly
codegen_flags: <defaults>
</compile_context>

<pallas_src>
import functools

import jax
import jax.numpy as jnp
from jax import lax
from jax.experimental import pallas as pl
from jax.experimental.pallas import tpu as pltpu
from jax.experimental.pallas import tpu_sc as plsc

_NC, _NS, _L = 2, 16, 16
_NW = _NC * _NS

_N = 10000
_E = 320000
_D = 128

_EPT = _E // _NW
_K = 125
_CH = 80
_G = 40
_NG = _CH // _G
_NP = 10112
_RPS = _NP // _NS
_TRASH = _N + 8

_NPAD = 16384
_EPT1 = _E // _NS
_DPS = _NPAD // _NS


def _zero_rows(ref, nrows):
    z = jnp.zeros((_L,), jnp.float32)

    def body(r, carry):
        def inner(c, carry2):
            ref[r, pl.ds(c * _L, _L)] = z
            return carry2
        return lax.fori_loop(0, _D // _L, inner, carry)

    lax.fori_loop(0, nrows, body, 0)


def _rsqrt16(d):
    i = plsc.bitcast(d, jnp.int32)
    i = 0x5F3759DF - (i >> 1)
    y = plsc.bitcast(i, jnp.float32)
    h = 0.5 * d
    y = y * (1.5 - h * y * y)
    y = y * (1.5 - h * y * y)
    y = y * (1.5 - h * y * y)
    return y


def _dinv_body(dst_hbm, dinv_hbm, dstv, degv, redv, acc_sh):
    s = lax.axis_index("s")
    z = jnp.zeros((_L,), jnp.float32)

    def zz(i, carry):
        degv[pl.ds(i * _L, _L)] = z
        return carry

    lax.fori_loop(0, _NPAD // _L, zz, 0)
    pltpu.sync_copy(dst_hbm.at[s], dstv)

    ones = jnp.full((_L,), 1.0, jnp.float32)

    def hist(i, carry):
        idx = dstv[pl.ds(i * _L, _L)]
        plsc.addupdate_scatter(degv, [idx], ones)
        return carry

    lax.fori_loop(0, _EPT1 // _L, hist, 0)
    pltpu.sync_copy(degv, acc_sh.at[s])
    plsc.subcore_barrier()
    base = s * _DPS
    for t in range(_NS):
        pltpu.sync_copy(acc_sh.at[t, pl.ds(base, _DPS)], redv.at[t])

    def red(i, carry):
        acc = redv[0, pl.ds(i * _L, _L)]
        for t in range(1, _NS):
            acc = acc + redv[t, pl.ds(i * _L, _L)]
        degv[pl.ds(i * _L, _L)] = _rsqrt16(acc + 1.0)
        return carry

    lax.fori_loop(0, _DPS // _L, red, 0)
    pltpu.sync_copy(degv.at[pl.ds(0, _DPS)], dinv_hbm.at[pl.ds(base, _DPS)])


_dinv_call = functools.partial(
    pl.kernel,
    out_type=jax.ShapeDtypeStruct((_NPAD,), jnp.float32),
    mesh=plsc.VectorSubcoreMesh(core_axis_name="c", subcore_axis_name="s",
                                num_cores=1),
    scratch_types=[
        pltpu.VMEM((_EPT1,), jnp.int32),
        pltpu.VMEM((_NPAD,), jnp.float32),
        pltpu.VMEM((_NS, _DPS), jnp.float32),
        pltpu.VMEM_SHARED((_NS, _NPAD), jnp.float32),
    ],
    compiler_params=pltpu.CompilerParams(needs_layout_passes=False),
)(_dinv_body)


def _scatter_body(y_hbm, src_hbm, dst_hbm, out_hbm, srcv, dstv, rows, gsem,
                  acc_sh):
    c = lax.axis_index("c")
    s = lax.axis_index("s")
    wid = s * _NC + c
    z = jnp.zeros((_L,), jnp.float32)

    def zr(r, carry):
        def zc(cc, carry2):
            rows[0, r, pl.ds(cc * _L, _L)] = z
            return carry2
        return lax.fori_loop(0, _D // _L, zc, carry)

    lax.fori_loop(0, _K, zr, 0)
    base = s * _RPS
    for t in range(5):
        pltpu.sync_copy(rows.at[0], acc_sh.at[pl.ds(base + t * _K, _K)])
    pltpu.sync_copy(rows.at[0, pl.ds(0, 7)],
                    acc_sh.at[pl.ds(base + 5 * _K, 7)])
    pltpu.sync_copy(dst_hbm.at[wid], dstv)
    plsc.subcore_barrier()

    def group(g, carry):
        pltpu.sync_copy(src_hbm.at[wid, g], srcv)
        c0 = g * _G

        def pair(p, carry2):
            a = 2 * p
            b = 2 * p + 1
            da = pltpu.async_copy(y_hbm.at[srcv.at[a]], rows.at[0], gsem)
            db = pltpu.async_copy(y_hbm.at[srcv.at[b]], rows.at[1], gsem)
            da.wait()
            pltpu.sync_copy(rows.at[0], acc_sh.at[dstv.at[c0 + a]], add=True)
            db.wait()
            pltpu.sync_copy(rows.at[1], acc_sh.at[dstv.at[c0 + b]], add=True)
            return carry2

        return lax.fori_loop(0, _G // 2, pair, carry)

    lax.fori_loop(0, _NG, group, 0)
    plsc.subcore_barrier()
    pltpu.sync_copy(acc_sh.at[pl.ds(base, _RPS)],
                    out_hbm.at[c, pl.ds(base, _RPS)])


_scatter_call = functools.partial(
    pl.kernel,
    out_type=jax.ShapeDtypeStruct((_NC, _NP, _D), jnp.float32),
    mesh=plsc.VectorSubcoreMesh(core_axis_name="c", subcore_axis_name="s"),
    scratch_types=[
        pltpu.VMEM((_G, _K), jnp.int32),
        pltpu.VMEM((_CH, _K), jnp.int32),
        pltpu.VMEM((2, _K, _D), jnp.float32),
        pltpu.SemaphoreType.DMA,
        pltpu.VMEM_SHARED((_NP, _D), jnp.float32),
    ],
)(_scatter_body)


_BLK = 2000


def _k1_body(x_ref, w_ref, dv_ref, o_ref):
    xw = jnp.dot(x_ref[...], w_ref[...], preferred_element_type=jnp.float32)
    o_ref[...] = xw * dv_ref[...]


def _k2_body(sa_ref, sb_ref, y_ref, dv_ref, b_ref, w_ref, o_ref):
    pre = (sa_ref[0] + sb_ref[0] + y_ref[...]) * dv_ref[...] + b_ref[...]
    h = jnp.maximum(pre, 0.0)
    hw = jnp.dot(h, w_ref[...], preferred_element_type=jnp.float32)
    o_ref[...] = hw * dv_ref[...]


def _k3_body(sa_ref, sb_ref, y_ref, dv_ref, b_ref, o_ref):
    o_ref[...] = (sa_ref[0] + sb_ref[0] + y_ref[...]) * dv_ref[...] + b_ref[...]


_row_spec = pl.BlockSpec((_BLK, _D), lambda i: (i, 0))
_sa_spec = pl.BlockSpec((1, _BLK, _D), lambda i: (0, i, 0))
_sb_spec = pl.BlockSpec((1, _BLK, _D), lambda i: (1, i, 0))
_col_spec = pl.BlockSpec((_BLK, 1), lambda i: (i, 0))
_w_spec = pl.BlockSpec((_D, _D), lambda i: (0, 0))
_b_spec = pl.BlockSpec((1, _D), lambda i: (0, 0))
_out_sds = jax.ShapeDtypeStruct((_N, _D), jnp.float32)
_GRID = (_N // _BLK,)

_k1 = pl.pallas_call(_k1_body, grid=_GRID,
                     in_specs=[_row_spec, _w_spec, _col_spec],
                     out_specs=_row_spec, out_shape=_out_sds)
_k2 = pl.pallas_call(_k2_body, grid=_GRID,
                     in_specs=[_sa_spec, _sb_spec, _row_spec, _col_spec,
                               _b_spec, _w_spec],
                     out_specs=_row_spec, out_shape=_out_sds)
_k3 = pl.pallas_call(_k3_body, grid=_GRID,
                     in_specs=[_sa_spec, _sb_spec, _row_spec, _col_spec,
                               _b_spec],
                     out_specs=_row_spec, out_shape=_out_sds)


def kernel(x, edge_index, W1, b1, W2, b2):
    src = edge_index[0]
    dst = edge_index[1]
    dst_a = dst.reshape(_NS, _EPT1)
    pad = _CH * _K - _EPT

    def _pack(a, padval):
        return jnp.concatenate(
            [a.reshape(_NW, _EPT),
             jnp.full((_NW, pad), padval, jnp.int32)],
            axis=1).reshape(_NW, _CH, _K)

    src_b = _pack(src, 0).reshape(_NW, _NG, _G, _K)
    dst_b = _pack(dst, _TRASH)
    b1r = b1.reshape(1, _D)
    b2r = b2.reshape(1, _D)

    dinv = _dinv_call(dst_a)
    dinv_col = dinv[:_N].reshape(_N, 1)
    y1 = _k1(x, W1, dinv_col)
    s1 = _scatter_call(y1, src_b, dst_b)
    y2 = _k2(s1, s1, y1, dinv_col, b1r, W2)
    s2 = _scatter_call(y2, src_b, dst_b)
    out = _k3(s2, s2, y2, dinv_col, b2r)
    return out

# --- scband reference (transcript-rebuilt; emitter-appended) ---
"""Pipeline reference for scband-gnn-12189117186811 (READ-ONLY COPY).

The authoritative reference and input builder live on the scoring server;
editing this copy changes nothing except your own understanding.
"""

import jax, jax.numpy as jnp
import numpy as np

N = 10000
E = 320000
D_IN = 128
D_HID = 128
D_OUT = 128


def glorot(key, shape):
    fan_in, fan_out = shape[0], shape[1]
    limit = np.sqrt(6.0 / (fan_in + fan_out))
    return jax.random.uniform(key, shape, minval=-limit, maxval=limit, dtype=jnp.float32)


def setup_inputs(seed: int = 0) -> dict:
    key = jax.random.key(seed)
    k1, k2, k3, k4 = jax.random.split(key, 4)
    x = jax.random.normal(k1, (N, D_IN), dtype=jnp.float32)
    edge_index = jax.random.randint(k2, (2, E), 0, N, dtype=jnp.int32)
    W1 = glorot(k3, (D_IN, D_HID))
    b1 = jnp.zeros((D_HID,), dtype=jnp.float32)
    W2 = glorot(k4, (D_HID, D_OUT))
    b2 = jnp.zeros((D_OUT,), dtype=jnp.float32)
    return {"x": x, "edge_index": edge_index, "W1": W1, "b1": b1, "W2": W2, "b2": b2}


def gcn_conv(x, edge_index, W, b):
    # GCNConv: x' = D^{-1/2} (A + I) D^{-1/2} (x W) + b
    num_nodes = x.shape[0]
    loop = jnp.arange(num_nodes, dtype=edge_index.dtype)
    src = jnp.concatenate([edge_index[0], loop])
    dst = jnp.concatenate([edge_index[1], loop])
    deg = jax.ops.segment_sum(jnp.ones_like(dst, dtype=x.dtype), dst, num_segments=num_nodes)
    deg_inv_sqrt = jnp.where(deg > 0, 1.0 / jnp.sqrt(deg), 0.0)
    norm = deg_inv_sqrt[src] * deg_inv_sqrt[dst]
    xw = x @ W
    msg = jnp.take(xw, src, axis=0) * norm[:, None]
    out = jax.ops.segment_sum(msg, dst, num_segments=num_nodes)
    return out + b


def reference(x, edge_index, W1, b1, W2, b2):
    h = gcn_conv(x, edge_index, W1, b1)
    h = jax.nn.relu(h)
    # F.dropout with training=False (eval mode) is identity
    out = gcn_conv(h, edge_index, W2, b2)
    return out

if __name__ == "__main__":
    import jax
    _d = setup_inputs()
    print(jax.jit(kernel)(*tuple(_d.values())))

</pallas_src>

<mosaic_0001>
#map = affine_map<(d0, d1) -> (0, 0)>
#map1 = affine_map<(d0, d1) -> (0, 0, 0, 0)>
#map2 = affine_map<(d0, d1) -> (0, 0, 0)>
module attributes {stable_mosaic.version = 14 : i64} {
  func.func @_scatter_body(%arg0: i32, %arg1: i32, %arg2: memref<10000x128xf32, #tpu.memory_space<hbm>>, %arg3: memref<32x2x40x125xi32, #tpu.memory_space<hbm>>, %arg4: memref<32x80x125xi32, #tpu.memory_space<hbm>>, %arg5: memref<2x10112x128xf32, #tpu.memory_space<hbm>>, %arg6: memref<40x125xi32, #tpu.memory_space<vmem>>, %arg7: memref<80x125xi32, #tpu.memory_space<vmem>>, %arg8: memref<2x125x128xf32, #tpu.memory_space<vmem>>, %arg9: memref<!tpu.dma_semaphore, #tpu.memory_space<semaphore_mem>>, %arg10: memref<10112x128xf32, #tpu.memory_space<vmem_shared>>) attributes {dimension_semantics = [#tpu.dimension_semantics<core_parallel>, #tpu.dimension_semantics<subcore_parallel>], iteration_bounds = array<i64: 2, 16>, scalar_prefetch = 0 : i64, scratch_operands = 5 : i64, tpu.core_type = #tpu.core_type<sc_vector_subcore>, window_params = [{transform_indices = #map}, {transform_indices = #map1}, {transform_indices = #map2}, {transform_indices = #map2}]} {
    %mul3A = arith.constant 2 : i32
    %mul3A_0 = arith.muli %arg1, %mul3A : i32
    %add3A = arith.addi %mul3A_0, %arg0 : i32
    %broadcast_in_dim3A = arith.constant 0.000000e+00 : f32
    %broadcast_in_dim3A_1 = vector.broadcast %broadcast_in_dim3A : f32 to vector<16xf32>
    %scan3A = arith.constant 0 : i32
    %scan3A_2 = arith.constant 0 : i32
    %scan3A_3 = arith.constant 125 : i32
    %scan3A_4 = arith.addi %scan3A_2, %scan3A_3 : i32
    %scan3A_5 = arith.constant 1 : i32
    scf.for %scan3A_33 = %scan3A_2 to %scan3A_4 step %scan3A_5  : i32 {
      %scan3A_34 = arith.constant 0 : i32
      %scan3A_35 = arith.constant 8 : i32
      %scan3A_36 = arith.addi %scan3A_34, %scan3A_35 : i32
      %scan3A_37 = arith.constant 1 : i32
      scf.for %scan3A_39 = %scan3A_34 to %scan3A_36 step %scan3A_37  : i32 {
        %mul3A_40 = arith.constant 16 : i32
        %mul3A_41 = arith.muli %scan3A_39, %mul3A_40 : i32
        %swap3A = arith.constant 0 : i32
        %swap3A_42 = arith.index_cast %swap3A : i32 to index
        %swap3A_43 = arith.index_cast %scan3A_33 : i32 to index
        %swap3A_44 = arith.index_cast %mul3A_41 : i32 to index
        %swap3A_45 = tpu.vector_load %arg8[%swap3A_42, %swap3A_43, %swap3A_44] {strides = array<i32>} : memref<2x125x128xf32, #tpu.memory_space<vmem>>, vector<1x1x16xf32>,
        %swap3A_46 = vector.shape_cast %swap3A_45 : vector<1x1x16xf32> to vector<16xf32>
        %swap3A_47 = vector.shape_cast %broadcast_in_dim3A_1 : vector<16xf32> to vector<1x1x16xf32>
        tpu.vector_store %arg8[%swap3A_42, %swap3A_43, %swap3A_44], %swap3A_47 {strides = array<i32>} : memref<2x125x128xf32, #tpu.memory_space<vmem>>, vector<1x1x16xf32>,
      }
      %scan3A_38 = arith.constant 8 : i32
    }
    %scan3A_6 = arith.constant 125 : i32
    %mul3A_7 = arith.constant 632 : i32
    %mul3A_8 = arith.muli %arg1, %mul3A_7 : i32
    %add3A_9 = arith.constant 0 : i32
    %add3A_10 = arith.addi %mul3A_8, %add3A_9 : i32
    %run_scoped3A = arith.constant 0 : i32
    "tpu.region"() ({
      %run_scoped3A_33 = tpu.sem_alloc : memref<!tpu.dma_semaphore, #tpu.memory_space<semaphore_mem>>
      %dma_start3A = arith.constant 0 : i32
      %dma_start3A_34 = arith.constant 0 : i32
      %dma_start3A_35 = tpu.memref_slice %arg8[%run_scoped3A, %dma_start3A, %dma_start3A_34] : memref<2x125x128xf32, #tpu.memory_space<vmem>> -> memref<1x125x128xf32, #tpu.memory_space<vmem>>
      %dma_start3A_36 = tpu.memref_squeeze %dma_start3A_35 : memref<1x125x128xf32, #tpu.memory_space<vmem>> -> memref<125x128xf32, #tpu.memory_space<vmem>>
      %dma_start3A_37 = arith.constant 0 : i32
      %dma_start3A_38 = tpu.memref_slice %arg10[%add3A_10, %dma_start3A_37] : memref<10112x128xf32, #tpu.memory_space<vmem_shared>> -> memref<125x128xf32, #tpu.memory_space<vmem_shared>>
      %dma_start3A_39 = arith.constant 0 : i32
      %dma_start3A_40 = tpu.memref_slice %arg10[%add3A_10, %dma_start3A_39] : memref<10112x128xf32, #tpu.memory_space<vmem_shared>> -> memref<125x128xf32, #tpu.memory_space<vmem_shared>>
      %dma_start3A_41 = arith.constant 0 : i32
      %dma_start3A_42 = arith.constant 0 : i32
      %dma_start3A_43 = tpu.memref_slice %arg8[%run_scoped3A, %dma_start3A_41, %dma_start3A_42] : memref<2x125x128xf32, #tpu.memory_space<vmem>> -> memref<1x125x128xf32, #tpu.memory_space<vmem>>
      %dma_start3A_44 = tpu.memref_squeeze %dma_start3A_43 : memref<1x125x128xf32, #tpu.memory_space<vmem>> -> memref<125x128xf32, #tpu.memory_space<vmem>>
      tpu.enqueue_dma source(%dma_start3A_44 : memref<125x128xf32, #tpu.memory_space<vmem>>) target(%dma_start3A_40 : memref<125x128xf32, #tpu.memory_space<vmem_shared>>) target_semaphore(%run_scoped3A_33 : memref<!tpu.dma_semaphore, #tpu.memory_space<semaphore_mem>>)
      %dma_wait3A = arith.constant 0 : i32
      %dma_wait3A_45 = arith.constant 0 : i32
      %dma_wait3A_46 = tpu.memref_slice %arg8[%run_scoped3A, %dma_wait3A, %dma_wait3A_45] : memref<2x125x128xf32, #tpu.memory_space<vmem>> -> memref<1x125x128xf32, #tpu.memory_space<vmem>>
      %dma_wait3A_47 = tpu.memref_squeeze %dma_wait3A_46 : memref<1x125x128xf32, #tpu.memory_space<vmem>> -> memref<125x128xf32, #tpu.memory_space<vmem>>
      %dma_wait3A_48 = arith.constant 0 : i32
      %dma_wait3A_49 = tpu.memref_slice %arg10[%add3A_10, %dma_wait3A_48] : memref<10112x128xf32, #tpu.memory_space<vmem_shared>> -> memref<125x128xf32, #tpu.memory_space<vmem_shared>>
      %dma_wait3A_50 = arith.constant 0 : i32
      %dma_wait3A_51 = tpu.memref_slice %arg10[%add3A_10, %dma_wait3A_50] : memref<10112x128xf32, #tpu.memory_space<vmem_shared>> -> memref<125x128xf32, #tpu.memory_space<vmem_shared>>
      %dma_wait3A_52 = arith.constant 0 : i32
      %dma_wait3A_53 = arith.constant 0 : i32
      %dma_wait3A_54 = tpu.memref_slice %arg8[%run_scoped3A, %dma_wait3A_52, %dma_wait3A_53] : memref<2x125x128xf32, #tpu.memory_space<vmem>> -> memref<1x125x128xf32, #tpu.memory_space<vmem>>
      %dma_wait3A_55 = tpu.memref_squeeze %dma_wait3A_54 : memref<1x125x128xf32, #tpu.memory_space<vmem>> -> memref<125x128xf32, #tpu.memory_space<vmem>>
      tpu.wait_dma2 semaphore(%run_scoped3A_33 : memref<!tpu.dma_semaphore, #tpu.memory_space<semaphore_mem>>) src(%dma_wait3A_55 : memref<125x128xf32, #tpu.memory_space<vmem>>) dst(%dma_wait3A_51 : memref<125x128xf32, #tpu.memory_space<vmem_shared>>)
      tpu.yield
    }) : () -> ()
    %add3A_11 = arith.constant 125 : i32
    %add3A_12 = arith.addi %mul3A_8, %add3A_11 : i32
    %run_scoped3A_13 = arith.constant 0 : i32
    "tpu.region"() ({
      %run_scoped3A_33 = tpu.sem_alloc : memref<!tpu.dma_semaphore, #tpu.memory_space<semaphore_mem>>
      %dma_start3A = arith.constant 0 : i32
      %dma_start3A_34 = arith.constant 0 : i32
      %dma_start3A_35 = tpu.memref_slice %arg8[%run_scoped3A_13, %dma_start3A, %dma_start3A_34] : memref<2x125x128xf32, #tpu.memory_space<vmem>> -> memref<1x125x128xf32, #tpu.memory_space<vmem>>
      %dma_start3A_36 = tpu.memref_squeeze %dma_start3A_35 : memref<1x125x128xf32, #tpu.memory_space<vmem>> -> memref<125x128xf32, #tpu.memory_space<vmem>>
      %dma_start3A_37 = arith.constant 0 : i32
      %dma_start3A_38 = tpu.memref_slice %arg10[%add3A_12, %dma_start3A_37] : memref<10112x128xf32, #tpu.memory_space<vmem_shared>> -> memref<125x128xf32, #tpu.memory_space<vmem_shared>>
      %dma_start3A_39 = arith.constant 0 : i32
      %dma_start3A_40 = tpu.memref_slice %arg10[%add3A_12, %dma_start3A_39] : memref<10112x128xf32, #tpu.memory_space<vmem_shared>> -> memref<125x128xf32, #tpu.memory_space<vmem_shared>>
      %dma_start3A_41 = arith.constant 0 : i32
      %dma_start3A_42 = arith.constant 0 : i32
      %dma_start3A_43 = tpu.memref_slice %arg8[%run_scoped3A_13, %dma_start3A_41, %dma_start3A_42] : memref<2x125x128xf32, #tpu.memory_space<vmem>> -> memref<1x125x128xf32, #tpu.memory_space<vmem>>
      %dma_start3A_44 = tpu.memref_squeeze %dma_start3A_43 : memref<1x125x128xf32, #tpu.memory_space<vmem>> -> memref<125x128xf32, #tpu.memory_space<vmem>>
      tpu.enqueue_dma source(%dma_start3A_44 : memref<125x128xf32, #tpu.memory_space<vmem>>) target(%dma_start3A_40 : memref<125x128xf32, #tpu.memory_space<vmem_shared>>) target_semaphore(%run_scoped3A_33 : memref<!tpu.dma_semaphore, #tpu.memory_space<semaphore_mem>>)
      %dma_wait3A = arith.constant 0 : i32
      %dma_wait3A_45 = arith.constant 0 : i32
      %dma_wait3A_46 = tpu.memref_slice %arg8[%run_scoped3A_13, %dma_wait3A, %dma_wait3A_45] : memref<2x125x128xf32, #tpu.memory_space<vmem>> -> memref<1x125x128xf32, #tpu.memory_space<vmem>>
      %dma_wait3A_47 = tpu.memref_squeeze %dma_wait3A_46 : memref<1x125x128xf32, #tpu.memory_space<vmem>> -> memref<125x128xf32, #tpu.memory_space<vmem>>
      %dma_wait3A_48 = arith.constant 0 : i32
      %dma_wait3A_49 = tpu.memref_slice %arg10[%add3A_12, %dma_wait3A_48] : memref<10112x128xf32, #tpu.memory_space<vmem_shared>> -> memref<125x128xf32, #tpu.memory_space<vmem_shared>>
      %dma_wait3A_50 = arith.constant 0 : i32
      %dma_wait3A_51 = tpu.memref_slice %arg10[%add3A_12, %dma_wait3A_50] : memref<10112x128xf32, #tpu.memory_space<vmem_shared>> -> memref<125x128xf32, #tpu.memory_space<vmem_shared>>
      %dma_wait3A_52 = arith.constant 0 : i32
      %dma_wait3A_53 = arith.constant 0 : i32
      %dma_wait3A_54 = tpu.memref_slice %arg8[%run_scoped3A_13, %dma_wait3A_52, %dma_wait3A_53] : memref<2x125x128xf32, #tpu.memory_space<vmem>> -> memref<1x125x128xf32, #tpu.memory_space<vmem>>
      %dma_wait3A_55 = tpu.memref_squeeze %dma_wait3A_54 : memref<1x125x128xf32, #tpu.memory_space<vmem>> -> memref<125x128xf32, #tpu.memory_space<vmem>>
      tpu.wait_dma2 semaphore(%run_scoped3A_33 : memref<!tpu.dma_semaphore, #tpu.memory_space<semaphore_mem>>) src(%dma_wait3A_55 : memref<125x128xf32, #tpu.memory_space<vmem>>) dst(%dma_wait3A_51 : memref<125x128xf32, #tpu.memory_space<vmem_shared>>)
      tpu.yield
    }) : () -> ()
    %add3A_14 = arith.constant 250 : i32
    %add3A_15 = arith.addi %mul3A_8, %add3A_14 : i32
    %run_scoped3A_16 = arith.constant 0 : i32
    "tpu.region"() ({
      %run_scoped3A_33 = tpu.sem_alloc : memref<!tpu.dma_semaphore, #tpu.memory_space<semaphore_mem>>
      %dma_start3A = arith.constant 0 : i32
      %dma_start3A_34 = arith.constant 0 : i32
      %dma_start3A_35 = tpu.memref_slice %arg8[%run_scoped3A_16, %dma_start3A, %dma_start3A_34] : memref<2x125x128xf32, #tpu.memory_space<vmem>> -> memref<1x125x128xf32, #tpu.memory_space<vmem>>
      %dma_start3A_36 = tpu.memref_squeeze %dma_start3A_35 : memref<1x125x128xf32, #tpu.memory_space<vmem>> -> memref<125x128xf32, #tpu.memory_space<vmem>>
      %dma_start3A_37 = arith.constant 0 : i32
      %dma_start3A_38 = tpu.memref_slice %arg10[%add3A_15, %dma_start3A_37] : memref<10112x128xf32, #tpu.memory_space<vmem_shared>> -> memref<125x128xf32, #tpu.memory_space<vmem_shared>>
      %dma_start3A_39 = arith.constant 0 : i32
      %dma_start3A_40 = tpu.memref_slice %arg10[%add3A_15, %dma_start3A_39] : memref<10112x128xf32, #tpu.memory_space<vmem_shared>> -> memref<125x128xf32, #tpu.memory_space<vmem_shared>>
      %dma_start3A_41 = arith.constant 0 : i32
      %dma_start3A_42 = arith.constant 0 : i32
      %dma_start3A_43 = tpu.memref_slice %arg8[%run_scoped3A_16, %dma_start3A_41, %dma_start3A_42] : memref<2x125x128xf32, #tpu.memory_space<vmem>> -> memref<1x125x128xf32, #tpu.memory_space<vmem>>
      %dma_start3A_44 = tpu.memref_squeeze %dma_start3A_43 : memref<1x125x128xf32, #tpu.memory_space<vmem>> -> memref<125x128xf32, #tpu.memory_space<vmem>>
      tpu.enqueue_dma source(%dma_start3A_44 : memref<125x128xf32, #tpu.memory_space<vmem>>) target(%dma_start3A_40 : memref<125x128xf32, #tpu.memory_space<vmem_shared>>) target_semaphore(%run_scoped3A_33 : memref<!tpu.dma_semaphore, #tpu.memory_space<semaphore_mem>>)
      %dma_wait3A = arith.constant 0 : i32
      %dma_wait3A_45 = arith.constant 0 : i32
      %dma_wait3A_46 = tpu.memref_slice %arg8[%run_scoped3A_16, %dma_wait3A, %dma_wait3A_45] : memref<2x125x128xf32, #tpu.memory_space<vmem>> -> memref<1x125x128xf32, #tpu.memory_space<vmem>>
      %dma_wait3A_47 = tpu.memref_squeeze %dma_wait3A_46 : memref<1x125x128xf32, #tpu.memory_space<vmem>> -> memref<125x128xf32, #tpu.memory_space<vmem>>
      %dma_wait3A_48 = arith.constant 0 : i32
      %dma_wait3A_49 = tpu.memref_slice %arg10[%add3A_15, %dma_wait3A_48] : memref<10112x128xf32, #tpu.memory_space<vmem_shared>> -> memref<125x128xf32, #tpu.memory_space<vmem_shared>>
      %dma_wait3A_50 = arith.constant 0 : i32
      %dma_wait3A_51 = tpu.memref_slice %arg10[%add3A_15, %dma_wait3A_50] : memref<10112x128xf32, #tpu.memory_space<vmem_shared>> -> memref<125x128xf32, #tpu.memory_space<vmem_shared>>
      %dma_wait3A_52 = arith.constant 0 : i32
      %dma_wait3A_53 = arith.constant 0 : i32
      %dma_wait3A_54 = tpu.memref_slice %arg8[%run_scoped3A_16, %dma_wait3A_52, %dma_wait3A_53] : memref<2x125x128xf32, #tpu.memory_space<vmem>> -> memref<1x125x128xf32, #tpu.memory_space<vmem>>
      %dma_wait3A_55 = tpu.memref_squeeze %dma_wait3A_54 : memref<1x125x128xf32, #tpu.memory_space<vmem>> -> memref<125x128xf32, #tpu.memory_space<vmem>>
      tpu.wait_dma2 semaphore(%run_scoped3A_33 : memref<!tpu.dma_semaphore, #tpu.memory_space<semaphore_mem>>) src(%dma_wait3A_55 : memref<125x128xf32, #tpu.memory_space<vmem>>) dst(%dma_wait3A_51 : memref<125x128xf32, #tpu.memory_space<vmem_shared>>)
      tpu.yield
    }) : () -> ()
    %add3A_17 = arith.constant 375 : i32
    %add3A_18 = arith.addi %mul3A_8, %add3A_17 : i32
    %run_scoped3A_19 = arith.constant 0 : i32
    "tpu.region"() ({
      %run_scoped3A_33 = tpu.sem_alloc : memref<!tpu.dma_semaphore, #tpu.memory_space<semaphore_mem>>
      %dma_start3A = arith.constant 0 : i32
      %dma_start3A_34 = arith.constant 0 : i32
      %dma_start3A_35 = tpu.memref_slice %arg8[%run_scoped3A_19, %dma_start3A, %dma_start3A_34] : memref<2x125x128xf32, #tpu.memory_space<vmem>> -> memref<1x125x128xf32, #tpu.memory_space<vmem>>
      %dma_start3A_36 = tpu.memref_squeeze %dma_start3A_35 : memref<1x125x128xf32, #tpu.memory_space<vmem>> -> memref<125x128xf32, #tpu.memory_space<vmem>>
      %dma_start3A_37 = arith.constant 0 : i32
      %dma_start3A_38 = tpu.memref_slice %arg10[%add3A_18, %dma_start3A_37] : memref<10112x128xf32, #tpu.memory_space<vmem_shared>> -> memref<125x128xf32, #tpu.memory_space<vmem_shared>>
      %dma_start3A_39 = arith.constant 0 : i32
      %dma_start3A_40 = tpu.memref_slice %arg10[%add3A_18, %dma_start3A_39] : memref<10112x128xf32, #tpu.memory_space<vmem_shared>> -> memref<125x128xf32, #tpu.memory_space<vmem_shared>>
      %dma_start3A_41 = arith.constant 0 : i32
      %dma_start3A_42 = arith.constant 0 : i32
      %dma_start3A_43 = tpu.memref_slice %arg8[%run_scoped3A_19, %dma_start3A_41, %dma_start3A_42] : memref<2x125x128xf32, #tpu.memory_space<vmem>> -> memref<1x125x128xf32, #tpu.memory_space<vmem>>
      %dma_start3A_44 = tpu.memref_squeeze %dma_start3A_43 : memref<1x125x128xf32, #tpu.memory_space<vmem>> -> memref<125x128xf32, #tpu.memory_space<vmem>>
      tpu.enqueue_dma source(%dma_start3A_44 : memref<125x128xf32, #tpu.memory_space<vmem>>) target(%dma_start3A_40 : memref<125x128xf32, #tpu.memory_space<vmem_shared>>) target_semaphore(%run_scoped3A_33 : memref<!tpu.dma_semaphore, #tpu.memory_space<semaphore_mem>>)
      %dma_wait3A = arith.constant 0 : i32
      %dma_wait3A_45 = arith.constant 0 : i32
      %dma_wait3A_46 = tpu.memref_slice %arg8[%run_scoped3A_19, %dma_wait3A, %dma_wait3A_45] : memref<2x125x128xf32, #tpu.memory_space<vmem>> -> memref<1x125x128xf32, #tpu.memory_space<vmem>>
      %dma_wait3A_47 = tpu.memref_squeeze %dma_wait3A_46 : memref<1x125x128xf32, #tpu.memory_space<vmem>> -> memref<125x128xf32, #tpu.memory_space<vmem>>
      %dma_wait3A_48 = arith.constant 0 : i32
      %dma_wait3A_49 = tpu.memref_slice %arg10[%add3A_18, %dma_wait3A_48] : memref<10112x128xf32, #tpu.memory_space<vmem_shared>> -> memref<125x128xf32, #tpu.memory_space<vmem_shared>>
      %dma_wait3A_50 = arith.constant 0 : i32
      %dma_wait3A_51 = tpu.memref_slice %arg10[%add3A_18, %dma_wait3A_50] : memref<10112x128xf32, #tpu.memory_space<vmem_shared>> -> memref<125x128xf32, #tpu.memory_space<vmem_shared>>
      %dma_wait3A_52 = arith.constant 0 : i32
      %dma_wait3A_53 = arith.constant 0 : i32
      %dma_wait3A_54 = tpu.memref_slice %arg8[%run_scoped3A_19, %dma_wait3A_52, %dma_wait3A_53] : memref<2x125x128xf32, #tpu.memory_space<vmem>> -> memref<1x125x128xf32, #tpu.memory_space<vmem>>
      %dma_wait3A_55 = tpu.memref_squeeze %dma_wait3A_54 : memref<1x125x128xf32, #tpu.memory_space<vmem>> -> memref<125x128xf32, #tpu.memory_space<vmem>>
      tpu.wait_dma2 semaphore(%run_scoped3A_33 : memref<!tpu.dma_semaphore, #tpu.memory_space<semaphore_mem>>) src(%dma_wait3A_55 : memref<125x128xf32, #tpu.memory_space<vmem>>) dst(%dma_wait3A_51 : memref<125x128xf32, #tpu.memory_space<vmem_shared>>)
      tpu.yield
    }) : () -> ()
    %add3A_20 = arith.constant 500 : i32
    %add3A_21 = arith.addi %mul3A_8, %add3A_20 : i32
    %run_scoped3A_22 = arith.constant 0 : i32
    "tpu.region"() ({
      %run_scoped3A_33 = tpu.sem_alloc : memref<!tpu.dma_semaphore, #tpu.memory_space<semaphore_mem>>
      %dma_start3A = arith.constant 0 : i32
      %dma_start3A_34 = arith.constant 0 : i32
      %dma_start3A_35 = tpu.memref_slice %arg8[%run_scoped3A_22, %dma_start3A, %dma_start3A_34] : memref<2x125x128xf32, #tpu.memory_space<vmem>> -> memref<1x125x128xf32, #tpu.memory_space<vmem>>
      %dma_start3A_36 = tpu.memref_squeeze %dma_start3A_35 : memref<1x125x128xf32, #tpu.memory_space<vmem>> -> memref<125x128xf32, #tpu.memory_space<vmem>>
      %dma_start3A_37 = arith.constant 0 : i32
      %dma_start3A_38 = tpu.memref_slice %arg10[%add3A_21, %dma_start3A_37] : memref<10112x128xf32, #tpu.memory_space<vmem_shared>> -> memref<125x128xf32, #tpu.memory_space<vmem_shared>>
      %dma_start3A_39 = arith.constant 0 : i32
      %dma_start3A_40 = tpu.memref_slice %arg10[%add3A_21, %dma_start3A_39] : memref<10112x128xf32, #tpu.memory_space<vmem_shared>> -> memref<125x128xf32, #tpu.memory_space<vmem_shared>>
      %dma_start3A_41 = arith.constant 0 : i32
      %dma_start3A_42 = arith.constant 0 : i32
      %dma_start3A_43 = tpu.memref_slice %arg8[%run_scoped3A_22, %dma_start3A_41, %dma_start3A_42] : memref<2x125x128xf32, #tpu.memory_space<vmem>> -> memref<1x125x128xf32, #tpu.memory_space<vmem>>
      %dma_start3A_44 = tpu.memref_squeeze %dma_start3A_43 : memref<1x125x128xf32, #tpu.memory_space<vmem>> -> memref<125x128xf32, #tpu.memory_space<vmem>>
      tpu.enqueue_dma source(%dma_start3A_44 : memref<125x128xf32, #tpu.memory_space<vmem>>) target(%dma_start3A_40 : memref<125x128xf32, #tpu.memory_space<vmem_shared>>) target_semaphore(%run_scoped3A_33 : memref<!tpu.dma_semaphore, #tpu.memory_space<semaphore_mem>>)
      %dma_wait3A = arith.constant 0 : i32
      %dma_wait3A_45 = arith.constant 0 : i32
      %dma_wait3A_46 = tpu.memref_slice %arg8[%run_scoped3A_22, %dma_wait3A, %dma_wait3A_45] : memref<2x125x128xf32, #tpu.memory_space<vmem>> -> memref<1x125x128xf32, #tpu.memory_space<vmem>>
      %dma_wait3A_47 = tpu.memref_squeeze %dma_wait3A_46 : memref<1x125x128xf32, #tpu.memory_space<vmem>> -> memref<125x128xf32, #tpu.memory_space<vmem>>
      %dma_wait3A_48 = arith.constant 0 : i32
      %dma_wait3A_49 = tpu.memref_slice %arg10[%add3A_21, %dma_wait3A_48] : memref<10112x128xf32, #tpu.memory_space<vmem_shared>> -> memref<125x128xf32, #tpu.memory_space<vmem_shared>>
      %dma_wait3A_50 = arith.constant 0 : i32
      %dma_wait3A_51 = tpu.memref_slice %arg10[%add3A_21, %dma_wait3A_50] : memref<10112x128xf32, #tpu.memory_space<vmem_shared>> -> memref<125x128xf32, #tpu.memory_space<vmem_shared>>
      %dma_wait3A_52 = arith.constant 0 : i32
      %dma_wait3A_53 = arith.constant 0 : i32
      %dma_wait3A_54 = tpu.memref_slice %arg8[%run_scoped3A_22, %dma_wait3A_52, %dma_wait3A_53] : memref<2x125x128xf32, #tpu.memory_space<vmem>> -> memref<1x125x128xf32, #tpu.memory_space<vmem>>
      %dma_wait3A_55 = tpu.memref_squeeze %dma_wait3A_54 : memref<1x125x128xf32, #tpu.memory_space<vmem>> -> memref<125x128xf32, #tpu.memory_space<vmem>>
      tpu.wait_dma2 semaphore(%run_scoped3A_33 : memref<!tpu.dma_semaphore, #tpu.memory_space<semaphore_mem>>) src(%dma_wait3A_55 : memref<125x128xf32, #tpu.memory_space<vmem>>) dst(%dma_wait3A_51 : memref<125x128xf32, #tpu.memory_space<vmem_shared>>)
      tpu.yield
    }) : () -> ()
    %add3A_23 = arith.constant 625 : i32
    %add3A_24 = arith.addi %mul3A_8, %add3A_23 : i32
    %run_scoped3A_25 = arith.constant 0 : i32
    "tpu.region"() ({
      %run_scoped3A_33 = tpu.sem_alloc : memref<!tpu.dma_semaphore, #tpu.memory_space<semaphore_mem>>
      %dma_start3A = arith.constant 0 : i32
      %dma_start3A_34 = arith.constant 0 : i32
      %dma_start3A_35 = tpu.memref_slice %arg8[%run_scoped3A_25, %dma_start3A, %dma_start3A_34] : memref<2x125x128xf32, #tpu.memory_space<vmem>> -> memref<1x7x128xf32, #tpu.memory_space<vmem>>
      %dma_start3A_36 = tpu.memref_squeeze %dma_start3A_35 : memref<1x7x128xf32, #tpu.memory_space<vmem>> -> memref<7x128xf32, #tpu.memory_space<vmem>>
      %dma_start3A_37 = arith.constant 0 : i32
      %dma_start3A_38 = tpu.memref_slice %arg10[%add3A_24, %dma_start3A_37] : memref<10112x128xf32, #tpu.memory_space<vmem_shared>> -> memref<7x128xf32, #tpu.memory_space<vmem_shared>>
      %dma_start3A_39 = arith.constant 0 : i32
      %dma_start3A_40 = tpu.memref_slice %arg10[%add3A_24, %dma_start3A_39] : memref<10112x128xf32, #tpu.memory_space<vmem_shared>> -> memref<7x128xf32, #tpu.memory_space<vmem_shared>>
      %dma_start3A_41 = arith.constant 0 : i32
      %dma_start3A_42 = arith.constant 0 : i32
      %dma_start3A_43 = tpu.memref_slice %arg8[%run_scoped3A_25, %dma_start3A_41, %dma_start3A_42] : memref<2x125x128xf32, #tpu.memory_space<vmem>> -> memref<1x7x128xf32, #tpu.memory_space<vmem>>
      %dma_start3A_44 = tpu.memref_squeeze %dma_start3A_43 : memref<1x7x128xf32, #tpu.memory_space<vmem>> -> memref<7x128xf32, #tpu.memory_space<vmem>>
      tpu.enqueue_dma source(%dma_start3A_44 : memref<7x128xf32, #tpu.memory_space<vmem>>) target(%dma_start3A_40 : memref<7x128xf32, #tpu.memory_space<vmem_shared>>) target_semaphore(%run_scoped3A_33 : memref<!tpu.dma_semaphore, #tpu.memory_space<semaphore_mem>>)
      %dma_wait3A = arith.constant 0 : i32
      %dma_wait3A_45 = arith.constant 0 : i32
      %dma_wait3A_46 = tpu.memref_slice %arg8[%run_scoped3A_25, %dma_wait3A, %dma_wait3A_45] : memref<2x125x128xf32, #tpu.memory_space<vmem>> -> memref<1x7x128xf32, #tpu.memory_space<vmem>>
      %dma_wait3A_47 = tpu.memref_squeeze %dma_wait3A_46 : memref<1x7x128xf32, #tpu.memory_space<vmem>> -> memref<7x128xf32, #tpu.memory_space<vmem>>
      %dma_wait3A_48 = arith.constant 0 : i32
      %dma_wait3A_49 = tpu.memref_slice %arg10[%add3A_24, %dma_wait3A_48] : memref<10112x128xf32, #tpu.memory_space<vmem_shared>> -> memref<7x128xf32, #tpu.memory_space<vmem_shared>>
      %dma_wait3A_50 = arith.constant 0 : i32
      %dma_wait3A_51 = tpu.memref_slice %arg10[%add3A_24, %dma_wait3A_50] : memref<10112x128xf32, #tpu.memory_space<vmem_shared>> -> memref<7x128xf32, #tpu.memory_space<vmem_shared>>
      %dma_wait3A_52 = arith.constant 0 : i32
      %dma_wait3A_53 = arith.constant 0 : i32
      %dma_wait3A_54 = tpu.memref_slice %arg8[%run_scoped3A_25, %dma_wait3A_52, %dma_wait3A_53] : memref<2x125x128xf32, #tpu.memory_space<vmem>> -> memref<1x7x128xf32, #tpu.memory_space<vmem>>
      %dma_wait3A_55 = tpu.memref_squeeze %dma_wait3A_54 : memref<1x7x128xf32, #tpu.memory_space<vmem>> -> memref<7x128xf32, #tpu.memory_space<vmem>>
      tpu.wait_dma2 semaphore(%run_scoped3A_33 : memref<!tpu.dma_semaphore, #tpu.memory_space<semaphore_mem>>) src(%dma_wait3A_55 : memref<7x128xf32, #tpu.memory_space<vmem>>) dst(%dma_wait3A_51 : memref<7x128xf32, #tpu.memory_space<vmem_shared>>)
      tpu.yield
    }) : () -> ()
    "tpu.region"() ({
      %run_scoped3A_33 = tpu.sem_alloc : memref<!tpu.dma_semaphore, #tpu.memory_space<semaphore_mem>>
      %dma_start3A = arith.constant 0 : i32
      %dma_start3A_34 = arith.constant 0 : i32
      %dma_start3A_35 = tpu.memref_slice %arg4[%add3A, %dma_start3A, %dma_start3A_34] : memref<32x80x125xi32, #tpu.memory_space<hbm>> -> memref<1x80x125xi32, #tpu.memory_space<hbm>>
      %dma_start3A_36 = tpu.memref_squeeze %dma_start3A_35 : memref<1x80x125xi32, #tpu.memory_space<hbm>> -> memref<80x125xi32, #tpu.memory_space<hbm>>
      %dma_start3A_37 = arith.constant 0 : i32
      %dma_start3A_38 = arith.constant 0 : i32
      %dma_start3A_39 = tpu.memref_slice %arg4[%add3A, %dma_start3A_37, %dma_start3A_38] : memref<32x80x125xi32, #tpu.memory_space<hbm>> -> memref<1x80x125xi32, #tpu.memory_space<hbm>>
      %dma_start3A_40 = tpu.memref_squeeze %dma_start3A_39 : memref<1x80x125xi32, #tpu.memory_space<hbm>> -> memref<80x125xi32, #tpu.memory_space<hbm>>
      tpu.enqueue_dma source(%dma_start3A_40 : memref<80x125xi32, #tpu.memory_space<hbm>>) target(%arg7 : memref<80x125xi32, #tpu.memory_space<vmem>>) target_semaphore(%run_scoped3A_33 : memref<!tpu.dma_semaphore, #tpu.memory_space<semaphore_mem>>)
      %dma_wait3A = arith.constant 0 : i32
      %dma_wait3A_41 = arith.constant 0 : i32
      %dma_wait3A_42 = tpu.memref_slice %arg4[%add3A, %dma_wait3A, %dma_wait3A_41] : memref<32x80x125xi32, #tpu.memory_space<hbm>> -> memref<1x80x125xi32, #tpu.memory_space<hbm>>
      %dma_wait3A_43 = tpu.memref_squeeze %dma_wait3A_42 : memref<1x80x125xi32, #tpu.memory_space<hbm>> -> memref<80x125xi32, #tpu.memory_space<hbm>>
      %dma_wait3A_44 = arith.constant 0 : i32
      %dma_wait3A_45 = arith.constant 0 : i32
      %dma_wait3A_46 = tpu.memref_slice %arg4[%add3A, %dma_wait3A_44, %dma_wait3A_45] : memref<32x80x125xi32, #tpu.memory_space<hbm>> -> memref<1x80x125xi32, #tpu.memory_space<hbm>>
      %dma_wait3A_47 = tpu.memref_squeeze %dma_wait3A_46 : memref<1x80x125xi32, #tpu.memory_space<hbm>> -> memref<80x125xi32, #tpu.memory_space<hbm>>
      tpu.wait_dma2 semaphore(%run_scoped3A_33 : memref<!tpu.dma_semaphore, #tpu.memory_space<semaphore_mem>>) src(%dma_wait3A_47 : memref<80x125xi32, #tpu.memory_space<hbm>>) dst(%arg7 : memref<80x125xi32, #tpu.memory_space<vmem>>)
      tpu.yield
    }) : () -> ()
    %barrier3A = arith.constant 0 : index
    tpu.barrier barrier_id(%barrier3A)
    %scan3A_26 = arith.constant 0 : i32
    %scan3A_27 = arith.constant 0 : i32
    %scan3A_28 = arith.constant 2 : i32
    %scan3A_29 = arith.addi %scan3A_27, %scan3A_28 : i32
    %scan3A_30 = arith.constant 1 : i32
    scf.for %scan3A_33 = %scan3A_27 to %scan3A_29 step %scan3A_30  : i32 {
      "tpu.region"() ({
        %run_scoped3A_41 = tpu.sem_alloc : memref<!tpu.dma_semaphore, #tpu.memory_space<semaphore_mem>>
        %dma_start3A = arith.constant 0 : i32
        %dma_start3A_42 = arith.constant 0 : i32
        %dma_start3A_43 = tpu.memref_slice %arg3[%add3A, %scan3A_33, %dma_start3A, %dma_start3A_42] : memref<32x2x40x125xi32, #tpu.memory_space<hbm>> -> memref<1x1x40x125xi32, #tpu.memory_space<hbm>>
        %dma_start3A_44 = tpu.memref_squeeze %dma_start3A_43 : memref<1x1x40x125xi32, #tpu.memory_space<hbm>> -> memref<40x125xi32, #tpu.memory_space<hbm>>
        %dma_start3A_45 = arith.constant 0 : i32
        %dma_start3A_46 = arith.constant 0 : i32
        %dma_start3A_47 = tpu.memref_slice %arg3[%add3A, %scan3A_33, %dma_start3A_45, %dma_start3A_46] : memref<32x2x40x125xi32, #tpu.memory_space<hbm>> -> memref<1x1x40x125xi32, #tpu.memory_space<hbm>>
        %dma_start3A_48 = tpu.memref_squeeze %dma_start3A_47 : memref<1x1x40x125xi32, #tpu.memory_space<hbm>> -> memref<40x125xi32, #tpu.memory_space<hbm>>
        tpu.enqueue_dma source(%dma_start3A_48 : memref<40x125xi32, #tpu.memory_space<hbm>>) target(%arg6 : memref<40x125xi32, #tpu.memory_space<vmem>>) target_semaphore(%run_scoped3A_41 : memref<!tpu.dma_semaphore, #tpu.memory_space<semaphore_mem>>)
        %dma_wait3A = arith.constant 0 : i32
        %dma_wait3A_49 = arith.constant 0 : i32
        %dma_wait3A_50 = tpu.memref_slice %arg3[%add3A, %scan3A_33, %dma_wait3A, %dma_wait3A_49] : memref<32x2x40x125xi32, #tpu.memory_space<hbm>> -> memref<1x1x40x125xi32, #tpu.memory_space<hbm>>
        %dma_wait3A_51 = tpu.memref_squeeze %dma_wait3A_50 : memref<1x1x40x125xi32, #tpu.memory_space<hbm>> -> memref<40x125xi32, #tpu.memory_space<hbm>>
        %dma_wait3A_52 = arith.constant 0 : i32
        %dma_wait3A_53 = arith.constant 0 : i32
        %dma_wait3A_54 = tpu.memref_slice %arg3[%add3A, %scan3A_33, %dma_wait3A_52, %dma_wait3A_53] : memref<32x2x40x125xi32, #tpu.memory_space<hbm>> -> memref<1x1x40x125xi32, #tpu.memory_space<hbm>>
        %dma_wait3A_55 = tpu.memref_squeeze %dma_wait3A_54 : memref<1x1x40x125xi32, #tpu.memory_space<hbm>> -> memref<40x125xi32, #tpu.memory_space<hbm>>
        tpu.wait_dma2 semaphore(%run_scoped3A_41 : memref<!tpu.dma_semaphore, #tpu.memory_space<semaphore_mem>>) src(%dma_wait3A_55 : memref<40x125xi32, #tpu.memory_space<hbm>>) dst(%arg6 : memref<40x125xi32, #tpu.memory_space<vmem>>)
        tpu.yield
      }) : () -> ()
      %mul3A_34 = arith.constant 40 : i32
      %mul3A_35 = arith.muli %scan3A_33, %mul3A_34 : i32
      %scan3A_36 = arith.constant 0 : i32
      %scan3A_37 = arith.constant 20 : i32
      %scan3A_38 = arith.addi %scan3A_36, %scan3A_37 : i32
      %scan3A_39 = arith.constant 1 : i32
      scf.for %scan3A_41 = %scan3A_36 to %scan3A_38 step %scan3A_39  : i32 {
        %mul3A_42 = arith.constant 2 : i32
        %mul3A_43 = arith.muli %mul3A_42, %scan3A_41 : i32
        %mul3A_44 = arith.constant 2 : i32
        %mul3A_45 = arith.muli %mul3A_44, %scan3A_41 : i32
        %add3A_46 = arith.constant 1 : i32
        %add3A_47 = arith.addi %mul3A_45, %add3A_46 : i32
        %dma_start3A = arith.constant 0 : i32
        %dma_start3A_48 = arith.constant 0 : i32
        %dma_start3A_49 = arith.constant 0 : i32
        %dma_start3A_50 = tpu.memref_slice %arg8[%dma_start3A, %dma_start3A_48, %dma_start3A_49] : memref<2x125x128xf32, #tpu.memory_space<vmem>> -> memref<1x125x128xf32, #tpu.memory_space<vmem>>
        %dma_start3A_51 = tpu.memref_squeeze %dma_start3A_50 : memref<1x125x128xf32, #tpu.memory_space<vmem>> -> memref<125x128xf32, #tpu.memory_space<vmem>>
        %dma_start3A_52 = arith.constant 0 : i32
        %dma_start3A_53 = tpu.memref_slice %arg6[%mul3A_43, %dma_start3A_52] : memref<40x125xi32, #tpu.memory_space<vmem>> -> memref<1x125xi32, #tpu.memory_space<vmem>>
        %dma_start3A_54 = tpu.memref_squeeze %dma_start3A_53 : memref<1x125xi32, #tpu.memory_space<vmem>> -> memref<125xi32, #tpu.memory_space<vmem>>
        %dma_start3A_55 = arith.constant 0 : i32
        %dma_start3A_56 = arith.constant 0 : i32
        %dma_start3A_57 = tpu.memref_slice %arg2[%dma_start3A_55, %dma_start3A_56] : memref<10000x128xf32, #tpu.memory_space<hbm>> -> memref<10000x128xf32, #tpu.memory_space<hbm>>
        tpu.enqueue_indirect_dma source(%dma_start3A_57 : memref<10000x128xf32, #tpu.memory_space<hbm>>) target(%dma_start3A_51 : memref<125x128xf32, #tpu.memory_space<vmem>>) offsets(%dma_start3A_54 : memref<125xi32, #tpu.memory_space<vmem>>) semaphore(%arg9 : memref<!tpu.dma_semaphore, #tpu.memory_space<semaphore_mem>>)
        %dma_start3A_58 = arith.constant 1 : i32
        %dma_start3A_59 = arith.constant 0 : i32
        %dma_start3A_60 = arith.constant 0 : i32
        %dma_start3A_61 = tpu.memref_slice %arg8[%dma_start3A_58, %dma_start3A_59, %dma_start3A_60] : memref<2x125x128xf32, #tpu.memory_space<vmem>> -> memref<1x125x128xf32, #tpu.memory_space<vmem>>
        %dma_start3A_62 = tpu.memref_squeeze %dma_start3A_61 : memref<1x125x128xf32, #tpu.memory_space<vmem>> -> memref<125x128xf32, #tpu.memory_space<vmem>>
        %dma_start3A_63 = arith.constant 0 : i32
        %dma_start3A_64 = tpu.memref_slice %arg6[%add3A_47, %dma_start3A_63] : memref<40x125xi32, #tpu.memory_space<vmem>> -> memref<1x125xi32, #tpu.memory_space<vmem>>
        %dma_start3A_65 = tpu.memref_squeeze %dma_start3A_64 : memref<1x125xi32, #tpu.memory_space<vmem>> -> memref<125xi32, #tpu.memory_space<vmem>>
        %dma_start3A_66 = arith.constant 0 : i32
        %dma_start3A_67 = arith.constant 0 : i32
        %dma_start3A_68 = tpu.memref_slice %arg2[%dma_start3A_66, %dma_start3A_67] : memref<10000x128xf32, #tpu.memory_space<hbm>> -> memref<10000x128xf32, #tpu.memory_space<hbm>>
        tpu.enqueue_indirect_dma source(%dma_start3A_68 : memref<10000x128xf32, #tpu.memory_space<hbm>>) target(%dma_start3A_62 : memref<125x128xf32, #tpu.memory_space<vmem>>) offsets(%dma_start3A_65 : memref<125xi32, #tpu.memory_space<vmem>>) semaphore(%arg9 : memref<!tpu.dma_semaphore, #tpu.memory_space<semaphore_mem>>)
        %dma_wait3A = arith.constant 0 : i32
        %dma_wait3A_69 = arith.constant 0 : i32
        %dma_wait3A_70 = arith.constant 0 : i32
        %dma_wait3A_71 = tpu.memref_slice %arg8[%dma_wait3A, %dma_wait3A_69, %dma_wait3A_70] : memref<2x125x128xf32, #tpu.memory_space<vmem>> -> memref<1x125x128xf32, #tpu.memory_space<vmem>>
        %dma_wait3A_72 = tpu.memref_squeeze %dma_wait3A_71 : memref<1x125x128xf32, #tpu.memory_space<vmem>> -> memref<125x128xf32, #tpu.memory_space<vmem>>
        %dma_wait3A_73 = arith.constant 0 : i32
        %dma_wait3A_74 = tpu.memref_slice %arg6[%mul3A_43, %dma_wait3A_73] : memref<40x125xi32, #tpu.memory_space<vmem>> -> memref<1x125xi32, #tpu.memory_space<vmem>>
        %dma_wait3A_75 = tpu.memref_squeeze %dma_wait3A_74 : memref<1x125xi32, #tpu.memory_space<vmem>> -> memref<125xi32, #tpu.memory_space<vmem>>
        %dma_wait3A_76 = arith.constant 0 : i32
        %dma_wait3A_77 = arith.constant 0 : i32
        %dma_wait3A_78 = tpu.memref_slice %arg2[%dma_wait3A_76, %dma_wait3A_77] : memref<10000x128xf32, #tpu.memory_space<hbm>> -> memref<10000x128xf32, #tpu.memory_space<hbm>>
        tpu.wait_indirect_dma semaphore(%arg9 : memref<!tpu.dma_semaphore, #tpu.memory_space<semaphore_mem>>) src(%dma_wait3A_78 : memref<10000x128xf32, #tpu.memory_space<hbm>>) dst(%dma_wait3A_72 : memref<125x128xf32, #tpu.memory_space<vmem>>)
        %add3A_79 = arith.addi %mul3A_35, %mul3A_43 : i32
        %run_scoped3A_80 = arith.constant 0 : i32
        "tpu.region"() ({
          %run_scoped3A_94 = tpu.sem_alloc : memref<!tpu.dma_semaphore, #tpu.memory_space<semaphore_mem>>
          %dma_start3A_95 = arith.constant 0 : i32
          %dma_start3A_96 = arith.constant 0 : i32
          %dma_start3A_97 = tpu.memref_slice %arg8[%run_scoped3A_80, %dma_start3A_95, %dma_start3A_96] : memref<2x125x128xf32, #tpu.memory_space<vmem>> -> memref<1x125x128xf32, #tpu.memory_space<vmem>>
          %dma_start3A_98 = tpu.memref_squeeze %dma_start3A_97 : memref<1x125x128xf32, #tpu.memory_space<vmem>> -> memref<125x128xf32, #tpu.memory_space<vmem>>
          %dma_start3A_99 = arith.constant 0 : i32
          %dma_start3A_100 = tpu.memref_slice %arg7[%add3A_79, %dma_start3A_99] : memref<80x125xi32, #tpu.memory_space<vmem>> -> memref<1x125xi32, #tpu.memory_space<vmem>>
          %dma_start3A_101 = tpu.memref_squeeze %dma_start3A_100 : memref<1x125xi32, #tpu.memory_space<vmem>> -> memref<125xi32, #tpu.memory_space<vmem>>
          %dma_start3A_102 = arith.constant 0 : i32
          %dma_start3A_103 = arith.constant 0 : i32
          %dma_start3A_104 = tpu.memref_slice %arg10[%dma_start3A_102, %dma_start3A_103] : memref<10112x128xf32, #tpu.memory_space<vmem_shared>> -> memref<10112x128xf32, #tpu.memory_space<vmem_shared>>
          tpu.enqueue_indirect_dma source(%dma_start3A_98 : memref<125x128xf32, #tpu.memory_space<vmem>>) target(%dma_start3A_104 : memref<10112x128xf32, #tpu.memory_space<vmem_shared>>) offsets(%dma_start3A_101 : memref<125xi32, #tpu.memory_space<vmem>>) semaphore(%run_scoped3A_94 : memref<!tpu.dma_semaphore, #tpu.memory_space<semaphore_mem>>) {add = true}
          %dma_wait3A_105 = arith.constant 0 : i32
          %dma_wait3A_106 = arith.constant 0 : i32
          %dma_wait3A_107 = tpu.memref_slice %arg8[%run_scoped3A_80, %dma_wait3A_105, %dma_wait3A_106] : memref<2x125x128xf32, #tpu.memory_space<vmem>> -> memref<1x125x128xf32, #tpu.memory_space<vmem>>
          %dma_wait3A_108 = tpu.memref_squeeze %dma_wait3A_107 : memref<1x125x128xf32, #tpu.memory_space<vmem>> -> memref<125x128xf32, #tpu.memory_space<vmem>>
          %dma_wait3A_109 = arith.constant 0 : i32
          %dma_wait3A_110 = tpu.memref_slice %arg7[%add3A_79, %dma_wait3A_109] : memref<80x125xi32, #tpu.memory_space<vmem>> -> memref<1x125xi32, #tpu.memory_space<vmem>>
          %dma_wait3A_111 = tpu.memref_squeeze %dma_wait3A_110 : memref<1x125xi32, #tpu.memory_space<vmem>> -> memref<125xi32, #tpu.memory_space<vmem>>
          %dma_wait3A_112 = arith.constant 0 : i32
          %dma_wait3A_113 = arith.constant 0 : i32
          %dma_wait3A_114 = tpu.memref_slice %arg10[%dma_wait3A_112, %dma_wait3A_113] : memref<10112x128xf32, #tpu.memory_space<vmem_shared>> -> memref<10112x128xf32, #tpu.memory_space<vmem_shared>>
          tpu.wait_indirect_dma semaphore(%run_scoped3A_94 : memref<!tpu.dma_semaphore, #tpu.memory_space<semaphore_mem>>) src(%dma_wait3A_108 : memref<125x128xf32, #tpu.memory_space<vmem>>) dst(%dma_wait3A_114 : memref<10112x128xf32, #tpu.memory_space<vmem_shared>>)
          tpu.yield
        }) : () -> ()
        %dma_wait3A_81 = arith.constant 1 : i32
        %dma_wait3A_82 = arith.constant 0 : i32
        %dma_wait3A_83 = arith.constant 0 : i32
        %dma_wait3A_84 = tpu.memref_slice %arg8[%dma_wait3A_81, %dma_wait3A_82, %dma_wait3A_83] : memref<2x125x128xf32, #tpu.memory_space<vmem>> -> memref<1x125x128xf32, #tpu.memory_space<vmem>>
        %dma_wait3A_85 = tpu.memref_squeeze %dma_wait3A_84 : memref<1x125x128xf32, #tpu.memory_space<vmem>> -> memref<125x128xf32, #tpu.memory_space<vmem>>
        %dma_wait3A_86 = arith.constant 0 : i32
        %dma_wait3A_87 = tpu.memref_slice %arg6[%add3A_47, %dma_wait3A_86] : memref<40x125xi32, #tpu.memory_space<vmem>> -> memref<1x125xi32, #tpu.memory_space<vmem>>
        %dma_wait3A_88 = tpu.memref_squeeze %dma_wait3A_87 : memref<1x125xi32, #tpu.memory_space<vmem>> -> memref<125xi32, #tpu.memory_space<vmem>>
        %dma_wait3A_89 = arith.constant 0 : i32
        %dma_wait3A_90 = arith.constant 0 : i32
        %dma_wait3A_91 = tpu.memref_slice %arg2[%dma_wait3A_89, %dma_wait3A_90] : memref<10000x128xf32, #tpu.memory_space<hbm>> -> memref<10000x128xf32, #tpu.memory_space<hbm>>
        tpu.wait_indirect_dma semaphore(%arg9 : memref<!tpu.dma_semaphore, #tpu.memory_space<semaphore_mem>>) src(%dma_wait3A_91 : memref<10000x128xf32, #tpu.memory_space<hbm>>) dst(%dma_wait3A_85 : memref<125x128xf32, #tpu.memory_space<vmem>>)
        %add3A_92 = arith.addi %mul3A_35, %add3A_47 : i32
        %run_scoped3A_93 = arith.constant 1 : i32
        "tpu.region"() ({
          %run_scoped3A_94 = tpu.sem_alloc : memref<!tpu.dma_semaphore, #tpu.memory_space<semaphore_mem>>
          %dma_start3A_95 = arith.constant 0 : i32
          %dma_start3A_96 = arith.constant 0 : i32
          %dma_start3A_97 = tpu.memref_slice %arg8[%run_scoped3A_93, %dma_start3A_95, %dma_start3A_96] : memref<2x125x128xf32, #tpu.memory_space<vmem>> -> memref<1x125x128xf32, #tpu.memory_space<vmem>>
          %dma_start3A_98 = tpu.memref_squeeze %dma_start3A_97 : memref<1x125x128xf32, #tpu.memory_space<vmem>> -> memref<125x128xf32, #tpu.memory_space<vmem>>
          %dma_start3A_99 = arith.constant 0 : i32
          %dma_start3A_100 = tpu.memref_slice %arg7[%add3A_92, %dma_start3A_99] : memref<80x125xi32, #tpu.memory_space<vmem>> -> memref<1x125xi32, #tpu.memory_space<vmem>>
          %dma_start3A_101 = tpu.memref_squeeze %dma_start3A_100 : memref<1x125xi32, #tpu.memory_space<vmem>> -> memref<125xi32, #tpu.memory_space<vmem>>
          %dma_start3A_102 = arith.constant 0 : i32
          %dma_start3A_103 = arith.constant 0 : i32
          %dma_start3A_104 = tpu.memref_slice %arg10[%dma_start3A_102, %dma_start3A_103] : memref<10112x128xf32, #tpu.memory_space<vmem_shared>> -> memref<10112x128xf32, #tpu.memory_space<vmem_shared>>
          tpu.enqueue_indirect_dma source(%dma_start3A_98 : memref<125x128xf32, #tpu.memory_space<vmem>>) target(%dma_start3A_104 : memref<10112x128xf32, #tpu.memory_space<vmem_shared>>) offsets(%dma_start3A_101 : memref<125xi32, #tpu.memory_space<vmem>>) semaphore(%run_scoped3A_94 : memref<!tpu.dma_semaphore, #tpu.memory_space<semaphore_mem>>) {add = true}
          %dma_wait3A_105 = arith.constant 0 : i32
          %dma_wait3A_106 = arith.constant 0 : i32
          %dma_wait3A_107 = tpu.memref_slice %arg8[%run_scoped3A_93, %dma_wait3A_105, %dma_wait3A_106] : memref<2x125x128xf32, #tpu.memory_space<vmem>> -> memref<1x125x128xf32, #tpu.memory_space<vmem>>
          %dma_wait3A_108 = tpu.memref_squeeze %dma_wait3A_107 : memref<1x125x128xf32, #tpu.memory_space<vmem>> -> memref<125x128xf32, #tpu.memory_space<vmem>>
          %dma_wait3A_109 = arith.constant 0 : i32
          %dma_wait3A_110 = tpu.memref_slice %arg7[%add3A_92, %dma_wait3A_109] : memref<80x125xi32, #tpu.memory_space<vmem>> -> memref<1x125xi32, #tpu.memory_space<vmem>>
          %dma_wait3A_111 = tpu.memref_squeeze %dma_wait3A_110 : memref<1x125xi32, #tpu.memory_space<vmem>> -> memref<125xi32, #tpu.memory_space<vmem>>
          %dma_wait3A_112 = arith.constant 0 : i32
          %dma_wait3A_113 = arith.constant 0 : i32
          %dma_wait3A_114 = tpu.memref_slice %arg10[%dma_wait3A_112, %dma_wait3A_113] : memref<10112x128xf32, #tpu.memory_space<vmem_shared>> -> memref<10112x128xf32, #tpu.memory_space<vmem_shared>>
          tpu.wait_indirect_dma semaphore(%run_scoped3A_94 : memref<!tpu.dma_semaphore, #tpu.memory_space<semaphore_mem>>) src(%dma_wait3A_108 : memref<125x128xf32, #tpu.memory_space<vmem>>) dst(%dma_wait3A_114 : memref<10112x128xf32, #tpu.memory_space<vmem_shared>>)
          tpu.yield
        }) : () -> ()
      }
      %scan3A_40 = arith.constant 20 : i32
    }
    %scan3A_31 = arith.constant 2 : i32
    %barrier3A_32 = arith.constant 0 : index
    tpu.barrier barrier_id(%barrier3A_32)
    "tpu.region"() ({
      %run_scoped3A_33 = tpu.sem_alloc : memref<!tpu.dma_semaphore, #tpu.memory_space<semaphore_mem>>
      %dma_start3A = arith.constant 0 : i32
      %dma_start3A_34 = tpu.memref_slice %arg5[%arg0, %mul3A_8, %dma_start3A] : memref<2x10112x128xf32, #tpu.memory_space<hbm>> -> memref<1x632x128xf32, #tpu.memory_space<hbm>>
      %dma_start3A_35 = tpu.memref_squeeze %dma_start3A_34 : memref<1x632x128xf32, #tpu.memory_space<hbm>> -> memref<632x128xf32, #tpu.memory_space<hbm>>
      %dma_start3A_36 = arith.constant 0 : i32
      %dma_start3A_37 = tpu.memref_slice %arg10[%mul3A_8, %dma_start3A_36] : memref<10112x128xf32, #tpu.memory_space<vmem_shared>> -> memref<632x128xf32, #tpu.memory_space<vmem_shared>>
      tpu.enqueue_dma source(%dma_start3A_37 : memref<632x128xf32, #tpu.memory_space<vmem_shared>>) target(%dma_start3A_35 : memref<632x128xf32, #tpu.memory_space<hbm>>) target_semaphore(%run_scoped3A_33 : memref<!tpu.dma_semaphore, #tpu.memory_space<semaphore_mem>>)
      %dma_wait3A = arith.constant 0 : i32
      %dma_wait3A_38 = tpu.memref_slice %arg5[%arg0, %mul3A_8, %dma_wait3A] : memref<2x10112x128xf32, #tpu.memory_space<hbm>> -> memref<1x632x128xf32, #tpu.memory_space<hbm>>
      %dma_wait3A_39 = tpu.memref_squeeze %dma_wait3A_38 : memref<1x632x128xf32, #tpu.memory_space<hbm>> -> memref<632x128xf32, #tpu.memory_space<hbm>>
      %dma_wait3A_40 = arith.constant 0 : i32
      %dma_wait3A_41 = tpu.memref_slice %arg10[%mul3A_8, %dma_wait3A_40] : memref<10112x128xf32, #tpu.memory_space<vmem_shared>> -> memref<632x128xf32, #tpu.memory_space<vmem_shared>>
      tpu.wait_dma2 semaphore(%run_scoped3A_33 : memref<!tpu.dma_semaphore, #tpu.memory_space<semaphore_mem>>) src(%dma_wait3A_41 : memref<632x128xf32, #tpu.memory_space<vmem_shared>>) dst(%dma_wait3A_39 : memref<632x128xf32, #tpu.memory_space<hbm>>)
      tpu.yield
    }) : () -> ()
    return
  }
}

#map = affine_map<(d0, d1) -> (0, 0)>
#map1 = affine_map<(d0, d1) -> (0)>
module attributes {stable_mosaic.version = 14 : i64} {
  func.func @_dinv_body(%arg0: i32, %arg1: i32, %arg2: memref<16x20000xi32, #tpu.memory_space<hbm>>, %arg3: memref<16384xf32, #tpu.memory_space<hbm>>, %arg4: memref<20000xi32, #tpu.memory_space<vmem>>, %arg5: memref<16384xf32, #tpu.memory_space<vmem>>, %arg6: memref<16x1024xf32, #tpu.memory_space<vmem>>, %arg7: memref<16x16384xf32, #tpu.memory_space<vmem_shared>>) attributes {dimension_semantics = [#tpu.dimension_semantics<core_parallel>, #tpu.dimension_semantics<subcore_parallel>], iteration_bounds = array<i64: 1, 16>, scalar_prefetch = 0 : i64, scratch_operands = 4 : i64, tpu.core_type = #tpu.core_type<sc_vector_subcore>, window_params = [{transform_indices = #map}, {transform_indices = #map1}]} {
    %broadcast_in_dim3A = arith.constant 0.000000e+00 : f32
    %broadcast_in_dim3A_0 = vector.broadcast %broadcast_in_dim3A : f32 to vector<16xf32>
    %scan3A = arith.constant 0 : i32
    %scan3A_1 = arith.constant 0 : i32
    %scan3A_2 = arith.constant 1024 : i32
    %scan3A_3 = arith.addi %scan3A_1, %scan3A_2 : i32
    %scan3A_4 = arith.constant 1 : i32
    scf.for %scan3A_52 = %scan3A_1 to %scan3A_3 step %scan3A_4  : i32 {
      %mul3A_53 = arith.constant 16 : i32
      %mul3A_54 = arith.muli %scan3A_52, %mul3A_53 : i32
      %swap3A = arith.index_cast %mul3A_54 : i32 to index
      %swap3A_55 = tpu.vector_load %arg5[%swap3A] {strides = array<i32>} : memref<16384xf32, #tpu.memory_space<vmem>>, vector<16xf32>,
      tpu.vector_store %arg5[%swap3A], %broadcast_in_dim3A_0 {strides = array<i32>} : memref<16384xf32, #tpu.memory_space<vmem>>, vector<16xf32>,
    }
    %scan3A_5 = arith.constant 1024 : i32
    "tpu.region"() ({
      %run_scoped3A_52 = tpu.sem_alloc : memref<!tpu.dma_semaphore, #tpu.memory_space<semaphore_mem>>
      %dma_start3A = arith.constant 0 : i32
      %dma_start3A_53 = tpu.memref_slice %arg2[%arg1, %dma_start3A] : memref<16x20000xi32, #tpu.memory_space<hbm>> -> memref<1x20000xi32, #tpu.memory_space<hbm>>
      %dma_start3A_54 = tpu.memref_squeeze %dma_start3A_53 : memref<1x20000xi32, #tpu.memory_space<hbm>> -> memref<20000xi32, #tpu.memory_space<hbm>>
      %dma_start3A_55 = arith.constant 0 : i32
      %dma_start3A_56 = tpu.memref_slice %arg2[%arg1, %dma_start3A_55] : memref<16x20000xi32, #tpu.memory_space<hbm>> -> memref<1x20000xi32, #tpu.memory_space<hbm>>
      %dma_start3A_57 = tpu.memref_squeeze %dma_start3A_56 : memref<1x20000xi32, #tpu.memory_space<hbm>> -> memref<20000xi32, #tpu.memory_space<hbm>>
      tpu.enqueue_dma source(%dma_start3A_57 : memref<20000xi32, #tpu.memory_space<hbm>>) target(%arg4 : memref<20000xi32, #tpu.memory_space<vmem>>) target_semaphore(%run_scoped3A_52 : memref<!tpu.dma_semaphore, #tpu.memory_space<semaphore_mem>>)
      %dma_wait3A = arith.constant 0 : i32
      %dma_wait3A_58 = tpu.memref_slice %arg2[%arg1, %dma_wait3A] : memref<16x20000xi32, #tpu.memory_space<hbm>> -> memref<1x20000xi32, #tpu.memory_space<hbm>>
      %dma_wait3A_59 = tpu.memref_squeeze %dma_wait3A_58 : memref<1x20000xi32, #tpu.memory_space<hbm>> -> memref<20000xi32, #tpu.memory_space<hbm>>
      %dma_wait3A_60 = arith.constant 0 : i32
      %dma_wait3A_61 = tpu.memref_slice %arg2[%arg1, %dma_wait3A_60] : memref<16x20000xi32, #tpu.memory_space<hbm>> -> memref<1x20000xi32, #tpu.memory_space<hbm>>
      %dma_wait3A_62 = tpu.memref_squeeze %dma_wait3A_61 : memref<1x20000xi32, #tpu.memory_space<hbm>> -> memref<20000xi32, #tpu.memory_space<hbm>>
      tpu.wait_dma2 semaphore(%run_scoped3A_52 : memref<!tpu.dma_semaphore, #tpu.memory_space<semaphore_mem>>) src(%dma_wait3A_62 : memref<20000xi32, #tpu.memory_space<hbm>>) dst(%arg4 : memref<20000xi32, #tpu.memory_space<vmem>>)
      tpu.yield
    }) : () -> ()
    %broadcast_in_dim3A_6 = arith.constant 1.000000e+00 : f32
    %broadcast_in_dim3A_7 = vector.broadcast %broadcast_in_dim3A_6 : f32 to vector<16xf32>
    %scan3A_8 = arith.constant 0 : i32
    %scan3A_9 = arith.constant 0 : i32
    %scan3A_10 = arith.constant 1250 : i32
    %scan3A_11 = arith.addi %scan3A_9, %scan3A_10 : i32
    %scan3A_12 = arith.constant 1 : i32
    scf.for %scan3A_52 = %scan3A_9 to %scan3A_11 step %scan3A_12  : i32 {
      %mul3A_53 = arith.constant 16 : i32
      %mul3A_54 = arith.muli %scan3A_52, %mul3A_53 : i32
      %get3A = arith.index_cast %mul3A_54 : i32 to index
      %get3A_55 = tpu.vector_load %arg4[%get3A] {strides = array<i32>} : memref<20000xi32, #tpu.memory_space<vmem>>, vector<16xi32>,
      tpu.vector_store_idx %arg5[%get3A_55], %broadcast_in_dim3A_7 {add = true} : memref<16384xf32, #tpu.memory_space<vmem>>[vector<16xi32>], vector<16xf32>,
    }
    %scan3A_13 = arith.constant 1250 : i32
    "tpu.region"() ({
      %run_scoped3A_52 = tpu.sem_alloc : memref<!tpu.dma_semaphore, #tpu.memory_space<semaphore_mem>>
      %dma_start3A = arith.constant 0 : i32
      %dma_start3A_53 = tpu.memref_slice %arg7[%arg1, %dma_start3A] : memref<16x16384xf32, #tpu.memory_space<vmem_shared>> -> memref<1x16384xf32, #tpu.memory_space<vmem_shared>>
      %dma_start3A_54 = tpu.memref_squeeze %dma_start3A_53 : memref<1x16384xf32, #tpu.memory_space<vmem_shared>> -> memref<16384xf32, #tpu.memory_space<vmem_shared>>
      %dma_start3A_55 = arith.constant 0 : i32
      %dma_start3A_56 = tpu.memref_slice %arg7[%arg1, %dma_start3A_55] : memref<16x16384xf32, #tpu.memory_space<vmem_shared>> -> memref<1x16384xf32, #tpu.memory_space<vmem_shared>>
      %dma_start3A_57 = tpu.memref_squeeze %dma_start3A_56 : memref<1x16384xf32, #tpu.memory_space<vmem_shared>> -> memref<16384xf32, #tpu.memory_space<vmem_shared>>
      tpu.enqueue_dma source(%arg5 : memref<16384xf32, #tpu.memory_space<vmem>>) target(%dma_start3A_57 : memref<16384xf32, #tpu.memory_space<vmem_shared>>) target_semaphore(%run_scoped3A_52 : memref<!tpu.dma_semaphore, #tpu.memory_space<semaphore_mem>>)
      %dma_wait3A = arith.constant 0 : i32
      %dma_wait3A_58 = tpu.memref_slice %arg7[%arg1, %dma_wait3A] : memref<16x16384xf32, #tpu.memory_space<vmem_shared>> -> memref<1x16384xf32, #tpu.memory_space<vmem_shared>>
      %dma_wait3A_59 = tpu.memref_squeeze %dma_wait3A_58 : memref<1x16384xf32, #tpu.memory_space<vmem_shared>> -> memref<16384xf32, #tpu.memory_space<vmem_shared>>
      %dma_wait3A_60 = arith.constant 0 : i32
      %dma_wait3A_61 = tpu.memref_slice %arg7[%arg1, %dma_wait3A_60] : memref<16x16384xf32, #tpu.memory_space<vmem_shared>> -> memref<1x16384xf32, #tpu.memory_space<vmem_shared>>
      %dma_wait3A_62 = tpu.memref_squeeze %dma_wait3A_61 : memref<1x16384xf32, #tpu.memory_space<vmem_shared>> -> memref<16384xf32, #tpu.memory_space<vmem_shared>>
      tpu.wait_dma2 semaphore(%run_scoped3A_52 : memref<!tpu.dma_semaphore, #tpu.memory_space<semaphore_mem>>) src(%arg5 : memref<16384xf32, #tpu.memory_space<vmem>>) dst(%dma_wait3A_62 : memref<16384xf32, #tpu.memory_space<vmem_shared>>)
      tpu.yield
    }) : () -> ()
    %barrier3A = arith.constant 0 : index
    tpu.barrier barrier_id(%barrier3A)
    %mul3A = arith.constant 1024 : i32
    %mul3A_14 = arith.muli %arg1, %mul3A : i32
    %run_scoped3A = arith.constant 0 : i32
    %run_scoped3A_15 = arith.constant 0 : i32
    "tpu.region"() ({
      %run_scoped3A_52 = tpu.sem_alloc : memref<!tpu.dma_semaphore, #tpu.memory_space<semaphore_mem>>
      %dma_start3A = arith.constant 0 : i32
      %dma_start3A_53 = tpu.memref_slice %arg6[%run_scoped3A_15, %dma_start3A] : memref<16x1024xf32, #tpu.memory_space<vmem>> -> memref<1x1024xf32, #tpu.memory_space<vmem>>
      %dma_start3A_54 = tpu.memref_squeeze %dma_start3A_53 : memref<1x1024xf32, #tpu.memory_space<vmem>> -> memref<1024xf32, #tpu.memory_space<vmem>>
      %dma_start3A_55 = tpu.memref_slice %arg7[%run_scoped3A, %mul3A_14] : memref<16x16384xf32, #tpu.memory_space<vmem_shared>> -> memref<1x1024xf32, #tpu.memory_space<vmem_shared>>
      %dma_start3A_56 = tpu.memref_squeeze %dma_start3A_55 : memref<1x1024xf32, #tpu.memory_space<vmem_shared>> -> memref<1024xf32, #tpu.memory_space<vmem_shared>>
      %dma_start3A_57 = arith.constant 0 : i32
      %dma_start3A_58 = tpu.memref_slice %arg6[%run_scoped3A_15, %dma_start3A_57] : memref<16x1024xf32, #tpu.memory_space<vmem>> -> memref<1x1024xf32, #tpu.memory_space<vmem>>
      %dma_start3A_59 = tpu.memref_squeeze %dma_start3A_58 : memref<1x1024xf32, #tpu.memory_space<vmem>> -> memref<1024xf32, #tpu.memory_space<vmem>>
      %dma_start3A_60 = tpu.memref_slice %arg7[%run_scoped3A, %mul3A_14] : memref<16x16384xf32, #tpu.memory_space<vmem_shared>> -> memref<1x1024xf32, #tpu.memory_space<vmem_shared>>
      %dma_start3A_61 = tpu.memref_squeeze %dma_start3A_60 : memref<1x1024xf32, #tpu.memory_space<vmem_shared>> -> memref<1024xf32, #tpu.memory_space<vmem_shared>>
      tpu.enqueue_dma source(%dma_start3A_61 : memref<1024xf32, #tpu.memory_space<vmem_shared>>) target(%dma_start3A_59 : memref<1024xf32, #tpu.memory_space<vmem>>) target_semaphore(%run_scoped3A_52 : memref<!tpu.dma_semaphore, #tpu.memory_space<semaphore_mem>>)
      %dma_wait3A = arith.constant 0 : i32
      %dma_wait3A_62 = tpu.memref_slice %arg6[%run_scoped3A_15, %dma_wait3A] : memref<16x1024xf32, #tpu.memory_space<vmem>> -> memref<1x1024xf32, #tpu.memory_space<vmem>>
      %dma_wait3A_63 = tpu.memref_squeeze %dma_wait3A_62 : memref<1x1024xf32, #tpu.memory_space<vmem>> -> memref<1024xf32, #tpu.memory_space<vmem>>
      %dma_wait3A_64 = tpu.memref_slice %arg7[%run_scoped3A, %mul3A_14] : memref<16x16384xf32, #tpu.memory_space<vmem_shared>> -> memref<1x1024xf32, #tpu.memory_space<vmem_shared>>
      %dma_wait3A_65 = tpu.memref_squeeze %dma_wait3A_64 : memref<1x1024xf32, #tpu.memory_space<vmem_shared>> -> memref<1024xf32, #tpu.memory_space<vmem_shared>>
      %dma_wait3A_66 = arith.constant 0 : i32
      %dma_wait3A_67 = tpu.memref_slice %arg6[%run_scoped3A_15, %dma_wait3A_66] : memref<16x1024xf32, #tpu.memory_space<vmem>> -> memref<1x1024xf32, #tpu.memory_space<vmem>>
      %dma_wait3A_68 = tpu.memref_squeeze %dma_wait3A_67 : memref<1x1024xf32, #tpu.memory_space<vmem>> -> memref<1024xf32, #tpu.memory_space<vmem>>
      %dma_wait3A_69 = tpu.memref_slice %arg7[%run_scoped3A, %mul3A_14] : memref<16x16384xf32, #tpu.memory_space<vmem_shared>> -> memref<1x1024xf32, #tpu.memory_space<vmem_shared>>
      %dma_wait3A_70 = tpu.memref_squeeze %dma_wait3A_69 : memref<1x1024xf32, #tpu.memory_space<vmem_shared>> -> memref<1024xf32, #tpu.memory_space<vmem_shared>>
      tpu.wait_dma2 semaphore(%run_scoped3A_52 : memref<!tpu.dma_semaphore, #tpu.memory_space<semaphore_mem>>) src(%dma_wait3A_70 : memref<1024xf32, #tpu.memory_space<vmem_shared>>) dst(%dma_wait3A_68 : memref<1024xf32, #tpu.memory_space<vmem>>)
      tpu.yield
    }) : () -> ()
    %run_scoped3A_16 = arith.constant 1 : i32
    %run_scoped3A_17 = arith.constant 1 : i32
    "tpu.region"() ({
      %run_scoped3A_52 = tpu.sem_alloc : memref<!tpu.dma_semaphore, #tpu.memory_space<semaphore_mem>>
      %dma_start3A = arith.constant 0 : i32
      %dma_start3A_53 = tpu.memref_slice %arg6[%run_scoped3A_17, %dma_start3A] : memref<16x1024xf32, #tpu.memory_space<vmem>> -> memref<1x1024xf32, #tpu.memory_space<vmem>>
      %dma_start3A_54 = tpu.memref_squeeze %dma_start3A_53 : memref<1x1024xf32, #tpu.memory_space<vmem>> -> memref<1024xf32, #tpu.memory_space<vmem>>
      %dma_start3A_55 = tpu.memref_slice %arg7[%run_scoped3A_16, %mul3A_14] : memref<16x16384xf32, #tpu.memory_space<vmem_shared>> -> memref<1x1024xf32, #tpu.memory_space<vmem_shared>>
      %dma_start3A_56 = tpu.memref_squeeze %dma_start3A_55 : memref<1x1024xf32, #tpu.memory_space<vmem_shared>> -> memref<1024xf32, #tpu.memory_space<vmem_shared>>
      %dma_start3A_57 = arith.constant 0 : i32
      %dma_start3A_58 = tpu.memref_slice %arg6[%run_scoped3A_17, %dma_start3A_57] : memref<16x1024xf32, #tpu.memory_space<vmem>> -> memref<1x1024xf32, #tpu.memory_space<vmem>>
      %dma_start3A_59 = tpu.memref_squeeze %dma_start3A_58 : memref<1x1024xf32, #tpu.memory_space<vmem>> -> memref<1024xf32, #tpu.memory_space<vmem>>
      %dma_start3A_60 = tpu.memref_slice %arg7[%run_scoped3A_16, %mul3A_14] : memref<16x16384xf32, #tpu.memory_space<vmem_shared>> -> memref<1x1024xf32, #tpu.memory_space<vmem_shared>>
      %dma_start3A_61 = tpu.memref_squeeze %dma_start3A_60 : memref<1x1024xf32, #tpu.memory_space<vmem_shared>> -> memref<1024xf32, #tpu.memory_space<vmem_shared>>
      tpu.enqueue_dma source(%dma_start3A_61 : memref<1024xf32, #tpu.memory_space<vmem_shared>>) target(%dma_start3A_59 : memref<1024xf32, #tpu.memory_space<vmem>>) target_semaphore(%run_scoped3A_52 : memref<!tpu.dma_semaphore, #tpu.memory_space<semaphore_mem>>)
      %dma_wait3A = arith.constant 0 : i32
      %dma_wait3A_62 = tpu.memref_slice %arg6[%run_scoped3A_17, %dma_wait3A] : memref<16x1024xf32, #tpu.memory_space<vmem>> -> memref<1x1024xf32, #tpu.memory_space<vmem>>
      %dma_wait3A_63 = tpu.memref_squeeze %dma_wait3A_62 : memref<1x1024xf32, #tpu.memory_space<vmem>> -> memref<1024xf32, #tpu.memory_space<vmem>>
      %dma_wait3A_64 = tpu.memref_slice %arg7[%run_scoped3A_16, %mul3A_14] : memref<16x16384xf32, #tpu.memory_space<vmem_shared>> -> memref<1x1024xf32, #tpu.memory_space<vmem_shared>>
      %dma_wait3A_65 = tpu.memref_squeeze %dma_wait3A_64 : memref<1x1024xf32, #tpu.memory_space<vmem_shared>> -> memref<1024xf32, #tpu.memory_space<vmem_shared>>
      %dma_wait3A_66 = arith.constant 0 : i32
      %dma_wait3A_67 = tpu.memref_slice %arg6[%run_scoped3A_17, %dma_wait3A_66] : memref<16x1024xf32, #tpu.memory_space<vmem>> -> memref<1x1024xf32, #tpu.memory_space<vmem>>
      %dma_wait3A_68 = tpu.memref_squeeze %dma_wait3A_67 : memref<1x1024xf32, #tpu.memory_space<vmem>> -> memref<1024xf32, #tpu.memory_space<vmem>>
      %dma_wait3A_69 = tpu.memref_slice %arg7[%run_scoped3A_16, %mul3A_14] : memref<16x16384xf32, #tpu.memory_space<vmem_shared>> -> memref<1x1024xf32, #tpu.memory_space<vmem_shared>>
      %dma_wait3A_70 = tpu.memref_squeeze %dma_wait3A_69 : memref<1x1024xf32, #tpu.memory_space<vmem_shared>> -> memref<1024xf32, #tpu.memory_space<vmem_shared>>
      tpu.wait_dma2 semaphore(%run_scoped3A_52 : memref<!tpu.dma_semaphore, #tpu.memory_space<semaphore_mem>>) src(%dma_wait3A_70 : memref<1024xf32, #tpu.memory_space<vmem_shared>>) dst(%dma_wait3A_68 : memref<1024xf32, #tpu.memory_space<vmem>>)
      tpu.yield
    }) : () -> ()
    %run_scoped3A_18 = arith.constant 2 : i32
    %run_scoped3A_19 = arith.constant 2 : i32
    "tpu.region"() ({
      %run_scoped3A_52 = tpu.sem_alloc : memref<!tpu.dma_semaphore, #tpu.memory_space<semaphore_mem>>
      %dma_start3A = arith.constant 0 : i32
      %dma_start3A_53 = tpu.memref_slice %arg6[%run_scoped3A_19, %dma_start3A] : memref<16x1024xf32, #tpu.memory_space<vmem>> -> memref<1x1024xf32, #tpu.memory_space<vmem>>
      %dma_start3A_54 = tpu.memref_squeeze %dma_start3A_53 : memref<1x1024xf32, #tpu.memory_space<vmem>> -> memref<1024xf32, #tpu.memory_space<vmem>>
      %dma_start3A_55 = tpu.memref_slice %arg7[%run_scoped3A_18, %mul3A_14] : memref<16x16384xf32, #tpu.memory_space<vmem_shared>> -> memref<1x1024xf32, #tpu.memory_space<vmem_shared>>
      %dma_start3A_56 = tpu.memref_squeeze %dma_start3A_55 : memref<1x1024xf32, #tpu.memory_space<vmem_shared>> -> memref<1024xf32, #tpu.memory_space<vmem_shared>>
      %dma_start3A_57 = arith.constant 0 : i32
      %dma_start3A_58 = tpu.memref_slice %arg6[%run_scoped3A_19, %dma_start3A_57] : memref<16x1024xf32, #tpu.memory_space<vmem>> -> memref<1x1024xf32, #tpu.memory_space<vmem>>
      %dma_start3A_59 = tpu.memref_squeeze %dma_start3A_58 : memref<1x1024xf32, #tpu.memory_space<vmem>> -> memref<1024xf32, #tpu.memory_space<vmem>>
      %dma_start3A_60 = tpu.memref_slice %arg7[%run_scoped3A_18, %mul3A_14] : memref<16x16384xf32, #tpu.memory_space<vmem_shared>> -> memref<1x1024xf32, #tpu.memory_space<vmem_shared>>
      %dma_start3A_61 = tpu.memref_squeeze %dma_start3A_60 : memref<1x1024xf32, #tpu.memory_space<vmem_shared>> -> memref<1024xf32, #tpu.memory_space<vmem_shared>>
      tpu.enqueue_dma source(%dma_start3A_61 : memref<1024xf32, #tpu.memory_space<vmem_shared>>) target(%dma_start3A_59 : memref<1024xf32, #tpu.memory_space<vmem>>) target_semaphore(%run_scoped3A_52 : memref<!tpu.dma_semaphore, #tpu.memory_space<semaphore_mem>>)
      %dma_wait3A = arith.constant 0 : i32
      %dma_wait3A_62 = tpu.memref_slice %arg6[%run_scoped3A_19, %dma_wait3A] : memref<16x1024xf32, #tpu.memory_space<vmem>> -> memref<1x1024xf32, #tpu.memory_space<vmem>>
      %dma_wait3A_63 = tpu.memref_squeeze %dma_wait3A_62 : memref<1x1024xf32, #tpu.memory_space<vmem>> -> memref<1024xf32, #tpu.memory_space<vmem>>
      %dma_wait3A_64 = tpu.memref_slice %arg7[%run_scoped3A_18, %mul3A_14] : memref<16x16384xf32, #tpu.memory_space<vmem_shared>> -> memref<1x1024xf32, #tpu.memory_space<vmem_shared>>
      %dma_wait3A_65 = tpu.memref_squeeze %dma_wait3A_64 : memref<1x1024xf32, #tpu.memory_space<vmem_shared>> -> memref<1024xf32, #tpu.memory_space<vmem_shared>>
      %dma_wait3A_66 = arith.constant 0 : i32
      %dma_wait3A_67 = tpu.memref_slice %arg6[%run_scoped3A_19, %dma_wait3A_66] : memref<16x1024xf32, #tpu.memory_space<vmem>> -> memref<1x1024xf32, #tpu.memory_space<vmem>>
      %dma_wait3A_68 = tpu.memref_squeeze %dma_wait3A_67 : memref<1x1024xf32, #tpu.memory_space<vmem>> -> memref<1024xf32, #tpu.memory_space<vmem>>
      %dma_wait3A_69 = tpu.memref_slice %arg7[%run_scoped3A_18, %mul3A_14] : memref<16x16384xf32, #tpu.memory_space<vmem_shared>> -> memref<1x1024xf32, #tpu.memory_space<vmem_shared>>
      %dma_wait3A_70 = tpu.memref_squeeze %dma_wait3A_69 : memref<1x1024xf32, #tpu.memory_space<vmem_shared>> -> memref<1024xf32, #tpu.memory_space<vmem_shared>>
      tpu.wait_dma2 semaphore(%run_scoped3A_52 : memref<!tpu.dma_semaphore, #tpu.memory_space<semaphore_mem>>) src(%dma_wait3A_70 : memref<1024xf32, #tpu.memory_space<vmem_shared>>) dst(%dma_wait3A_68 : memref<1024xf32, #tpu.memory_space<vmem>>)
      tpu.yield
    }) : () -> ()
    %run_scoped3A_20 = arith.constant 3 : i32
    %run_scoped3A_21 = arith.constant 3 : i32
    "tpu.region"() ({
      %run_scoped3A_52 = tpu.sem_alloc : memref<!tpu.dma_semaphore, #tpu.memory_space<semaphore_mem>>
      %dma_start3A = arith.constant 0 : i32
      %dma_start3A_53 = tpu.memref_slice %arg6[%run_scoped3A_21, %dma_start3A] : memref<16x1024xf32, #tpu.memory_space<vmem>> -> memref<1x1024xf32, #tpu.memory_space<vmem>>
      %dma_start3A_54 = tpu.memref_squeeze %dma_start3A_53 : memref<1x1024xf32, #tpu.memory_space<vmem>> -> memref<1024xf32, #tpu.memory_space<vmem>>
      %dma_start3A_55 = tpu.memref_slice %arg7[%run_scoped3A_20, %mul3A_14] : memref<16x16384xf32, #tpu.memory_space<vmem_shared>> -> memref<1x1024xf32, #tpu.memory_space<vmem_shared>>
      %dma_start3A_56 = tpu.memref_squeeze %dma_start3A_55 : memref<1x1024xf32, #tpu.memory_space<vmem_shared>> -> memref<1024xf32, #tpu.memory_space<vmem_shared>>
      %dma_start3A_57 = arith.constant 0 : i32
      %dma_start3A_58 = tpu.memref_slice %arg6[%run_scoped3A_21, %dma_start3A_57] : memref<16x1024xf32, #tpu.memory_space<vmem>> -> memref<1x1024xf32, #tpu.memory_space<vmem>>
      %dma_start3A_59 = tpu.memref_squeeze %dma_start3A_58 : memref<1x1024xf32, #tpu.memory_space<vmem>> -> memref<1024xf32, #tpu.memory_space<vmem>>
      %dma_start3A_60 = tpu.memref_slice %arg7[%run_scoped3A_20, %mul3A_14] : memref<16x16384xf32, #tpu.memory_space<vmem_shared>> -> memref<1x1024xf32, #tpu.memory_space<vmem_shared>>
      %dma_start3A_61 = tpu.memref_squeeze %dma_start3A_60 : memref<1x1024xf32, #tpu.memory_space<vmem_shared>> -> memref<1024xf32, #tpu.memory_space<vmem_shared>>
      tpu.enqueue_dma source(%dma_start3A_61 : memref<1024xf32, #tpu.memory_space<vmem_shared>>) target(%dma_start3A_59 : memref<1024xf32, #tpu.memory_space<vmem>>) target_semaphore(%run_scoped3A_52 : memref<!tpu.dma_semaphore, #tpu.memory_space<semaphore_mem>>)
      %dma_wait3A = arith.constant 0 : i32
      %dma_wait3A_62 = tpu.memref_slice %arg6[%run_scoped3A_21, %dma_wait3A] : memref<16x1024xf32, #tpu.memory_space<vmem>> -> memref<1x1024xf32, #tpu.memory_space<vmem>>
      %dma_wait3A_63 = tpu.memref_squeeze %dma_wait3A_62 : memref<1x1024xf32, #tpu.memory_space<vmem>> -> memref<1024xf32, #tpu.memory_space<vmem>>
      %dma_wait3A_64 = tpu.memref_slice %arg7[%run_scoped3A_20, %mul3A_14] : memref<16x16384xf32, #tpu.memory_space<vmem_shared>> -> memref<1x1024xf32, #tpu.memory_space<vmem_shared>>
      %dma_wait3A_65 = tpu.memref_squeeze %dma_wait3A_64 : memref<1x1024xf32, #tpu.memory_space<vmem_shared>> -> memref<1024xf32, #tpu.memory_space<vmem_shared>>
      %dma_wait3A_66 = arith.constant 0 : i32
      %dma_wait3A_67 = tpu.memref_slice %arg6[%run_scoped3A_21, %dma_wait3A_66] : memref<16x1024xf32, #tpu.memory_space<vmem>> -> memref<1x1024xf32, #tpu.memory_space<vmem>>
      %dma_wait3A_68 = tpu.memref_squeeze %dma_wait3A_67 : memref<1x1024xf32, #tpu.memory_space<vmem>> -> memref<1024xf32, #tpu.memory_space<vmem>>
      %dma_wait3A_69 = tpu.memref_slice %arg7[%run_scoped3A_20, %mul3A_14] : memref<16x16384xf32, #tpu.memory_space<vmem_shared>> -> memref<1x1024xf32, #tpu.memory_space<vmem_shared>>
      %dma_wait3A_70 = tpu.memref_squeeze %dma_wait3A_69 : memref<1x1024xf32, #tpu.memory_space<vmem_shared>> -> memref<1024xf32, #tpu.memory_space<vmem_shared>>
      tpu.wait_dma2 semaphore(%run_scoped3A_52 : memref<!tpu.dma_semaphore, #tpu.memory_space<semaphore_mem>>) src(%dma_wait3A_70 : memref<1024xf32, #tpu.memory_space<vmem_shared>>) dst(%dma_wait3A_68 : memref<1024xf32, #tpu.memory_space<vmem>>)
      tpu.yield
    }) : () -> ()
    %run_scoped3A_22 = arith.constant 4 : i32
    %run_scoped3A_23 = arith.constant 4 : i32
    "tpu.region"() ({
      %run_scoped3A_52 = tpu.sem_alloc : memref<!tpu.dma_semaphore, #tpu.memory_space<semaphore_mem>>
      %dma_start3A = arith.constant 0 : i32
      %dma_start3A_53 = tpu.memref_slice %arg6[%run_scoped3A_23, %dma_start3A] : memref<16x1024xf32, #tpu.memory_space<vmem>> -> memref<1x1024xf32, #tpu.memory_space<vmem>>
      %dma_start3A_54 = tpu.memref_squeeze %dma_start3A_53 : memref<1x1024xf32, #tpu.memory_space<vmem>> -> memref<1024xf32, #tpu.memory_space<vmem>>
      %dma_start3A_55 = tpu.memref_slice %arg7[%run_scoped3A_22, %mul3A_14] : memref<16x16384xf32, #tpu.memory_space<vmem_shared>> -> memref<1x1024xf32, #tpu.memory_space<vmem_shared>>
      %dma_start3A_56 = tpu.memref_squeeze %dma_start3A_55 : memref<1x1024xf32, #tpu.memory_space<vmem_shared>> -> memref<1024xf32, #tpu.memory_space<vmem_shared>>
      %dma_start3A_57 = arith.constant 0 : i32
      %dma_start3A_58 = tpu.memref_slice %arg6[%run_scoped3A_23, %dma_start3A_57] : memref<16x1024xf32, #tpu.memory_space<vmem>> -> memref<1x1024xf32, #tpu.memory_space<vmem>>
      %dma_start3A_59 = tpu.memref_squeeze %dma_start3A_58 : memref<1x1024xf32, #tpu.memory_space<vmem>> -> memref<1024xf32, #tpu.memory_space<vmem>>
      %dma_start3A_60 = tpu.memref_slice %arg7[%run_scoped3A_22, %mul3A_14] : memref<16x16384xf32, #tpu.memory_space<vmem_shared>> -> memref<1x1024xf32, #tpu.memory_space<vmem_shared>>
      %dma_start3A_61 = tpu.memref_squeeze %dma_start3A_60 : memref<1x1024xf32, #tpu.memory_space<vmem_shared>> -> memref<1024xf32, #tpu.memory_space<vmem_shared>>
      tpu.enqueue_dma source(%dma_start3A_61 : memref<1024xf32, #tpu.memory_space<vmem_shared>>) target(%dma_start3A_59 : memref<1024xf32, #tpu.memory_space<vmem>>) target_semaphore(%run_scoped3A_52 : memref<!tpu.dma_semaphore, #tpu.memory_space<semaphore_mem>>)
      %dma_wait3A = arith.constant 0 : i32
      %dma_wait3A_62 = tpu.memref_slice %arg6[%run_scoped3A_23, %dma_wait3A] : memref<16x1024xf32, #tpu.memory_space<vmem>> -> memref<1x1024xf32, #tpu.memory_space<vmem>>
      %dma_wait3A_63 = tpu.memref_squeeze %dma_wait3A_62 : memref<1x1024xf32, #tpu.memory_space<vmem>> -> memref<1024xf32, #tpu.memory_space<vmem>>
      %dma_wait3A_64 = tpu.memref_slice %arg7[%run_scoped3A_22, %mul3A_14] : memref<16x16384xf32, #tpu.memory_space<vmem_shared>> -> memref<1x1024xf32, #tpu.memory_space<vmem_shared>>
      %dma_wait3A_65 = tpu.memref_squeeze %dma_wait3A_64 : memref<1x1024xf32, #tpu.memory_space<vmem_shared>> -> memref<1024xf32, #tpu.memory_space<vmem_shared>>
      %dma_wait3A_66 = arith.constant 0 : i32
      %dma_wait3A_67 = tpu.memref_slice %arg6[%run_scoped3A_23, %dma_wait3A_66] : memref<16x1024xf32, #tpu.memory_space<vmem>> -> memref<1x1024xf32, #tpu.memory_space<vmem>>
      %dma_wait3A_68 = tpu.memref_squeeze %dma_wait3A_67 : memref<1x1024xf32, #tpu.memory_space<vmem>> -> memref<1024xf32, #tpu.memory_space<vmem>>
      %dma_wait3A_69 = tpu.memref_slice %arg7[%run_scoped3A_22, %mul3A_14] : memref<16x16384xf32, #tpu.memory_space<vmem_shared>> -> memref<1x1024xf32, #tpu.memory_space<vmem_shared>>
      %dma_wait3A_70 = tpu.memref_squeeze %dma_wait3A_69 : memref<1x1024xf32, #tpu.memory_space<vmem_shared>> -> memref<1024xf32, #tpu.memory_space<vmem_shared>>
      tpu.wait_dma2 semaphore(%run_scoped3A_52 : memref<!tpu.dma_semaphore, #tpu.memory_space<semaphore_mem>>) src(%dma_wait3A_70 : memref<1024xf32, #tpu.memory_space<vmem_shared>>) dst(%dma_wait3A_68 : memref<1024xf32, #tpu.memory_space<vmem>>)
      tpu.yield
    }) : () -> ()
    %run_scoped3A_24 = arith.constant 5 : i32
    %run_scoped3A_25 = arith.constant 5 : i32
    "tpu.region"() ({
      %run_scoped3A_52 = tpu.sem_alloc : memref<!tpu.dma_semaphore, #tpu.memory_space<semaphore_mem>>
      %dma_start3A = arith.constant 0 : i32
      %dma_start3A_53 = tpu.memref_slice %arg6[%run_scoped3A_25, %dma_start3A] : memref<16x1024xf32, #tpu.memory_space<vmem>> -> memref<1x1024xf32, #tpu.memory_space<vmem>>
      %dma_start3A_54 = tpu.memref_squeeze %dma_start3A_53 : memref<1x1024xf32, #tpu.memory_space<vmem>> -> memref<1024xf32, #tpu.memory_space<vmem>>
      %dma_start3A_55 = tpu.memref_slice %arg7[%run_scoped3A_24, %mul3A_14] : memref<16x16384xf32, #tpu.memory_space<vmem_shared>> -> memref<1x1024xf32, #tpu.memory_space<vmem_shared>>
      %dma_start3A_56 = tpu.memref_squeeze %dma_start3A_55 : memref<1x1024xf32, #tpu.memory_space<vmem_shared>> -> memref<1024xf32, #tpu.memory_space<vmem_shared>>
      %dma_start3A_57 = arith.constant 0 : i32
      %dma_start3A_58 = tpu.memref_slice %arg6[%run_scoped3A_25, %dma_start3A_57] : memref<16x1024xf32, #tpu.memory_space<vmem>> -> memref<1x1024xf32, #tpu.memory_space<vmem>>
      %dma_start3A_59 = tpu.memref_squeeze %dma_start3A_58 : memref<1x1024xf32, #tpu.memory_space<vmem>> -> memref<1024xf32, #tpu.memory_space<vmem>>
      %dma_start3A_60 = tpu.memref_slice %arg7[%run_scoped3A_24, %mul3A_14] : memref<16x16384xf32, #tpu.memory_space<vmem_shared>> -> memref<1x1024xf32, #tpu.memory_space<vmem_shared>>
      %dma_start3A_61 = tpu.memref_squeeze %dma_start3A_60 : memref<1x1024xf32, #tpu.memory_space<vmem_shared>> -> memref<1024xf32, #tpu.memory_space<vmem_shared>>
      tpu.enqueue_dma source(%dma_start3A_61 : memref<1024xf32, #tpu.memory_space<vmem_shared>>) target(%dma_start3A_59 : memref<1024xf32, #tpu.memory_space<vmem>>) target_semaphore(%run_scoped3A_52 : memref<!tpu.dma_semaphore, #tpu.memory_space<semaphore_mem>>)
      %dma_wait3A = arith.constant 0 : i32
      %dma_wait3A_62 = tpu.memref_slice %arg6[%run_scoped3A_25, %dma_wait3A] : memref<16x1024xf32, #tpu.memory_space<vmem>> -> memref<1x1024xf32, #tpu.memory_space<vmem>>
      %dma_wait3A_63 = tpu.memref_squeeze %dma_wait3A_62 : memref<1x1024xf32, #tpu.memory_space<vmem>> -> memref<1024xf32, #tpu.memory_space<vmem>>
      %dma_wait3A_64 = tpu.memref_slice %arg7[%run_scoped3A_24, %mul3A_14] : memref<16x16384xf32, #tpu.memory_space<vmem_shared>> -> memref<1x1024xf32, #tpu.memory_space<vmem_shared>>
      %dma_wait3A_65 = tpu.memref_squeeze %dma_wait3A_64 : memref<1x1024xf32, #tpu.memory_space<vmem_shared>> -> memref<1024xf32, #tpu.memory_space<vmem_shared>>
      %dma_wait3A_66 = arith.constant 0 : i32
      %dma_wait3A_67 = tpu.memref_slice %arg6[%run_scoped3A_25, %dma_wait3A_66] : memref<16x1024xf32, #tpu.memory_space<vmem>> -> memref<1x1024xf32, #tpu.memory_space<vmem>>
      %dma_wait3A_68 = tpu.memref_squeeze %dma_wait3A_67 : memref<1x1024xf32, #tpu.memory_space<vmem>> -> memref<1024xf32, #tpu.memory_space<vmem>>
      %dma_wait3A_69 = tpu.memref_slice %arg7[%run_scoped3A_24, %mul3A_14] : memref<16x16384xf32, #tpu.memory_space<vmem_shared>> -> memref<1x1024xf32, #tpu.memory_space<vmem_shared>>
      %dma_wait3A_70 = tpu.memref_squeeze %dma_wait3A_69 : memref<1x1024xf32, #tpu.memory_space<vmem_shared>> -> memref<1024xf32, #tpu.memory_space<vmem_shared>>
      tpu.wait_dma2 semaphore(%run_scoped3A_52 : memref<!tpu.dma_semaphore, #tpu.memory_space<semaphore_mem>>) src(%dma_wait3A_70 : memref<1024xf32, #tpu.memory_space<vmem_shared>>) dst(%dma_wait3A_68 : memref<1024xf32, #tpu.memory_space<vmem>>)
      tpu.yield
    }) : () -> ()
    %run_scoped3A_26 = arith.constant 6 : i32
    %run_scoped3A_27 = arith.constant 6 : i32
    "tpu.region"() ({
      %run_scoped3A_52 = tpu.sem_alloc : memref<!tpu.dma_semaphore, #tpu.memory_space<semaphore_mem>>
      %dma_start3A = arith.constant 0 : i32
      %dma_start3A_53 = tpu.memref_slice %arg6[%run_scoped3A_27, %dma_start3A] : memref<16x1024xf32, #tpu.memory_space<vmem>> -> memref<1x1024xf32, #tpu.memory_space<vmem>>
      %dma_start3A_54 = tpu.memref_squeeze %dma_start3A_53 : memref<1x1024xf32, #tpu.memory_space<vmem>> -> memref<1024xf32, #tpu.memory_space<vmem>>
      %dma_start3A_55 = tpu.memref_slice %arg7[%run_scoped3A_26, %mul3A_14] : memref<16x16384xf32, #tpu.memory_space<vmem_shared>> -> memref<1x1024xf32, #tpu.memory_space<vmem_shared>>
      %dma_start3A_56 = tpu.memref_squeeze %dma_start3A_55 : memref<1x1024xf32, #tpu.memory_space<vmem_shared>> -> memref<1024xf32, #tpu.memory_space<vmem_shared>>
      %dma_start3A_57 = arith.constant 0 : i32
      %dma_start3A_58 = tpu.memref_slice %arg6[%run_scoped3A_27, %dma_start3A_57] : memref<16x1024xf32, #tpu.memory_space<vmem>> -> memref<1x1024xf32, #tpu.memory_space<vmem>>
      %dma_start3A_59 = tpu.memref_squeeze %dma_start3A_58 : memref<1x1024xf32, #tpu.memory_space<vmem>> -> memref<1024xf32, #tpu.memory_space<vmem>>
      %dma_start3A_60 = tpu.memref_slice %arg7[%run_scoped3A_26, %mul3A_14] : memref<16x16384xf32, #tpu.memory_space<vmem_shared>> -> memref<1x1024xf32, #tpu.memory_space<vmem_shared>>
      %dma_start3A_61 = tpu.memref_squeeze %dma_start3A_60 : memref<1x1024xf32, #tpu.memory_space<vmem_shared>> -> memref<1024xf32, #tpu.memory_space<vmem_shared>>
      tpu.enqueue_dma source(%dma_start3A_61 : memref<1024xf32, #tpu.memory_space<vmem_shared>>) target(%dma_start3A_59 : memref<1024xf32, #tpu.memory_space<vmem>>) target_semaphore(%run_scoped3A_52 : memref<!tpu.dma_semaphore, #tpu.memory_space<semaphore_mem>>)
      %dma_wait3A = arith.constant 0 : i32
      %dma_wait3A_62 = tpu.memref_slice %arg6[%run_scoped3A_27, %dma_wait3A] : memref<16x1024xf32, #tpu.memory_space<vmem>> -> memref<1x1024xf32, #tpu.memory_space<vmem>>
      %dma_wait3A_63 = tpu.memref_squeeze %dma_wait3A_62 : memref<1x1024xf32, #tpu.memory_space<vmem>> -> memref<1024xf32, #tpu.memory_space<vmem>>
      %dma_wait3A_64 = tpu.memref_slice %arg7[%run_scoped3A_26, %mul3A_14] : memref<16x16384xf32, #tpu.memory_space<vmem_shared>> -> memref<1x1024xf32, #tpu.memory_space<vmem_shared>>
      %dma_wait3A_65 = tpu.memref_squeeze %dma_wait3A_64 : memref<1x1024xf32, #tpu.memory_space<vmem_shared>> -> memref<1024xf32, #tpu.memory_space<vmem_shared>>
      %dma_wait3A_66 = arith.constant 0 : i32
      %dma_wait3A_67 = tpu.memref_slice %arg6[%run_scoped3A_27, %dma_wait3A_66] : memref<16x1024xf32, #tpu.memory_space<vmem>> -> memref<1x1024xf32, #tpu.memory_space<vmem>>
      %dma_wait3A_68 = tpu.memref_squeeze %dma_wait3A_67 : memref<1x1024xf32, #tpu.memory_space<vmem>> -> memref<1024xf32, #tpu.memory_space<vmem>>
      %dma_wait3A_69 = tpu.memref_slice %arg7[%run_scoped3A_26, %mul3A_14] : memref<16x16384xf32, #tpu.memory_space<vmem_shared>> -> memref<1x1024xf32, #tpu.memory_space<vmem_shared>>
      %dma_wait3A_70 = tpu.memref_squeeze %dma_wait3A_69 : memref<1x1024xf32, #tpu.memory_space<vmem_shared>> -> memref<1024xf32, #tpu.memory_space<vmem_shared>>
      tpu.wait_dma2 semaphore(%run_scoped3A_52 : memref<!tpu.dma_semaphore, #tpu.memory_space<semaphore_mem>>) src(%dma_wait3A_70 : memref<1024xf32, #tpu.memory_space<vmem_shared>>) dst(%dma_wait3A_68 : memref<1024xf32, #tpu.memory_space<vmem>>)
      tpu.yield
    }) : () -> ()
    %run_scoped3A_28 = arith.constant 7 : i32
    %run_scoped3A_29 = arith.constant 7 : i32
    "tpu.region"() ({
      %run_scoped3A_52 = tpu.sem_alloc : memref<!tpu.dma_semaphore, #tpu.memory_space<semaphore_mem>>
      %dma_start3A = arith.constant 0 : i32
      %dma_start3A_53 = tpu.memref_slice %arg6[%run_scoped3A_29, %dma_start3A] : memref<16x1024xf32, #tpu.memory_space<vmem>> -> memref<1x1024xf32, #tpu.memory_space<vmem>>
      %dma_start3A_54 = tpu.memref_squeeze %dma_start3A_53 : memref<1x1024xf32, #tpu.memory_space<vmem>> -> memref<1024xf32, #tpu.memory_space<vmem>>
      %dma_start3A_55 = tpu.memref_slice %arg7[%run_scoped3A_28, %mul3A_14] : memref<16x16384xf32, #tpu.memory_space<vmem_shared>> -> memref<1x1024xf32, #tpu.memory_space<vmem_shared>>
      %dma_start3A_56 = tpu.memref_squeeze %dma_start3A_55 : memref<1x1024xf32, #tpu.memory_space<vmem_shared>> -> memref<1024xf32, #tpu.memory_space<vmem_shared>>
      %dma_start3A_57 = arith.constant 0 : i32
      %dma_start3A_58 = tpu.memref_slice %arg6[%run_scoped3A_29, %dma_start3A_57] : memref<16x1024xf32, #tpu.memory_space<vmem>> -> memref<1x1024xf32, #tpu.memory_space<vmem>>
      %dma_start3A_59 = tpu.memref_squeeze %dma_start3A_58 : memref<1x1024xf32, #tpu.memory_space<vmem>> -> memref<1024xf32, #tpu.memory_space<vmem>>
      %dma_start3A_60 = tpu.memref_slice %arg7[%run_scoped3A_28, %mul3A_14] : memref<16x16384xf32, #tpu.memory_space<vmem_shared>> -> memref<1x1024xf32, #tpu.memory_space<vmem_shared>>
      %dma_start3A_61 = tpu.memref_squeeze %dma_start3A_60 : memref<1x1024xf32, #tpu.memory_space<vmem_shared>> -> memref<1024xf32, #tpu.memory_space<vmem_shared>>
      tpu.enqueue_dma source(%dma_start3A_61 : memref<1024xf32, #tpu.memory_space<vmem_shared>>) target(%dma_start3A_59 : memref<1024xf32, #tpu.memory_space<vmem>>) target_semaphore(%run_scoped3A_52 : memref<!tpu.dma_semaphore, #tpu.memory_space<semaphore_mem>>)
      %dma_wait3A = arith.constant 0 : i32
      %dma_wait3A_62 = tpu.memref_slice %arg6[%run_scoped3A_29, %dma_wait3A] : memref<16x1024xf32, #tpu.memory_space<vmem>> -> memref<1x1024xf32, #tpu.memory_space<vmem>>
      %dma_wait3A_63 = tpu.memref_squeeze %dma_wait3A_62 : memref<1x1024xf32, #tpu.memory_space<vmem>> -> memref<1024xf32, #tpu.memory_space<vmem>>
      %dma_wait3A_64 = tpu.memref_slice %arg7[%run_scoped3A_28, %mul3A_14] : memref<16x16384xf32, #tpu.memory_space<vmem_shared>> -> memref<1x1024xf32, #tpu.memory_space<vmem_shared>>
      %dma_wait3A_65 = tpu.memref_squeeze %dma_wait3A_64 : memref<1x1024xf32, #tpu.memory_space<vmem_shared>> -> memref<1024xf32, #tpu.memory_space<vmem_shared>>
      %dma_wait3A_66 = arith.constant 0 : i32
      %dma_wait3A_67 = tpu.memref_slice %arg6[%run_scoped3A_29, %dma_wait3A_66] : memref<16x1024xf32, #tpu.memory_space<vmem>> -> memref<1x1024xf32, #tpu.memory_space<vmem>>
      %dma_wait3A_68 = tpu.memref_squeeze %dma_wait3A_67 : memref<1x1024xf32, #tpu.memory_space<vmem>> -> memref<1024xf32, #tpu.memory_space<vmem>>
      %dma_wait3A_69 = tpu.memref_slice %arg7[%run_scoped3A_28, %mul3A_14] : memref<16x16384xf32, #tpu.memory_space<vmem_shared>> -> memref<1x1024xf32, #tpu.memory_space<vmem_shared>>
      %dma_wait3A_70 = tpu.memref_squeeze %dma_wait3A_69 : memref<1x1024xf32, #tpu.memory_space<vmem_shared>> -> memref<1024xf32, #tpu.memory_space<vmem_shared>>
      tpu.wait_dma2 semaphore(%run_scoped3A_52 : memref<!tpu.dma_semaphore, #tpu.memory_space<semaphore_mem>>) src(%dma_wait3A_70 : memref<1024xf32, #tpu.memory_space<vmem_shared>>) dst(%dma_wait3A_68 : memref<1024xf32, #tpu.memory_space<vmem>>)
      tpu.yield
    }) : () -> ()
    %run_scoped3A_30 = arith.constant 8 : i32
    %run_scoped3A_31 = arith.constant 8 : i32
    "tpu.region"() ({
      %run_scoped3A_52 = tpu.sem_alloc : memref<!tpu.dma_semaphore, #tpu.memory_space<semaphore_mem>>
      %dma_start3A = arith.constant 0 : i32
      %dma_start3A_53 = tpu.memref_slice %arg6[%run_scoped3A_31, %dma_start3A] : memref<16x1024xf32, #tpu.memory_space<vmem>> -> memref<1x1024xf32, #tpu.memory_space<vmem>>
      %dma_start3A_54 = tpu.memref_squeeze %dma_start3A_53 : memref<1x1024xf32, #tpu.memory_space<vmem>> -> memref<1024xf32, #tpu.memory_space<vmem>>
      %dma_start3A_55 = tpu.memref_slice %arg7[%run_scoped3A_30, %mul3A_14] : memref<16x16384xf32, #tpu.memory_space<vmem_shared>> -> memref<1x1024xf32, #tpu.memory_space<vmem_shared>>
      %dma_start3A_56 = tpu.memref_squeeze %dma_start3A_55 : memref<1x1024xf32, #tpu.memory_space<vmem_shared>> -> memref<1024xf32, #tpu.memory_space<vmem_shared>>
      %dma_start3A_57 = arith.constant 0 : i32
      %dma_start3A_58 = tpu.memref_slice %arg6[%run_scoped3A_31, %dma_start3A_57] : memref<16x1024xf32, #tpu.memory_space<vmem>> -> memref<1x1024xf32, #tpu.memory_space<vmem>>
      %dma_start3A_59 = tpu.memref_squeeze %dma_start3A_58 : memref<1x1024xf32, #tpu.memory_space<vmem>> -> memref<1024xf32, #tpu.memory_space<vmem>>
      %dma_start3A_60 = tpu.memref_slice %arg7[%run_scoped3A_30, %mul3A_14] : memref<16x16384xf32, #tpu.memory_space<vmem_shared>> -> memref<1x1024xf32, #tpu.memory_space<vmem_shared>>
      %dma_start3A_61 = tpu.memref_squeeze %dma_start3A_60 : memref<1x1024xf32, #tpu.memory_space<vmem_shared>> -> memref<1024xf32, #tpu.memory_space<vmem_shared>>
      tpu.enqueue_dma source(%dma_start3A_61 : memref<1024xf32, #tpu.memory_space<vmem_shared>>) target(%dma_start3A_59 : memref<1024xf32, #tpu.memory_space<vmem>>) target_semaphore(%run_scoped3A_52 : memref<!tpu.dma_semaphore, #tpu.memory_space<semaphore_mem>>)
      %dma_wait3A = arith.constant 0 : i32
      %dma_wait3A_62 = tpu.memref_slice %arg6[%run_scoped3A_31, %dma_wait3A] : memref<16x1024xf32, #tpu.memory_space<vmem>> -> memref<1x1024xf32, #tpu.memory_space<vmem>>
      %dma_wait3A_63 = tpu.memref_squeeze %dma_wait3A_62 : memref<1x1024xf32, #tpu.memory_space<vmem>> -> memref<1024xf32, #tpu.memory_space<vmem>>
      %dma_wait3A_64 = tpu.memref_slice %arg7[%run_scoped3A_30, %mul3A_14] : memref<16x16384xf32, #tpu.memory_space<vmem_shared>> -> memref<1x1024xf32, #tpu.memory_space<vmem_shared>>
      %dma_wait3A_65 = tpu.memref_squeeze %dma_wait3A_64 : memref<1x1024xf32, #tpu.memory_space<vmem_shared>> -> memref<1024xf32, #tpu.memory_space<vmem_shared>>
      %dma_wait3A_66 = arith.constant 0 : i32
      %dma_wait3A_67 = tpu.memref_slice %arg6[%run_scoped3A_31, %dma_wait3A_66] : memref<16x1024xf32, #tpu.memory_space<vmem>> -> memref<1x1024xf32, #tpu.memory_space<vmem>>
      %dma_wait3A_68 = tpu.memref_squeeze %dma_wait3A_67 : memref<1x1024xf32, #tpu.memory_space<vmem>> -> memref<1024xf32, #tpu.memory_space<vmem>>
      %dma_wait3A_69 = tpu.memref_slice %arg7[%run_scoped3A_30, %mul3A_14] : memref<16x16384xf32, #tpu.memory_space<vmem_shared>> -> memref<1x1024xf32, #tpu.memory_space<vmem_shared>>
      %dma_wait3A_70 = tpu.memref_squeeze %dma_wait3A_69 : memref<1x1024xf32, #tpu.memory_space<vmem_shared>> -> memref<1024xf32, #tpu.memory_space<vmem_shared>>
      tpu.wait_dma2 semaphore(%run_scoped3A_52 : memref<!tpu.dma_semaphore, #tpu.memory_space<semaphore_mem>>) src(%dma_wait3A_70 : memref<1024xf32, #tpu.memory_space<vmem_shared>>) dst(%dma_wait3A_68 : memref<1024xf32, #tpu.memory_space<vmem>>)
      tpu.yield
    }) : () -> ()
    %run_scoped3A_32 = arith.constant 9 : i32
    %run_scoped3A_33 = arith.constant 9 : i32
    "tpu.region"() ({
      %run_scoped3A_52 = tpu.sem_alloc : memref<!tpu.dma_semaphore, #tpu.memory_space<semaphore_mem>>
      %dma_start3A = arith.constant 0 : i32
      %dma_start3A_53 = tpu.memref_slice %arg6[%run_scoped3A_33, %dma_start3A] : memref<16x1024xf32, #tpu.memory_space<vmem>> -> memref<1x1024xf32, #tpu.memory_space<vmem>>
      %dma_start3A_54 = tpu.memref_squeeze %dma_start3A_53 : memref<1x1024xf32, #tpu.memory_space<vmem>> -> memref<1024xf32, #tpu.memory_space<vmem>>
      %dma_start3A_55 = tpu.memref_slice %arg7[%run_scoped3A_32, %mul3A_14] : memref<16x16384xf32, #tpu.memory_space<vmem_shared>> -> memref<1x1024xf32, #tpu.memory_space<vmem_shared>>
      %dma_start3A_56 = tpu.memref_squeeze %dma_start3A_55 : memref<1x1024xf32, #tpu.memory_space<vmem_shared>> -> memref<1024xf32, #tpu.memory_space<vmem_shared>>
      %dma_start3A_57 = arith.constant 0 : i32
      %dma_start3A_58 = tpu.memref_slice %arg6[%run_scoped3A_33, %dma_start3A_57] : memref<16x1024xf32, #tpu.memory_space<vmem>> -> memref<1x1024xf32, #tpu.memory_space<vmem>>
      %dma_start3A_59 = tpu.memref_squeeze %dma_start3A_58 : memref<1x1024xf32, #tpu.memory_space<vmem>> -> memref<1024xf32, #tpu.memory_space<vmem>>
      %dma_start3A_60 = tpu.memref_slice %arg7[%run_scoped3A_32, %mul3A_14] : memref<16x16384xf32, #tpu.memory_space<vmem_shared>> -> memref<1x1024xf32, #tpu.memory_space<vmem_shared>>
      %dma_start3A_61 = tpu.memref_squeeze %dma_start3A_60 : memref<1x1024xf32, #tpu.memory_space<vmem_shared>> -> memref<1024xf32, #tpu.memory_space<vmem_shared>>
      tpu.enqueue_dma source(%dma_start3A_61 : memref<1024xf32, #tpu.memory_space<vmem_shared>>) target(%dma_start3A_59 : memref<1024xf32, #tpu.memory_space<vmem>>) target_semaphore(%run_scoped3A_52 : memref<!tpu.dma_semaphore, #tpu.memory_space<semaphore_mem>>)
      %dma_wait3A = arith.constant 0 : i32
      %dma_wait3A_62 = tpu.memref_slice %arg6[%run_scoped3A_33, %dma_wait3A] : memref<16x1024xf32, #tpu.memory_space<vmem>> -> memref<1x1024xf32, #tpu.memory_space<vmem>>
      %dma_wait3A_63 = tpu.memref_squeeze %dma_wait3A_62 : memref<1x1024xf32, #tpu.memory_space<vmem>> -> memref<1024xf32, #tpu.memory_space<vmem>>
      %dma_wait3A_64 = tpu.memref_slice %arg7[%run_scoped3A_32, %mul3A_14] : memref<16x16384xf32, #tpu.memory_space<vmem_shared>> -> memref<1x1024xf32, #tpu.memory_space<vmem_shared>>
      %dma_wait3A_65 = tpu.memref_squeeze %dma_wait3A_64 : memref<1x1024xf32, #tpu.memory_space<vmem_shared>> -> memref<1024xf32, #tpu.memory_space<vmem_shared>>
      %dma_wait3A_66 = arith.constant 0 : i32
      %dma_wait3A_67 = tpu.memref_slice %arg6[%run_scoped3A_33, %dma_wait3A_66] : memref<16x1024xf32, #tpu.memory_space<vmem>> -> memref<1x1024xf32, #tpu.memory_space<vmem>>
      %dma_wait3A_68 = tpu.memref_squeeze %dma_wait3A_67 : memref<1x1024xf32, #tpu.memory_space<vmem>> -> memref<1024xf32, #tpu.memory_space<vmem>>
      %dma_wait3A_69 = tpu.memref_slice %arg7[%run_scoped3A_32, %mul3A_14] : memref<16x16384xf32, #tpu.memory_space<vmem_shared>> -> memref<1x1024xf32, #tpu.memory_space<vmem_shared>>
      %dma_wait3A_70 = tpu.memref_squeeze %dma_wait3A_69 : memref<1x1024xf32, #tpu.memory_space<vmem_shared>> -> memref<1024xf32, #tpu.memory_space<vmem_shared>>
      tpu.wait_dma2 semaphore(%run_scoped3A_52 : memref<!tpu.dma_semaphore, #tpu.memory_space<semaphore_mem>>) src(%dma_wait3A_70 : memref<1024xf32, #tpu.memory_space<vmem_shared>>) dst(%dma_wait3A_68 : memref<1024xf32, #tpu.memory_space<vmem>>)
      tpu.yield
    }) : () -> ()
    %run_scoped3A_34 = arith.constant 10 : i32
    %run_scoped3A_35 = arith.constant 10 : i32
    "tpu.region"() ({
      %run_scoped3A_52 = tpu.sem_alloc : memref<!tpu.dma_semaphore, #tpu.memory_space<semaphore_mem>>
      %dma_start3A = arith.constant 0 : i32
      %dma_start3A_53 = tpu.memref_slice %arg6[%run_scoped3A_35, %dma_start3A] : memref<16x1024xf32, #tpu.memory_space<vmem>> -> memref<1x1024xf32, #tpu.memory_space<vmem>>
      %dma_start3A_54 = tpu.memref_squeeze %dma_start3A_53 : memref<1x1024xf32, #tpu.memory_space<vmem>> -> memref<1024xf32, #tpu.memory_space<vmem>>
      %dma_start3A_55 = tpu.memref_slice %arg7[%run_scoped3A_34, %mul3A_14] : memref<16x16384xf32, #tpu.memory_space<vmem_shared>> -> memref<1x1024xf32, #tpu.memory_space<vmem_shared>>
      %dma_start3A_56 = tpu.memref_squeeze %dma_start3A_55 : memref<1x1024xf32, #tpu.memory_space<vmem_shared>> -> memref<1024xf32, #tpu.memory_space<vmem_shared>>
      %dma_start3A_57 = arith.constant 0 : i32
      %dma_start3A_58 = tpu.memref_slice %arg6[%run_scoped3A_35, %dma_start3A_57] : memref<16x1024xf32, #tpu.memory_space<vmem>> -> memref<1x1024xf32, #tpu.memory_space<vmem>>
      %dma_start3A_59 = tpu.memref_squeeze %dma_start3A_58 : memref<1x1024xf32, #tpu.memory_space<vmem>> -> memref<1024xf32, #tpu.memory_space<vmem>>
      %dma_start3A_60 = tpu.memref_slice %arg7[%run_scoped3A_34, %mul3A_14] : memref<16x16384xf32, #tpu.memory_space<vmem_shared>> -> memref<1x1024xf32, #tpu.memory_space<vmem_shared>>
      %dma_start3A_61 = tpu.memref_squeeze %dma_start3A_60 : memref<1x1024xf32, #tpu.memory_space<vmem_shared>> -> memref<1024xf32, #tpu.memory_space<vmem_shared>>
      tpu.enqueue_dma source(%dma_start3A_61 : memref<1024xf32, #tpu.memory_space<vmem_shared>>) target(%dma_start3A_59 : memref<1024xf32, #tpu.memory_space<vmem>>) target_semaphore(%run_scoped3A_52 : memref<!tpu.dma_semaphore, #tpu.memory_space<semaphore_mem>>)
      %dma_wait3A = arith.constant 0 : i32
      %dma_wait3A_62 = tpu.memref_slice %arg6[%run_scoped3A_35, %dma_wait3A] : memref<16x1024xf32, #tpu.memory_space<vmem>> -> memref<1x1024xf32, #tpu.memory_space<vmem>>
      %dma_wait3A_63 = tpu.memref_squeeze %dma_wait3A_62 : memref<1x1024xf32, #tpu.memory_space<vmem>> -> memref<1024xf32, #tpu.memory_space<vmem>>
      %dma_wait3A_64 = tpu.memref_slice %arg7[%run_scoped3A_34, %mul3A_14] : memref<16x16384xf32, #tpu.memory_space<vmem_shared>> -> memref<1x1024xf32, #tpu.memory_space<vmem_shared>>
      %dma_wait3A_65 = tpu.memref_squeeze %dma_wait3A_64 : memref<1x1024xf32, #tpu.memory_space<vmem_shared>> -> memref<1024xf32, #tpu.memory_space<vmem_shared>>
      %dma_wait3A_66 = arith.constant 0 : i32
      %dma_wait3A_67 = tpu.memref_slice %arg6[%run_scoped3A_35, %dma_wait3A_66] : memref<16x1024xf32, #tpu.memory_space<vmem>> -> memref<1x1024xf32, #tpu.memory_space<vmem>>
      %dma_wait3A_68 = tpu.memref_squeeze %dma_wait3A_67 : memref<1x1024xf32, #tpu.memory_space<vmem>> -> memref<1024xf32, #tpu.memory_space<vmem>>
      %dma_wait3A_69 = tpu.memref_slice %arg7[%run_scoped3A_34, %mul3A_14] : memref<16x16384xf32, #tpu.memory_space<vmem_shared>> -> memref<1x1024xf32, #tpu.memory_space<vmem_shared>>
      %dma_wait3A_70 = tpu.memref_squeeze %dma_wait3A_69 : memref<1x1024xf32, #tpu.memory_space<vmem_shared>> -> memref<1024xf32, #tpu.memory_space<vmem_shared>>
      tpu.wait_dma2 semaphore(%run_scoped3A_52 : memref<!tpu.dma_semaphore, #tpu.memory_space<semaphore_mem>>) src(%dma_wait3A_70 : memref<1024xf32, #tpu.memory_space<vmem_shared>>) dst(%dma_wait3A_68 : memref<1024xf32, #tpu.memory_space<vmem>>)
      tpu.yield
    }) : () -> ()
    %run_scoped3A_36 = arith.constant 11 : i32
    %run_scoped3A_37 = arith.constant 11 : i32
    "tpu.region"() ({
      %run_scoped3A_52 = tpu.sem_alloc : memref<!tpu.dma_semaphore, #tpu.memory_space<semaphore_mem>>
      %dma_start3A = arith.constant 0 : i32
      %dma_start3A_53 = tpu.memref_slice %arg6[%run_scoped3A_37, %dma_start3A] : memref<16x1024xf32, #tpu.memory_space<vmem>> -> memref<1x1024xf32, #tpu.memory_space<vmem>>
      %dma_start3A_54 = tpu.memref_squeeze %dma_start3A_53 : memref<1x1024xf32, #tpu.memory_space<vmem>> -> memref<1024xf32, #tpu.memory_space<vmem>>
      %dma_start3A_55 = tpu.memref_slice %arg7[%run_scoped3A_36, %mul3A_14] : memref<16x16384xf32, #tpu.memory_space<vmem_shared>> -> memref<1x1024xf32, #tpu.memory_space<vmem_shared>>
      %dma_start3A_56 = tpu.memref_squeeze %dma_start3A_55 : memref<1x1024xf32, #tpu.memory_space<vmem_shared>> -> memref<1024xf32, #tpu.memory_space<vmem_shared>>
      %dma_start3A_57 = arith.constant 0 : i32
      %dma_start3A_58 = tpu.memref_slice %arg6[%run_scoped3A_37, %dma_start3A_57] : memref<16x1024xf32, #tpu.memory_space<vmem>> -> memref<1x1024xf32, #tpu.memory_space<vmem>>
      %dma_start3A_59 = tpu.memref_squeeze %dma_start3A_58 : memref<1x1024xf32, #tpu.memory_space<vmem>> -> memref<1024xf32, #tpu.memory_space<vmem>>
      %dma_start3A_60 = tpu.memref_slice %arg7[%run_scoped3A_36, %mul3A_14] : memref<16x16384xf32, #tpu.memory_space<vmem_shared>> -> memref<1x1024xf32, #tpu.memory_space<vmem_shared>>
      %dma_start3A_61 = tpu.memref_squeeze %dma_start3A_60 : memref<1x1024xf32, #tpu.memory_space<vmem_shared>> -> memref<1024xf32, #tpu.memory_space<vmem_shared>>
      tpu.enqueue_dma source(%dma_start3A_61 : memref<1024xf32, #tpu.memory_space<vmem_shared>>) target(%dma_start3A_59 : memref<1024xf32, #tpu.memory_space<vmem>>) target_semaphore(%run_scoped3A_52 : memref<!tpu.dma_semaphore, #tpu.memory_space<semaphore_mem>>)
      %dma_wait3A = arith.constant 0 : i32
      %dma_wait3A_62 = tpu.memref_slice %arg6[%run_scoped3A_37, %dma_wait3A] : memref<16x1024xf32, #tpu.memory_space<vmem>> -> memref<1x1024xf32, #tpu.memory_space<vmem>>
      %dma_wait3A_63 = tpu.memref_squeeze %dma_wait3A_62 : memref<1x1024xf32, #tpu.memory_space<vmem>> -> memref<1024xf32, #tpu.memory_space<vmem>>
      %dma_wait3A_64 = tpu.memref_slice %arg7[%run_scoped3A_36, %mul3A_14] : memref<16x16384xf32, #tpu.memory_space<vmem_shared>> -> memref<1x1024xf32, #tpu.memory_space<vmem_shared>>
      %dma_wait3A_65 = tpu.memref_squeeze %dma_wait3A_64 : memref<1x1024xf32, #tpu.memory_space<vmem_shared>> -> memref<1024xf32, #tpu.memory_space<vmem_shared>>
      %dma_wait3A_66 = arith.constant 0 : i32
      %dma_wait3A_67 = tpu.memref_slice %arg6[%run_scoped3A_37, %dma_wait3A_66] : memref<16x1024xf32, #tpu.memory_space<vmem>> -> memref<1x1024xf32, #tpu.memory_space<vmem>>
      %dma_wait3A_68 = tpu.memref_squeeze %dma_wait3A_67 : memref<1x1024xf32, #tpu.memory_space<vmem>> -> memref<1024xf32, #tpu.memory_space<vmem>>
      %dma_wait3A_69 = tpu.memref_slice %arg7[%run_scoped3A_36, %mul3A_14] : memref<16x16384xf32, #tpu.memory_space<vmem_shared>> -> memref<1x1024xf32, #tpu.memory_space<vmem_shared>>
      %dma_wait3A_70 = tpu.memref_squeeze %dma_wait3A_69 : memref<1x1024xf32, #tpu.memory_space<vmem_shared>> -> memref<1024xf32, #tpu.memory_space<vmem_shared>>
      tpu.wait_dma2 semaphore(%run_scoped3A_52 : memref<!tpu.dma_semaphore, #tpu.memory_space<semaphore_mem>>) src(%dma_wait3A_70 : memref<1024xf32, #tpu.memory_space<vmem_shared>>) dst(%dma_wait3A_68 : memref<1024xf32, #tpu.memory_space<vmem>>)
      tpu.yield
    }) : () -> ()
    %run_scoped3A_38 = arith.constant 12 : i32
    %run_scoped3A_39 = arith.constant 12 : i32
    "tpu.region"() ({
      %run_scoped3A_52 = tpu.sem_alloc : memref<!tpu.dma_semaphore, #tpu.memory_space<semaphore_mem>>
      %dma_start3A = arith.constant 0 : i32
      %dma_start3A_53 = tpu.memref_slice %arg6[%run_scoped3A_39, %dma_start3A] : memref<16x1024xf32, #tpu.memory_space<vmem>> -> memref<1x1024xf32, #tpu.memory_space<vmem>>
      %dma_start3A_54 = tpu.memref_squeeze %dma_start3A_53 : memref<1x1024xf32, #tpu.memory_space<vmem>> -> memref<1024xf32, #tpu.memory_space<vmem>>
      %dma_start3A_55 = tpu.memref_slice %arg7[%run_scoped3A_38, %mul3A_14] : memref<16x16384xf32, #tpu.memory_space<vmem_shared>> -> memref<1x1024xf32, #tpu.memory_space<vmem_shared>>
      %dma_start3A_56 = tpu.memref_squeeze %dma_start3A_55 : memref<1x1024xf32, #tpu.memory_space<vmem_shared>> -> memref<1024xf32, #tpu.memory_space<vmem_shared>>
      %dma_start3A_57 = arith.constant 0 : i32
      %dma_start3A_58 = tpu.memref_slice %arg6[%run_scoped3A_39, %dma_start3A_57] : memref<16x1024xf32, #tpu.memory_space<vmem>> -> memref<1x1024xf32, #tpu.memory_space<vmem>>
      %dma_start3A_59 = tpu.memref_squeeze %dma_start3A_58 : memref<1x1024xf32, #tpu.memory_space<vmem>> -> memref<1024xf32, #tpu.memory_space<vmem>>
      %dma_start3A_60 = tpu.memref_slice %arg7[%run_scoped3A_38, %mul3A_14] : memref<16x16384xf32, #tpu.memory_space<vmem_shared>> -> memref<1x1024xf32, #tpu.memory_space<vmem_shared>>
      %dma_start3A_61 = tpu.memref_squeeze %dma_start3A_60 : memref<1x1024xf32, #tpu.memory_space<vmem_shared>> -> memref<1024xf32, #tpu.memory_space<vmem_shared>>
      tpu.enqueue_dma source(%dma_start3A_61 : memref<1024xf32, #tpu.memory_space<vmem_shared>>) target(%dma_start3A_59 : memref<1024xf32, #tpu.memory_space<vmem>>) target_semaphore(%run_scoped3A_52 : memref<!tpu.dma_semaphore, #tpu.memory_space<semaphore_mem>>)
      %dma_wait3A = arith.constant 0 : i32
      %dma_wait3A_62 = tpu.memref_slice %arg6[%run_scoped3A_39, %dma_wait3A] : memref<16x1024xf32, #tpu.memory_space<vmem>> -> memref<1x1024xf32, #tpu.memory_space<vmem>>
      %dma_wait3A_63 = tpu.memref_squeeze %dma_wait3A_62 : memref<1x1024xf32, #tpu.memory_space<vmem>> -> memref<1024xf32, #tpu.memory_space<vmem>>
      %dma_wait3A_64 = tpu.memref_slice %arg7[%run_scoped3A_38, %mul3A_14] : memref<16x16384xf32, #tpu.memory_space<vmem_shared>> -> memref<1x1024xf32, #tpu.memory_space<vmem_shared>>
      %dma_wait3A_65 = tpu.memref_squeeze %dma_wait3A_64 : memref<1x1024xf32, #tpu.memory_space<vmem_shared>> -> memref<1024xf32, #tpu.memory_space<vmem_shared>>
      %dma_wait3A_66 = arith.constant 0 : i32
      %dma_wait3A_67 = tpu.memref_slice %arg6[%run_scoped3A_39, %dma_wait3A_66] : memref<16x1024xf32, #tpu.memory_space<vmem>> -> memref<1x1024xf32, #tpu.memory_space<vmem>>
      %dma_wait3A_68 = tpu.memref_squeeze %dma_wait3A_67 : memref<1x1024xf32, #tpu.memory_space<vmem>> -> memref<1024xf32, #tpu.memory_space<vmem>>
      %dma_wait3A_69 = tpu.memref_slice %arg7[%run_scoped3A_38, %mul3A_14] : memref<16x16384xf32, #tpu.memory_space<vmem_shared>> -> memref<1x1024xf32, #tpu.memory_space<vmem_shared>>
      %dma_wait3A_70 = tpu.memref_squeeze %dma_wait3A_69 : memref<1x1024xf32, #tpu.memory_space<vmem_shared>> -> memref<1024xf32, #tpu.memory_space<vmem_shared>>
      tpu.wait_dma2 semaphore(%run_scoped3A_52 : memref<!tpu.dma_semaphore, #tpu.memory_space<semaphore_mem>>) src(%dma_wait3A_70 : memref<1024xf32, #tpu.memory_space<vmem_shared>>) dst(%dma_wait3A_68 : memref<1024xf32, #tpu.memory_space<vmem>>)
      tpu.yield
    }) : () -> ()
    %run_scoped3A_40 = arith.constant 13 : i32
    %run_scoped3A_41 = arith.constant 13 : i32
    "tpu.region"() ({
      %run_scoped3A_52 = tpu.sem_alloc : memref<!tpu.dma_semaphore, #tpu.memory_space<semaphore_mem>>
      %dma_start3A = arith.constant 0 : i32
      %dma_start3A_53 = tpu.memref_slice %arg6[%run_scoped3A_41, %dma_start3A] : memref<16x1024xf32, #tpu.memory_space<vmem>> -> memref<1x1024xf32, #tpu.memory_space<vmem>>
      %dma_start3A_54 = tpu.memref_squeeze %dma_start3A_53 : memref<1x1024xf32, #tpu.memory_space<vmem>> -> memref<1024xf32, #tpu.memory_space<vmem>>
      %dma_start3A_55 = tpu.memref_slice %arg7[%run_scoped3A_40, %mul3A_14] : memref<16x16384xf32, #tpu.memory_space<vmem_shared>> -> memref<1x1024xf32, #tpu.memory_space<vmem_shared>>
      %dma_start3A_56 = tpu.memref_squeeze %dma_start3A_55 : memref<1x1024xf32, #tpu.memory_space<vmem_shared>> -> memref<1024xf32, #tpu.memory_space<vmem_shared>>
      %dma_start3A_57 = arith.constant 0 : i32
      %dma_start3A_58 = tpu.memref_slice %arg6[%run_scoped3A_41, %dma_start3A_57] : memref<16x1024xf32, #tpu.memory_space<vmem>> -> memref<1x1024xf32, #tpu.memory_space<vmem>>
      %dma_start3A_59 = tpu.memref_squeeze %dma_start3A_58 : memref<1x1024xf32, #tpu.memory_space<vmem>> -> memref<1024xf32, #tpu.memory_space<vmem>>
      %dma_start3A_60 = tpu.memref_slice %arg7[%run_scoped3A_40, %mul3A_14] : memref<16x16384xf32, #tpu.memory_space<vmem_shared>> -> memref<1x1024xf32, #tpu.memory_space<vmem_shared>>
      %dma_start3A_61 = tpu.memref_squeeze %dma_start3A_60 : memref<1x1024xf32, #tpu.memory_space<vmem_shared>> -> memref<1024xf32, #tpu.memory_space<vmem_shared>>
      tpu.enqueue_dma source(%dma_start3A_61 : memref<1024xf32, #tpu.memory_space<vmem_shared>>) target(%dma_start3A_59 : memref<1024xf32, #tpu.memory_space<vmem>>) target_semaphore(%run_scoped3A_52 : memref<!tpu.dma_semaphore, #tpu.memory_space<semaphore_mem>>)
      %dma_wait3A = arith.constant 0 : i32
      %dma_wait3A_62 = tpu.memref_slice %arg6[%run_scoped3A_41, %dma_wait3A] : memref<16x1024xf32, #tpu.memory_space<vmem>> -> memref<1x1024xf32, #tpu.memory_space<vmem>>
      %dma_wait3A_63 = tpu.memref_squeeze %dma_wait3A_62 : memref<1x1024xf32, #tpu.memory_space<vmem>> -> memref<1024xf32, #tpu.memory_space<vmem>>
      %dma_wait3A_64 = tpu.memref_slice %arg7[%run_scoped3A_40, %mul3A_14] : memref<16x16384xf32, #tpu.memory_space<vmem_shared>> -> memref<1x1024xf32, #tpu.memory_space<vmem_shared>>
      %dma_wait3A_65 = tpu.memref_squeeze %dma_wait3A_64 : memref<1x1024xf32, #tpu.memory_space<vmem_shared>> -> memref<1024xf32, #tpu.memory_space<vmem_shared>>
      %dma_wait3A_66 = arith.constant 0 : i32
      %dma_wait3A_67 = tpu.memref_slice %arg6[%run_scoped3A_41, %dma_wait3A_66] : memref<16x1024xf32, #tpu.memory_space<vmem>> -> memref<1x1024xf32, #tpu.memory_space<vmem>>
      %dma_wait3A_68 = tpu.memref_squeeze %dma_wait3A_67 : memref<1x1024xf32, #tpu.memory_space<vmem>> -> memref<1024xf32, #tpu.memory_space<vmem>>
      %dma_wait3A_69 = tpu.memref_slice %arg7[%run_scoped3A_40, %mul3A_14] : memref<16x16384xf32, #tpu.memory_space<vmem_shared>> -> memref<1x1024xf32, #tpu.memory_space<vmem_shared>>
      %dma_wait3A_70 = tpu.memref_squeeze %dma_wait3A_69 : memref<1x1024xf32, #tpu.memory_space<vmem_shared>> -> memref<1024xf32, #tpu.memory_space<vmem_shared>>
      tpu.wait_dma2 semaphore(%run_scoped3A_52 : memref<!tpu.dma_semaphore, #tpu.memory_space<semaphore_mem>>) src(%dma_wait3A_70 : memref<1024xf32, #tpu.memory_space<vmem_shared>>) dst(%dma_wait3A_68 : memref<1024xf32, #tpu.memory_space<vmem>>)
      tpu.yield
    }) : () -> ()
    %run_scoped3A_42 = arith.constant 14 : i32
    %run_scoped3A_43 = arith.constant 14 : i32
    "tpu.region"() ({
      %run_scoped3A_52 = tpu.sem_alloc : memref<!tpu.dma_semaphore, #tpu.memory_space<semaphore_mem>>
      %dma_start3A = arith.constant 0 : i32
      %dma_start3A_53 = tpu.memref_slice %arg6[%run_scoped3A_43, %dma_start3A] : memref<16x1024xf32, #tpu.memory_space<vmem>> -> memref<1x1024xf32, #tpu.memory_space<vmem>>
      %dma_start3A_54 = tpu.memref_squeeze %dma_start3A_53 : memref<1x1024xf32, #tpu.memory_space<vmem>> -> memref<1024xf32, #tpu.memory_space<vmem>>
      %dma_start3A_55 = tpu.memref_slice %arg7[%run_scoped3A_42, %mul3A_14] : memref<16x16384xf32, #tpu.memory_space<vmem_shared>> -> memref<1x1024xf32, #tpu.memory_space<vmem_shared>>
      %dma_start3A_56 = tpu.memref_squeeze %dma_start3A_55 : memref<1x1024xf32, #tpu.memory_space<vmem_shared>> -> memref<1024xf32, #tpu.memory_space<vmem_shared>>
      %dma_start3A_57 = arith.constant 0 : i32
      %dma_start3A_58 = tpu.memref_slice %arg6[%run_scoped3A_43, %dma_start3A_57] : memref<16x1024xf32, #tpu.memory_space<vmem>> -> memref<1x1024xf32, #tpu.memory_space<vmem>>
      %dma_start3A_59 = tpu.memref_squeeze %dma_start3A_58 : memref<1x1024xf32, #tpu.memory_space<vmem>> -> memref<1024xf32, #tpu.memory_space<vmem>>
      %dma_start3A_60 = tpu.memref_slice %arg7[%run_scoped3A_42, %mul3A_14] : memref<16x16384xf32, #tpu.memory_space<vmem_shared>> -> memref<1x1024xf32, #tpu.memory_space<vmem_shared>>
      %dma_start3A_61 = tpu.memref_squeeze %dma_start3A_60 : memref<1x1024xf32, #tpu.memory_space<vmem_shared>> -> memref<1024xf32, #tpu.memory_space<vmem_shared>>
      tpu.enqueue_dma source(%dma_start3A_61 : memref<1024xf32, #tpu.memory_space<vmem_shared>>) target(%dma_start3A_59 : memref<1024xf32, #tpu.memory_space<vmem>>) target_semaphore(%run_scoped3A_52 : memref<!tpu.dma_semaphore, #tpu.memory_space<semaphore_mem>>)
      %dma_wait3A = arith.constant 0 : i32
      %dma_wait3A_62 = tpu.memref_slice %arg6[%run_scoped3A_43, %dma_wait3A] : memref<16x1024xf32, #tpu.memory_space<vmem>> -> memref<1x1024xf32, #tpu.memory_space<vmem>>
      %dma_wait3A_63 = tpu.memref_squeeze %dma_wait3A_62 : memref<1x1024xf32, #tpu.memory_space<vmem>> -> memref<1024xf32, #tpu.memory_space<vmem>>
      %dma_wait3A_64 = tpu.memref_slice %arg7[%run_scoped3A_42, %mul3A_14] : memref<16x16384xf32, #tpu.memory_space<vmem_shared>> -> memref<1x1024xf32, #tpu.memory_space<vmem_shared>>
      %dma_wait3A_65 = tpu.memref_squeeze %dma_wait3A_64 : memref<1x1024xf32, #tpu.memory_space<vmem_shared>> -> memref<1024xf32, #tpu.memory_space<vmem_shared>>
      %dma_wait3A_66 = arith.constant 0 : i32
      %dma_wait3A_67 = tpu.memref_slice %arg6[%run_scoped3A_43, %dma_wait3A_66] : memref<16x1024xf32, #tpu.memory_space<vmem>> -> memref<1x1024xf32, #tpu.memory_space<vmem>>
      %dma_wait3A_68 = tpu.memref_squeeze %dma_wait3A_67 : memref<1x1024xf32, #tpu.memory_space<vmem>> -> memref<1024xf32, #tpu.memory_space<vmem>>
      %dma_wait3A_69 = tpu.memref_slice %arg7[%run_scoped3A_42, %mul3A_14] : memref<16x16384xf32, #tpu.memory_space<vmem_shared>> -> memref<1x1024xf32, #tpu.memory_space<vmem_shared>>
      %dma_wait3A_70 = tpu.memref_squeeze %dma_wait3A_69 : memref<1x1024xf32, #tpu.memory_space<vmem_shared>> -> memref<1024xf32, #tpu.memory_space<vmem_shared>>
      tpu.wait_dma2 semaphore(%run_scoped3A_52 : memref<!tpu.dma_semaphore, #tpu.memory_space<semaphore_mem>>) src(%dma_wait3A_70 : memref<1024xf32, #tpu.memory_space<vmem_shared>>) dst(%dma_wait3A_68 : memref<1024xf32, #tpu.memory_space<vmem>>)
      tpu.yield
    }) : () -> ()
    %run_scoped3A_44 = arith.constant 15 : i32
    %run_scoped3A_45 = arith.constant 15 : i32
    "tpu.region"() ({
      %run_scoped3A_52 = tpu.sem_alloc : memref<!tpu.dma_semaphore, #tpu.memory_space<semaphore_mem>>
      %dma_start3A = arith.constant 0 : i32
      %dma_start3A_53 = tpu.memref_slice %arg6[%run_scoped3A_45, %dma_start3A] : memref<16x1024xf32, #tpu.memory_space<vmem>> -> memref<1x1024xf32, #tpu.memory_space<vmem>>
      %dma_start3A_54 = tpu.memref_squeeze %dma_start3A_53 : memref<1x1024xf32, #tpu.memory_space<vmem>> -> memref<1024xf32, #tpu.memory_space<vmem>>
      %dma_start3A_55 = tpu.memref_slice %arg7[%run_scoped3A_44, %mul3A_14] : memref<16x16384xf32, #tpu.memory_space<vmem_shared>> -> memref<1x1024xf32, #tpu.memory_space<vmem_shared>>
      %dma_start3A_56 = tpu.memref_squeeze %dma_start3A_55 : memref<1x1024xf32, #tpu.memory_space<vmem_shared>> -> memref<1024xf32, #tpu.memory_space<vmem_shared>>
      %dma_start3A_57 = arith.constant 0 : i32
      %dma_start3A_58 = tpu.memref_slice %arg6[%run_scoped3A_45, %dma_start3A_57] : memref<16x1024xf32, #tpu.memory_space<vmem>> -> memref<1x1024xf32, #tpu.memory_space<vmem>>
      %dma_start3A_59 = tpu.memref_squeeze %dma_start3A_58 : memref<1x1024xf32, #tpu.memory_space<vmem>> -> memref<1024xf32, #tpu.memory_space<vmem>>
      %dma_start3A_60 = tpu.memref_slice %arg7[%run_scoped3A_44, %mul3A_14] : memref<16x16384xf32, #tpu.memory_space<vmem_shared>> -> memref<1x1024xf32, #tpu.memory_space<vmem_shared>>
      %dma_start3A_61 = tpu.memref_squeeze %dma_start3A_60 : memref<1x1024xf32, #tpu.memory_space<vmem_shared>> -> memref<1024xf32, #tpu.memory_space<vmem_shared>>
      tpu.enqueue_dma source(%dma_start3A_61 : memref<1024xf32, #tpu.memory_space<vmem_shared>>) target(%dma_start3A_59 : memref<1024xf32, #tpu.memory_space<vmem>>) target_semaphore(%run_scoped3A_52 : memref<!tpu.dma_semaphore, #tpu.memory_space<semaphore_mem>>)
      %dma_wait3A = arith.constant 0 : i32
      %dma_wait3A_62 = tpu.memref_slice %arg6[%run_scoped3A_45, %dma_wait3A] : memref<16x1024xf32, #tpu.memory_space<vmem>> -> memref<1x1024xf32, #tpu.memory_space<vmem>>
      %dma_wait3A_63 = tpu.memref_squeeze %dma_wait3A_62 : memref<1x1024xf32, #tpu.memory_space<vmem>> -> memref<1024xf32, #tpu.memory_space<vmem>>
      %dma_wait3A_64 = tpu.memref_slice %arg7[%run_scoped3A_44, %mul3A_14] : memref<16x16384xf32, #tpu.memory_space<vmem_shared>> -> memref<1x1024xf32, #tpu.memory_space<vmem_shared>>
      %dma_wait3A_65 = tpu.memref_squeeze %dma_wait3A_64 : memref<1x1024xf32, #tpu.memory_space<vmem_shared>> -> memref<1024xf32, #tpu.memory_space<vmem_shared>>
      %dma_wait3A_66 = arith.constant 0 : i32
      %dma_wait3A_67 = tpu.memref_slice %arg6[%run_scoped3A_45, %dma_wait3A_66] : memref<16x1024xf32, #tpu.memory_space<vmem>> -> memref<1x1024xf32, #tpu.memory_space<vmem>>
      %dma_wait3A_68 = tpu.memref_squeeze %dma_wait3A_67 : memref<1x1024xf32, #tpu.memory_space<vmem>> -> memref<1024xf32, #tpu.memory_space<vmem>>
      %dma_wait3A_69 = tpu.memref_slice %arg7[%run_scoped3A_44, %mul3A_14] : memref<16x16384xf32, #tpu.memory_space<vmem_shared>> -> memref<1x1024xf32, #tpu.memory_space<vmem_shared>>
      %dma_wait3A_70 = tpu.memref_squeeze %dma_wait3A_69 : memref<1x1024xf32, #tpu.memory_space<vmem_shared>> -> memref<1024xf32, #tpu.memory_space<vmem_shared>>
      tpu.wait_dma2 semaphore(%run_scoped3A_52 : memref<!tpu.dma_semaphore, #tpu.memory_space<semaphore_mem>>) src(%dma_wait3A_70 : memref<1024xf32, #tpu.memory_space<vmem_shared>>) dst(%dma_wait3A_68 : memref<1024xf32, #tpu.memory_space<vmem>>)
      tpu.yield
    }) : () -> ()
    %scan3A_46 = arith.constant 0 : i32
    %scan3A_47 = arith.constant 0 : i32
    %scan3A_48 = arith.constant 64 : i32
    %scan3A_49 = arith.addi %scan3A_47, %scan3A_48 : i32
    %scan3A_50 = arith.constant 1 : i32
    scf.for %scan3A_52 = %scan3A_47 to %scan3A_49 step %scan3A_50  : i32 {
      %mul3A_53 = arith.constant 16 : i32
      %mul3A_54 = arith.muli %scan3A_52, %mul3A_53 : i32
      %get3A = arith.constant 0 : i32
      %get3A_55 = arith.index_cast %get3A : i32 to index
      %get3A_56 = arith.index_cast %mul3A_54 : i32 to index
      %get3A_57 = tpu.vector_load %arg6[%get3A_55, %get3A_56] {strides = array<i32>} : memref<16x1024xf32, #tpu.memory_space<vmem>>, vector<16xf32>,
      %mul3A_58 = arith.constant 16 : i32
      %mul3A_59 = arith.muli %scan3A_52, %mul3A_58 : i32
      %get3A_60 = arith.constant 1 : i32
      %get3A_61 = arith.index_cast %get3A_60 : i32 to index
      %get3A_62 = arith.index_cast %mul3A_59 : i32 to index
      %get3A_63 = tpu.vector_load %arg6[%get3A_61, %get3A_62] {strides = array<i32>} : memref<16x1024xf32, #tpu.memory_space<vmem>>, vector<16xf32>,
      %add3A = arith.addf %get3A_57, %get3A_63 : vector<16xf32>
      %mul3A_64 = arith.constant 16 : i32
      %mul3A_65 = arith.muli %scan3A_52, %mul3A_64 : i32
      %get3A_66 = arith.constant 2 : i32
      %get3A_67 = arith.index_cast %get3A_66 : i32 to index
      %get3A_68 = arith.index_cast %mul3A_65 : i32 to index
      %get3A_69 = tpu.vector_load %arg6[%get3A_67, %get3A_68] {strides = array<i32>} : memref<16x1024xf32, #tpu.memory_space<vmem>>, vector<16xf32>,
      %add3A_70 = arith.addf %add3A, %get3A_69 : vector<16xf32>
      %mul3A_71 = arith.constant 16 : i32
      %mul3A_72 = arith.muli %scan3A_52, %mul3A_71 : i32
      %get3A_73 = arith.constant 3 : i32
      %get3A_74 = arith.index_cast %get3A_73 : i32 to index
      %get3A_75 = arith.index_cast %mul3A_72 : i32 to index
      %get3A_76 = tpu.vector_load %arg6[%get3A_74, %get3A_75] {strides = array<i32>} : memref<16x1024xf32, #tpu.memory_space<vmem>>, vector<16xf32>,
      %add3A_77 = arith.addf %add3A_70, %get3A_76 : vector<16xf32>
      %mul3A_78 = arith.constant 16 : i32
      %mul3A_79 = arith.muli %scan3A_52, %mul3A_78 : i32
      %get3A_80 = arith.constant 4 : i32
      %get3A_81 = arith.index_cast %get3A_80 : i32 to index
      %get3A_82 = arith.index_cast %mul3A_79 : i32 to index
      %get3A_83 = tpu.vector_load %arg6[%get3A_81, %get3A_82] {strides = array<i32>} : memref<16x1024xf32, #tpu.memory_space<vmem>>, vector<16xf32>,
      %add3A_84 = arith.addf %add3A_77, %get3A_83 : vector<16xf32>
      %mul3A_85 = arith.constant 16 : i32
      %mul3A_86 = arith.muli %scan3A_52, %mul3A_85 : i32
      %get3A_87 = arith.constant 5 : i32
      %get3A_88 = arith.index_cast %get3A_87 : i32 to index
      %get3A_89 = arith.index_cast %mul3A_86 : i32 to index
      %get3A_90 = tpu.vector_load %arg6[%get3A_88, %get3A_89] {strides = array<i32>} : memref<16x1024xf32, #tpu.memory_space<vmem>>, vector<16xf32>,
      %add3A_91 = arith.addf %add3A_84, %get3A_90 : vector<16xf32>
      %mul3A_92 = arith.constant 16 : i32
      %mul3A_93 = arith.muli %scan3A_52, %mul3A_92 : i32
      %get3A_94 = arith.constant 6 : i32
      %get3A_95 = arith.index_cast %get3A_94 : i32 to index
      %get3A_96 = arith.index_cast %mul3A_93 : i32 to index
      %get3A_97 = tpu.vector_load %arg6[%get3A_95, %get3A_96] {strides = array<i32>} : memref<16x1024xf32, #tpu.memory_space<vmem>>, vector<16xf32>,
      %add3A_98 = arith.addf %add3A_91, %get3A_97 : vector<16xf32>
      %mul3A_99 = arith.constant 16 : i32
      %mul3A_100 = arith.muli %scan3A_52, %mul3A_99 : i32
      %get3A_101 = arith.constant 7 : i32
      %get3A_102 = arith.index_cast %get3A_101 : i32 to index
      %get3A_103 = arith.index_cast %mul3A_100 : i32 to index
      %get3A_104 = tpu.vector_load %arg6[%get3A_102, %get3A_103] {strides = array<i32>} : memref<16x1024xf32, #tpu.memory_space<vmem>>, vector<16xf32>,
      %add3A_105 = arith.addf %add3A_98, %get3A_104 : vector<16xf32>
      %mul3A_106 = arith.constant 16 : i32
      %mul3A_107 = arith.muli %scan3A_52, %mul3A_106 : i32
      %get3A_108 = arith.constant 8 : i32
      %get3A_109 = arith.index_cast %get3A_108 : i32 to index
      %get3A_110 = arith.index_cast %mul3A_107 : i32 to index
      %get3A_111 = tpu.vector_load %arg6[%get3A_109, %get3A_110] {strides = array<i32>} : memref<16x1024xf32, #tpu.memory_space<vmem>>, vector<16xf32>,
      %add3A_112 = arith.addf %add3A_105, %get3A_111 : vector<16xf32>
      %mul3A_113 = arith.constant 16 : i32
      %mul3A_114 = arith.muli %scan3A_52, %mul3A_113 : i32
      %get3A_115 = arith.constant 9 : i32
      %get3A_116 = arith.index_cast %get3A_115 : i32 to index
      %get3A_117 = arith.index_cast %mul3A_114 : i32 to index
      %get3A_118 = tpu.vector_load %arg6[%get3A_116, %get3A_117] {strides = array<i32>} : memref<16x1024xf32, #tpu.memory_space<vmem>>, vector<16xf32>,
      %add3A_119 = arith.addf %add3A_112, %get3A_118 : vector<16xf32>
      %mul3A_120 = arith.constant 16 : i32
      %mul3A_121 = arith.muli %scan3A_52, %mul3A_120 : i32
      %get3A_122 = arith.constant 10 : i32
      %get3A_123 = arith.index_cast %get3A_122 : i32 to index
      %get3A_124 = arith.index_cast %mul3A_121 : i32 to index
      %get3A_125 = tpu.vector_load %arg6[%get3A_123, %get3A_124] {strides = array<i32>} : memref<16x1024xf32, #tpu.memory_space<vmem>>, vector<16xf32>,
      %add3A_126 = arith.addf %add3A_119, %get3A_125 : vector<16xf32>
      %mul3A_127 = arith.constant 16 : i32
      %mul3A_128 = arith.muli %scan3A_52, %mul3A_127 : i32
      %get3A_129 = arith.constant 11 : i32
      %get3A_130 = arith.index_cast %get3A_129 : i32 to index
      %get3A_131 = arith.index_cast %mul3A_128 : i32 to index
      %get3A_132 = tpu.vector_load %arg6[%get3A_130, %get3A_131] {strides = array<i32>} : memref<16x1024xf32, #tpu.memory_space<vmem>>, vector<16xf32>,
      %add3A_133 = arith.addf %add3A_126, %get3A_132 : vector<16xf32>
      %mul3A_134 = arith.constant 16 : i32
      %mul3A_135 = arith.muli %scan3A_52, %mul3A_134 : i32
      %get3A_136 = arith.constant 12 : i32
      %get3A_137 = arith.index_cast %get3A_136 : i32 to index
      %get3A_138 = arith.index_cast %mul3A_135 : i32 to index
      %get3A_139 = tpu.vector_load %arg6[%get3A_137, %get3A_138] {strides = array<i32>} : memref<16x1024xf32, #tpu.memory_space<vmem>>, vector<16xf32>,
      %add3A_140 = arith.addf %add3A_133, %get3A_139 : vector<16xf32>
      %mul3A_141 = arith.constant 16 : i32
      %mul3A_142 = arith.muli %scan3A_52, %mul3A_141 : i32
      %get3A_143 = arith.constant 13 : i32
      %get3A_144 = arith.index_cast %get3A_143 : i32 to index
      %get3A_145 = arith.index_cast %mul3A_142 : i32 to index
      %get3A_146 = tpu.vector_load %arg6[%get3A_144, %get3A_145] {strides = array<i32>} : memref<16x1024xf32, #tpu.memory_space<vmem>>, vector<16xf32>,
      %add3A_147 = arith.addf %add3A_140, %get3A_146 : vector<16xf32>
      %mul3A_148 = arith.constant 16 : i32
      %mul3A_149 = arith.muli %scan3A_52, %mul3A_148 : i32
      %get3A_150 = arith.constant 14 : i32
      %get3A_151 = arith.index_cast %get3A_150 : i32 to index
      %get3A_152 = arith.index_cast %mul3A_149 : i32 to index
      %get3A_153 = tpu.vector_load %arg6[%get3A_151, %get3A_152] {strides = array<i32>} : memref<16x1024xf32, #tpu.memory_space<vmem>>, vector<16xf32>,
      %add3A_154 = arith.addf %add3A_147, %get3A_153 : vector<16xf32>
      %mul3A_155 = arith.constant 16 : i32
      %mul3A_156 = arith.muli %scan3A_52, %mul3A_155 : i32
      %get3A_157 = arith.constant 15 : i32
      %get3A_158 = arith.index_cast %get3A_157 : i32 to index
      %get3A_159 = arith.index_cast %mul3A_156 : i32 to index
      %get3A_160 = tpu.vector_load %arg6[%get3A_158, %get3A_159] {strides = array<i32>} : memref<16x1024xf32, #tpu.memory_space<vmem>>, vector<16xf32>,
      %add3A_161 = arith.addf %add3A_154, %get3A_160 : vector<16xf32>
      %add3A_162 = arith.constant 1.000000e+00 : f32
      %add3A_163 = vector.broadcast %add3A_162 : f32 to vector<16xf32>
      %add3A_164 = arith.addf %add3A_161, %add3A_163 : vector<16xf32>
      %bitcast3A = vector.bitcast %add3A_164 : vector<16xf32> to vector<16xi32>
      %shift_right_arithmetic3A = arith.constant 1 : i32
      %shift_right_arithmetic3A_165 = vector.broadcast %shift_right_arithmetic3A : i32 to vector<16xi32>
      %shift_right_arithmetic3A_166 = arith.shrsi %bitcast3A, %shift_right_arithmetic3A_165 : vector<16xi32>
      %sub3A = arith.constant 1597463007 : i32
      %sub3A_167 = vector.broadcast %sub3A : i32 to vector<16xi32>
      %sub3A_168 = arith.subi %sub3A_167, %shift_right_arithmetic3A_166 : vector<16xi32>
      %bitcast3A_169 = vector.bitcast %sub3A_168 : vector<16xi32> to vector<16xf32>
      %mul3A_170 = arith.constant 5.000000e-01 : f32
      %mul3A_171 = vector.broadcast %mul3A_170 : f32 to vector<16xf32>
      %mul3A_172 = arith.mulf %mul3A_171, %add3A_164 : vector<16xf32>
      %mul3A_173 = arith.mulf %mul3A_172, %bitcast3A_169 : vector<16xf32>
      %mul3A_174 = arith.mulf %mul3A_173, %bitcast3A_169 : vector<16xf32>
      %sub3A_175 = arith.constant 1.500000e+00 : f32
      %sub3A_176 = vector.broadcast %sub3A_175 : f32 to vector<16xf32>
      %sub3A_177 = arith.subf %sub3A_176, %mul3A_174 : vector<16xf32>
      %mul3A_178 = arith.mulf %bitcast3A_169, %sub3A_177 : vector<16xf32>
      %mul3A_179 = arith.mulf %mul3A_172, %mul3A_178 : vector<16xf32>
      %mul3A_180 = arith.mulf %mul3A_179, %mul3A_178 : vector<16xf32>
      %sub3A_181 = arith.constant 1.500000e+00 : f32
      %sub3A_182 = vector.broadcast %sub3A_181 : f32 to vector<16xf32>
      %sub3A_183 = arith.subf %sub3A_182, %mul3A_180 : vector<16xf32>
      %mul3A_184 = arith.mulf %mul3A_178, %sub3A_183 : vector<16xf32>
      %mul3A_185 = arith.mulf %mul3A_172, %mul3A_184 : vector<16xf32>
      %mul3A_186 = arith.mulf %mul3A_185, %mul3A_184 : vector<16xf32>
      %sub3A_187 = arith.constant 1.500000e+00 : f32
      %sub3A_188 = vector.broadcast %sub3A_187 : f32 to vector<16xf32>
      %sub3A_189 = arith.subf %sub3A_188, %mul3A_186 : vector<16xf32>
      %mul3A_190 = arith.mulf %mul3A_184, %sub3A_189 : vector<16xf32>
      %mul3A_191 = arith.constant 16 : i32
      %mul3A_192 = arith.muli %scan3A_52, %mul3A_191 : i32
      %swap3A = arith.index_cast %mul3A_192 : i32 to index
      %swap3A_193 = tpu.vector_load %arg5[%swap3A] {strides = array<i32>} : memref<16384xf32, #tpu.memory_space<vmem>>, vector<16xf32>,
      tpu.vector_store %arg5[%swap3A], %mul3A_190 {strides = array<i32>} : memref<16384xf32, #tpu.memory_space<vmem>>, vector<16xf32>,
    }
    %scan3A_51 = arith.constant 64 : i32
    "tpu.region"() ({
      %run_scoped3A_52 = tpu.sem_alloc : memref<!tpu.dma_semaphore, #tpu.memory_space<semaphore_mem>>
      %dma_start3A = arith.constant 0 : i32
      %dma_start3A_53 = tpu.memref_slice %arg5[%dma_start3A] : memref<16384xf32, #tpu.memory_space<vmem>> -> memref<1024xf32, #tpu.memory_space<vmem>>
      %dma_start3A_54 = tpu.memref_slice %arg3[%mul3A_14] : memref<16384xf32, #tpu.memory_space<hbm>> -> memref<1024xf32, #tpu.memory_space<hbm>>
      %dma_start3A_55 = tpu.memref_slice %arg3[%mul3A_14] : memref<16384xf32, #tpu.memory_space<hbm>> -> memref<1024xf32, #tpu.memory_space<hbm>>
      %dma_start3A_56 = arith.constant 0 : i32
      %dma_start3A_57 = tpu.memref_slice %arg5[%dma_start3A_56] : memref<16384xf32, #tpu.memory_space<vmem>> -> memref<1024xf32, #tpu.memory_space<vmem>>
      tpu.enqueue_dma source(%dma_start3A_57 : memref<1024xf32, #tpu.memory_space<vmem>>) target(%dma_start3A_55 : memref<1024xf32, #tpu.memory_space<hbm>>) target_semaphore(%run_scoped3A_52 : memref<!tpu.dma_semaphore, #tpu.memory_space<semaphore_mem>>)
      %dma_wait3A = arith.constant 0 : i32
      %dma_wait3A_58 = tpu.memref_slice %arg5[%dma_wait3A] : memref<16384xf32, #tpu.memory_space<vmem>> -> memref<1024xf32, #tpu.memory_space<vmem>>
      %dma_wait3A_59 = tpu.memref_slice %arg3[%mul3A_14] : memref<16384xf32, #tpu.memory_space<hbm>> -> memref<1024xf32, #tpu.memory_space<hbm>>
      %dma_wait3A_60 = tpu.memref_slice %arg3[%mul3A_14] : memref<16384xf32, #tpu.memory_space<hbm>> -> memref<1024xf32, #tpu.memory_space<hbm>>
      %dma_wait3A_61 = arith.constant 0 : i32
      %dma_wait3A_62 = tpu.memref_slice %arg5[%dma_wait3A_61] : memref<16384xf32, #tpu.memory_space<vmem>> -> memref<1024xf32, #tpu.memory_space<vmem>>
      tpu.wait_dma2 semaphore(%run_scoped3A_52 : memref<!tpu.dma_semaphore, #tpu.memory_space<semaphore_mem>>) src(%dma_wait3A_62 : memref<1024xf32, #tpu.memory_space<vmem>>) dst(%dma_wait3A_60 : memref<1024xf32, #tpu.memory_space<hbm>>)
      tpu.yield
    }) : () -> ()
    return
  }
}

#map = affine_map<(d0, d1) -> (0, 0)>
#map1 = affine_map<(d0, d1) -> (0, 0, 0, 0)>
#map2 = affine_map<(d0, d1) -> (0, 0, 0)>
module attributes {stable_mosaic.version = 14 : i64} {
  func.func @_scatter_body(%arg0: i32, %arg1: i32, %arg2: memref<10000x128xf32, #tpu.memory_space<hbm>>, %arg3: memref<32x2x40x125xi32, #tpu.memory_space<hbm>>, %arg4: memref<32x80x125xi32, #tpu.memory_space<hbm>>, %arg5: memref<2x10112x128xf32, #tpu.memory_space<hbm>>, %arg6: memref<40x125xi32, #tpu.memory_space<vmem>>, %arg7: memref<80x125xi32, #tpu.memory_space<vmem>>, %arg8: memref<2x125x128xf32, #tpu.memory_space<vmem>>, %arg9: memref<!tpu.dma_semaphore, #tpu.memory_space<semaphore_mem>>, %arg10: memref<10112x128xf32, #tpu.memory_space<vmem_shared>>) attributes {dimension_semantics = [#tpu.dimension_semantics<core_parallel>, #tpu.dimension_semantics<subcore_parallel>], iteration_bounds = array<i64: 2, 16>, scalar_prefetch = 0 : i64, scratch_operands = 5 : i64, tpu.core_type = #tpu.core_type<sc_vector_subcore>, window_params = [{transform_indices = #map}, {transform_indices = #map1}, {transform_indices = #map2}, {transform_indices = #map2}]} {
    %mul3A = arith.constant 2 : i32
    %mul3A_0 = arith.muli %arg1, %mul3A : i32
    %add3A = arith.addi %mul3A_0, %arg0 : i32
    %broadcast_in_dim3A = arith.constant 0.000000e+00 : f32
    %broadcast_in_dim3A_1 = vector.broadcast %broadcast_in_dim3A : f32 to vector<16xf32>
    %scan3A = arith.constant 0 : i32
    %scan3A_2 = arith.constant 0 : i32
    %scan3A_3 = arith.constant 125 : i32
    %scan3A_4 = arith.addi %scan3A_2, %scan3A_3 : i32
    %scan3A_5 = arith.constant 1 : i32
    scf.for %scan3A_33 = %scan3A_2 to %scan3A_4 step %scan3A_5  : i32 {
      %scan3A_34 = arith.constant 0 : i32
      %scan3A_35 = arith.constant 8 : i32
      %scan3A_36 = arith.addi %scan3A_34, %scan3A_35 : i32
      %scan3A_37 = arith.constant 1 : i32
      scf.for %scan3A_39 = %scan3A_34 to %scan3A_36 step %scan3A_37  : i32 {
        %mul3A_40 = arith.constant 16 : i32
        %mul3A_41 = arith.muli %scan3A_39, %mul3A_40 : i32
        %swap3A = arith.constant 0 : i32
        %swap3A_42 = arith.index_cast %swap3A : i32 to index
        %swap3A_43 = arith.index_cast %scan3A_33 : i32 to index
        %swap3A_44 = arith.index_cast %mul3A_41 : i32 to index
        %swap3A_45 = tpu.vector_load %arg8[%swap3A_42, %swap3A_43, %swap3A_44] {strides = array<i32>} : memref<2x125x128xf32, #tpu.memory_space<vmem>>, vector<1x1x16xf32>,
        %swap3A_46 = vector.shape_cast %swap3A_45 : vector<1x1x16xf32> to vector<16xf32>
        %swap3A_47 = vector.shape_cast %broadcast_in_dim3A_1 : vector<16xf32> to vector<1x1x16xf32>
        tpu.vector_store %arg8[%swap3A_42, %swap3A_43, %swap3A_44], %swap3A_47 {strides = array<i32>} : memref<2x125x128xf32, #tpu.memory_space<vmem>>, vector<1x1x16xf32>,
      }
      %scan3A_38 = arith.constant 8 : i32
    }
    %scan3A_6 = arith.constant 125 : i32
    %mul3A_7 = arith.constant 632 : i32
    %mul3A_8 = arith.muli %arg1, %mul3A_7 : i32
    %add3A_9 = arith.constant 0 : i32
    %add3A_10 = arith.addi %mul3A_8, %add3A_9 : i32
    %run_scoped3A = arith.constant 0 : i32
    "tpu.region"() ({
      %run_scoped3A_33 = tpu.sem_alloc : memref<!tpu.dma_semaphore, #tpu.memory_space<semaphore_mem>>
      %dma_start3A = arith.constant 0 : i32
      %dma_start3A_34 = arith.constant 0 : i32
      %dma_start3A_35 = tpu.memref_slice %arg8[%run_scoped3A, %dma_start3A, %dma_start3A_34] : memref<2x125x128xf32, #tpu.memory_space<vmem>> -> memref<1x125x128xf32, #tpu.memory_space<vmem>>
      %dma_start3A_36 = tpu.memref_squeeze %dma_start3A_35 : memref<1x125x128xf32, #tpu.memory_space<vmem>> -> memref<125x128xf32, #tpu.memory_space<vmem>>
      %dma_start3A_37 = arith.constant 0 : i32
      %dma_start3A_38 = tpu.memref_slice %arg10[%add3A_10, %dma_start3A_37] : memref<10112x128xf32, #tpu.memory_space<vmem_shared>> -> memref<125x128xf32, #tpu.memory_space<vmem_shared>>
      %dma_start3A_39 = arith.constant 0 : i32
      %dma_start3A_40 = tpu.memref_slice %arg10[%add3A_10, %dma_start3A_39] : memref<10112x128xf32, #tpu.memory_space<vmem_shared>> -> memref<125x128xf32, #tpu.memory_space<vmem_shared>>
      %dma_start3A_41 = arith.constant 0 : i32
      %dma_start3A_42 = arith.constant 0 : i32
      %dma_start3A_43 = tpu.memref_slice %arg8[%run_scoped3A, %dma_start3A_41, %dma_start3A_42] : memref<2x125x128xf32, #tpu.memory_space<vmem>> -> memref<1x125x128xf32, #tpu.memory_space<vmem>>
      %dma_start3A_44 = tpu.memref_squeeze %dma_start3A_43 : memref<1x125x128xf32, #tpu.memory_space<vmem>> -> memref<125x128xf32, #tpu.memory_space<vmem>>
      tpu.enqueue_dma source(%dma_start3A_44 : memref<125x128xf32, #tpu.memory_space<vmem>>) target(%dma_start3A_40 : memref<125x128xf32, #tpu.memory_space<vmem_shared>>) target_semaphore(%run_scoped3A_33 : memref<!tpu.dma_semaphore, #tpu.memory_space<semaphore_mem>>)
      %dma_wait3A = arith.constant 0 : i32
      %dma_wait3A_45 = arith.constant 0 : i32
      %dma_wait3A_46 = tpu.memref_slice %arg8[%run_scoped3A, %dma_wait3A, %dma_wait3A_45] : memref<2x125x128xf32, #tpu.memory_space<vmem>> -> memref<1x125x128xf32, #tpu.memory_space<vmem>>
      %dma_wait3A_47 = tpu.memref_squeeze %dma_wait3A_46 : memref<1x125x128xf32, #tpu.memory_space<vmem>> -> memref<125x128xf32, #tpu.memory_space<vmem>>
      %dma_wait3A_48 = arith.constant 0 : i32
      %dma_wait3A_49 = tpu.memref_slice %arg10[%add3A_10, %dma_wait3A_48] : memref<10112x128xf32, #tpu.memory_space<vmem_shared>> -> memref<125x128xf32, #tpu.memory_space<vmem_shared>>
      %dma_wait3A_50 = arith.constant 0 : i32
      %dma_wait3A_51 = tpu.memref_slice %arg10[%add3A_10, %dma_wait3A_50] : memref<10112x128xf32, #tpu.memory_space<vmem_shared>> -> memref<125x128xf32, #tpu.memory_space<vmem_shared>>
      %dma_wait3A_52 = arith.constant 0 : i32
      %dma_wait3A_53 = arith.constant 0 : i32
      %dma_wait3A_54 = tpu.memref_slice %arg8[%run_scoped3A, %dma_wait3A_52, %dma_wait3A_53] : memref<2x125x128xf32, #tpu.memory_space<vmem>> -> memref<1x125x128xf32, #tpu.memory_space<vmem>>
      %dma_wait3A_55 = tpu.memref_squeeze %dma_wait3A_54 : memref<1x125x128xf32, #tpu.memory_space<vmem>> -> memref<125x128xf32, #tpu.memory_space<vmem>>
      tpu.wait_dma2 semaphore(%run_scoped3A_33 : memref<!tpu.dma_semaphore, #tpu.memory_space<semaphore_mem>>) src(%dma_wait3A_55 : memref<125x128xf32, #tpu.memory_space<vmem>>) dst(%dma_wait3A_51 : memref<125x128xf32, #tpu.memory_space<vmem_shared>>)
      tpu.yield
    }) : () -> ()
    %add3A_11 = arith.constant 125 : i32
    %add3A_12 = arith.addi %mul3A_8, %add3A_11 : i32
    %run_scoped3A_13 = arith.constant 0 : i32
    "tpu.region"() ({
      %run_scoped3A_33 = tpu.sem_alloc : memref<!tpu.dma_semaphore, #tpu.memory_space<semaphore_mem>>
      %dma_start3A = arith.constant 0 : i32
      %dma_start3A_34 = arith.constant 0 : i32
      %dma_start3A_35 = tpu.memref_slice %arg8[%run_scoped3A_13, %dma_start3A, %dma_start3A_34] : memref<2x125x128xf32, #tpu.memory_space<vmem>> -> memref<1x125x128xf32, #tpu.memory_space<vmem>>
      %dma_start3A_36 = tpu.memref_squeeze %dma_start3A_35 : memref<1x125x128xf32, #tpu.memory_space<vmem>> -> memref<125x128xf32, #tpu.memory_space<vmem>>
      %dma_start3A_37 = arith.constant 0 : i32
      %dma_start3A_38 = tpu.memref_slice %arg10[%add3A_12, %dma_start3A_37] : memref<10112x128xf32, #tpu.memory_space<vmem_shared>> -> memref<125x128xf32, #tpu.memory_space<vmem_shared>>
      %dma_start3A_39 = arith.constant 0 : i32
      %dma_start3A_40 = tpu.memref_slice %arg10[%add3A_12, %dma_start3A_39] : memref<10112x128xf32, #tpu.memory_space<vmem_shared>> -> memref<125x128xf32, #tpu.memory_space<vmem_shared>>
      %dma_start3A_41 = arith.constant 0 : i32
      %dma_start3A_42 = arith.constant 0 : i32
      %dma_start3A_43 = tpu.memref_slice %arg8[%run_scoped3A_13, %dma_start3A_41, %dma_start3A_42] : memref<2x125x128xf32, #tpu.memory_space<vmem>> -> memref<1x125x128xf32, #tpu.memory_space<vmem>>
      %dma_start3A_44 = tpu.memref_squeeze %dma_start3A_43 : memref<1x125x128xf32, #tpu.memory_space<vmem>> -> memref<125x128xf32, #tpu.memory_space<vmem>>
      tpu.enqueue_dma source(%dma_start3A_44 : memref<125x128xf32, #tpu.memory_space<vmem>>) target(%dma_start3A_40 : memref<125x128xf32, #tpu.memory_space<vmem_shared>>) target_semaphore(%run_scoped3A_33 : memref<!tpu.dma_semaphore, #tpu.memory_space<semaphore_mem>>)
      %dma_wait3A = arith.constant 0 : i32
      %dma_wait3A_45 = arith.constant 0 : i32
      %dma_wait3A_46 = tpu.memref_slice %arg8[%run_scoped3A_13, %dma_wait3A, %dma_wait3A_45] : memref<2x125x128xf32, #tpu.memory_space<vmem>> -> memref<1x125x128xf32, #tpu.memory_space<vmem>>
      %dma_wait3A_47 = tpu.memref_squeeze %dma_wait3A_46 : memref<1x125x128xf32, #tpu.memory_space<vmem>> -> memref<125x128xf32, #tpu.memory_space<vmem>>
      %dma_wait3A_48 = arith.constant 0 : i32
      %dma_wait3A_49 = tpu.memref_slice %arg10[%add3A_12, %dma_wait3A_48] : memref<10112x128xf32, #tpu.memory_space<vmem_shared>> -> memref<125x128xf32, #tpu.memory_space<vmem_shared>>
      %dma_wait3A_50 = arith.constant 0 : i32
      %dma_wait3A_51 = tpu.memref_slice %arg10[%add3A_12, %dma_wait3A_50] : memref<10112x128xf32, #tpu.memory_space<vmem_shared>> -> memref<125x128xf32, #tpu.memory_space<vmem_shared>>
      %dma_wait3A_52 = arith.constant 0 : i32
      %dma_wait3A_53 = arith.constant 0 : i32
      %dma_wait3A_54 = tpu.memref_slice %arg8[%run_scoped3A_13, %dma_wait3A_52, %dma_wait3A_53] : memref<2x125x128xf32, #tpu.memory_space<vmem>> -> memref<1x125x128xf32, #tpu.memory_space<vmem>>
      %dma_wait3A_55 = tpu.memref_squeeze %dma_wait3A_54 : memref<1x125x128xf32, #tpu.memory_space<vmem>> -> memref<125x128xf32, #tpu.memory_space<vmem>>
      tpu.wait_dma2 semaphore(%run_scoped3A_33 : memref<!tpu.dma_semaphore, #tpu.memory_space<semaphore_mem>>) src(%dma_wait3A_55 : memref<125x128xf32, #tpu.memory_space<vmem>>) dst(%dma_wait3A_51 : memref<125x128xf32, #tpu.memory_space<vmem_shared>>)
      tpu.yield
    }) : () -> ()
    %add3A_14 = arith.constant 250 : i32
    %add3A_15 = arith.addi %mul3A_8, %add3A_14 : i32
    %run_scoped3A_16 = arith.constant 0 : i32
    "tpu.region"() ({
      %run_scoped3A_33 = tpu.sem_alloc : memref<!tpu.dma_semaphore, #tpu.memory_space<semaphore_mem>>
      %dma_start3A = arith.constant 0 : i32
      %dma_start3A_34 = arith.constant 0 : i32
      %dma_start3A_35 = tpu.memref_slice %arg8[%run_scoped3A_16, %dma_start3A, %dma_start3A_34] : memref<2x125x128xf32, #tpu.memory_space<vmem>> -> memref<1x125x128xf32, #tpu.memory_space<vmem>>
      %dma_start3A_36 = tpu.memref_squeeze %dma_start3A_35 : memref<1x125x128xf32, #tpu.memory_space<vmem>> -> memref<125x128xf32, #tpu.memory_space<vmem>>
      %dma_start3A_37 = arith.constant 0 : i32
      %dma_start3A_38 = tpu.memref_slice %arg10[%add3A_15, %dma_start3A_37] : memref<10112x128xf32, #tpu.memory_space<vmem_shared>> -> memref<125x128xf32, #tpu.memory_space<vmem_shared>>
      %dma_start3A_39 = arith.constant 0 : i32
      %dma_start3A_40 = tpu.memref_slice %arg10[%add3A_15, %dma_start3A_39] : memref<10112x128xf32, #tpu.memory_space<vmem_shared>> -> memref<125x128xf32, #tpu.memory_space<vmem_shared>>
      %dma_start3A_41 = arith.constant 0 : i32
      %dma_start3A_42 = arith.constant 0 : i32
      %dma_start3A_43 = tpu.memref_slice %arg8[%run_scoped3A_16, %dma_start3A_41, %dma_start3A_42] : memref<2x125x128xf32, #tpu.memory_space<vmem>> -> memref<1x125x128xf32, #tpu.memory_space<vmem>>
      %dma_start3A_44 = tpu.memref_squeeze %dma_start3A_43 : memref<1x125x128xf32, #tpu.memory_space<vmem>> -> memref<125x128xf32, #tpu.memory_space<vmem>>
      tpu.enqueue_dma source(%dma_start3A_44 : memref<125x128xf32, #tpu.memory_space<vmem>>) target(%dma_start3A_40 : memref<125x128xf32, #tpu.memory_space<vmem_shared>>) target_semaphore(%run_scoped3A_33 : memref<!tpu.dma_semaphore, #tpu.memory_space<semaphore_mem>>)
      %dma_wait3A = arith.constant 0 : i32
      %dma_wait3A_45 = arith.constant 0 : i32
      %dma_wait3A_46 = tpu.memref_slice %arg8[%run_scoped3A_16, %dma_wait3A, %dma_wait3A_45] : memref<2x125x128xf32, #tpu.memory_space<vmem>> -> memref<1x125x128xf32, #tpu.memory_space<vmem>>
      %dma_wait3A_47 = tpu.memref_squeeze %dma_wait3A_46 : memref<1x125x128xf32, #tpu.memory_space<vmem>> -> memref<125x128xf32, #tpu.memory_space<vmem>>
      %dma_wait3A_48 = arith.constant 0 : i32
      %dma_wait3A_49 = tpu.memref_slice %arg10[%add3A_15, %dma_wait3A_48] : memref<10112x128xf32, #tpu.memory_space<vmem_shared>> -> memref<125x128xf32, #tpu.memory_space<vmem_shared>>
      %dma_wait3A_50 = arith.constant 0 : i32
      %dma_wait3A_51 = tpu.memref_slice %arg10[%add3A_15, %dma_wait3A_50] : memref<10112x128xf32, #tpu.memory_space<vmem_shared>> -> memref<125x128xf32, #tpu.memory_space<vmem_shared>>
      %dma_wait3A_52 = arith.constant 0 : i32
      %dma_wait3A_53 = arith.constant 0 : i32
      %dma_wait3A_54 = tpu.memref_slice %arg8[%run_scoped3A_16, %dma_wait3A_52, %dma_wait3A_53] : memref<2x125x128xf32, #tpu.memory_space<vmem>> -> memref<1x125x128xf32, #tpu.memory_space<vmem>>
      %dma_wait3A_55 = tpu.memref_squeeze %dma_wait3A_54 : memref<1x125x128xf32, #tpu.memory_space<vmem>> -> memref<125x128xf32, #tpu.memory_space<vmem>>
      tpu.wait_dma2 semaphore(%run_scoped3A_33 : memref<!tpu.dma_semaphore, #tpu.memory_space<semaphore_mem>>) src(%dma_wait3A_55 : memref<125x128xf32, #tpu.memory_space<vmem>>) dst(%dma_wait3A_51 : memref<125x128xf32, #tpu.memory_space<vmem_shared>>)
      tpu.yield
    }) : () -> ()
    %add3A_17 = arith.constant 375 : i32
    %add3A_18 = arith.addi %mul3A_8, %add3A_17 : i32
    %run_scoped3A_19 = arith.constant 0 : i32
    "tpu.region"() ({
      %run_scoped3A_33 = tpu.sem_alloc : memref<!tpu.dma_semaphore, #tpu.memory_space<semaphore_mem>>
      %dma_start3A = arith.constant 0 : i32
      %dma_start3A_34 = arith.constant 0 : i32
      %dma_start3A_35 = tpu.memref_slice %arg8[%run_scoped3A_19, %dma_start3A, %dma_start3A_34] : memref<2x125x128xf32, #tpu.memory_space<vmem>> -> memref<1x125x128xf32, #tpu.memory_space<vmem>>
      %dma_start3A_36 = tpu.memref_squeeze %dma_start3A_35 : memref<1x125x128xf32, #tpu.memory_space<vmem>> -> memref<125x128xf32, #tpu.memory_space<vmem>>
      %dma_start3A_37 = arith.constant 0 : i32
      %dma_start3A_38 = tpu.memref_slice %arg10[%add3A_18, %dma_start3A_37] : memref<10112x128xf32, #tpu.memory_space<vmem_shared>> -> memref<125x128xf32, #tpu.memory_space<vmem_shared>>
      %dma_start3A_39 = arith.constant 0 : i32
      %dma_start3A_40 = tpu.memref_slice %arg10[%add3A_18, %dma_start3A_39] : memref<10112x128xf32, #tpu.memory_space<vmem_shared>> -> memref<125x128xf32, #tpu.memory_space<vmem_shared>>
      %dma_start3A_41 = arith.constant 0 : i32
      %dma_start3A_42 = arith.constant 0 : i32
      %dma_start3A_43 = tpu.memref_slice %arg8[%run_scoped3A_19, %dma_start3A_41, %dma_start3A_42] : memref<2x125x128xf32, #tpu.memory_space<vmem>> -> memref<1x125x128xf32, #tpu.memory_space<vmem>>
      %dma_start3A_44 = tpu.memref_squeeze %dma_start3A_43 : memref<1x125x128xf32, #tpu.memory_space<vmem>> -> memref<125x128xf32, #tpu.memory_space<vmem>>
      tpu.enqueue_dma source(%dma_start3A_44 : memref<125x128xf32, #tpu.memory_space<vmem>>) target(%dma_start3A_40 : memref<125x128xf32, #tpu.memory_space<vmem_shared>>) target_semaphore(%run_scoped3A_33 : memref<!tpu.dma_semaphore, #tpu.memory_space<semaphore_mem>>)
      %dma_wait3A = arith.constant 0 : i32
      %dma_wait3A_45 = arith.constant 0 : i32
      %dma_wait3A_46 = tpu.memref_slice %arg8[%run_scoped3A_19, %dma_wait3A, %dma_wait3A_45] : memref<2x125x128xf32, #tpu.memory_space<vmem>> -> memref<1x125x128xf32, #tpu.memory_space<vmem>>
      %dma_wait3A_47 = tpu.memref_squeeze %dma_wait3A_46 : memref<1x125x128xf32, #tpu.memory_space<vmem>> -> memref<125x128xf32, #tpu.memory_space<vmem>>
      %dma_wait3A_48 = arith.constant 0 : i32
      %dma_wait3A_49 = tpu.memref_slice %arg10[%add3A_18, %dma_wait3A_48] : memref<10112x128xf32, #tpu.memory_space<vmem_shared>> -> memref<125x128xf32, #tpu.memory_space<vmem_shared>>
      %dma_wait3A_50 = arith.constant 0 : i32
      %dma_wait3A_51 = tpu.memref_slice %arg10[%add3A_18, %dma_wait3A_50] : memref<10112x128xf32, #tpu.memory_space<vmem_shared>> -> memref<125x128xf32, #tpu.memory_space<vmem_shared>>
      %dma_wait3A_52 = arith.constant 0 : i32
      %dma_wait3A_53 = arith.constant 0 : i32
      %dma_wait3A_54 = tpu.memref_slice %arg8[%run_scoped3A_19, %dma_wait3A_52, %dma_wait3A_53] : memref<2x125x128xf32, #tpu.memory_space<vmem>> -> memref<1x125x128xf32, #tpu.memory_space<vmem>>
      %dma_wait3A_55 = tpu.memref_squeeze %dma_wait3A_54 : memref<1x125x128xf32, #tpu.memory_space<vmem>> -> memref<125x128xf32, #tpu.memory_space<vmem>>
      tpu.wait_dma2 semaphore(%run_scoped3A_33 : memref<!tpu.dma_semaphore, #tpu.memory_space<semaphore_mem>>) src(%dma_wait3A_55 : memref<125x128xf32, #tpu.memory_space<vmem>>) dst(%dma_wait3A_51 : memref<125x128xf32, #tpu.memory_space<vmem_shared>>)
      tpu.yield
    }) : () -> ()
    %add3A_20 = arith.constant 500 : i32
    %add3A_21 = arith.addi %mul3A_8, %add3A_20 : i32
    %run_scoped3A_22 = arith.constant 0 : i32
    "tpu.region"() ({
      %run_scoped3A_33 = tpu.sem_alloc : memref<!tpu.dma_semaphore, #tpu.memory_space<semaphore_mem>>
      %dma_start3A = arith.constant 0 : i32
      %dma_start3A_34 = arith.constant 0 : i32
      %dma_start3A_35 = tpu.memref_slice %arg8[%run_scoped3A_22, %dma_start3A, %dma_start3A_34] : memref<2x125x128xf32, #tpu.memory_space<vmem>> -> memref<1x125x128xf32, #tpu.memory_space<vmem>>
      %dma_start3A_36 = tpu.memref_squeeze %dma_start3A_35 : memref<1x125x128xf32, #tpu.memory_space<vmem>> -> memref<125x128xf32, #tpu.memory_space<vmem>>
      %dma_start3A_37 = arith.constant 0 : i32
      %dma_start3A_38 = tpu.memref_slice %arg10[%add3A_21, %dma_start3A_37] : memref<10112x128xf32, #tpu.memory_space<vmem_shared>> -> memref<125x128xf32, #tpu.memory_space<vmem_shared>>
      %dma_start3A_39 = arith.constant 0 : i32
      %dma_start3A_40 = tpu.memref_slice %arg10[%add3A_21, %dma_start3A_39] : memref<10112x128xf32, #tpu.memory_space<vmem_shared>> -> memref<125x128xf32, #tpu.memory_space<vmem_shared>>
      %dma_start3A_41 = arith.constant 0 : i32
      %dma_start3A_42 = arith.constant 0 : i32
      %dma_start3A_43 = tpu.memref_slice %arg8[%run_scoped3A_22, %dma_start3A_41, %dma_start3A_42] : memref<2x125x128xf32, #tpu.memory_space<vmem>> -> memref<1x125x128xf32, #tpu.memory_space<vmem>>
      %dma_start3A_44 = tpu.memref_squeeze %dma_start3A_43 : memref<1x125x128xf32, #tpu.memory_space<vmem>> -> memref<125x128xf32, #tpu.memory_space<vmem>>
      tpu.enqueue_dma source(%dma_start3A_44 : memref<125x128xf32, #tpu.memory_space<vmem>>) target(%dma_start3A_40 : memref<125x128xf32, #tpu.memory_space<vmem_shared>>) target_semaphore(%run_scoped3A_33 : memref<!tpu.dma_semaphore, #tpu.memory_space<semaphore_mem>>)
      %dma_wait3A = arith.constant 0 : i32
      %dma_wait3A_45 = arith.constant 0 : i32
      %dma_wait3A_46 = tpu.memref_slice %arg8[%run_scoped3A_22, %dma_wait3A, %dma_wait3A_45] : memref<2x125x128xf32, #tpu.memory_space<vmem>> -> memref<1x125x128xf32, #tpu.memory_space<vmem>>
      %dma_wait3A_47 = tpu.memref_squeeze %dma_wait3A_46 : memref<1x125x128xf32, #tpu.memory_space<vmem>> -> memref<125x128xf32, #tpu.memory_space<vmem>>
      %dma_wait3A_48 = arith.constant 0 : i32
      %dma_wait3A_49 = tpu.memref_slice %arg10[%add3A_21, %dma_wait3A_48] : memref<10112x128xf32, #tpu.memory_space<vmem_shared>> -> memref<125x128xf32, #tpu.memory_space<vmem_shared>>
      %dma_wait3A_50 = arith.constant 0 : i32
      %dma_wait3A_51 = tpu.memref_slice %arg10[%add3A_21, %dma_wait3A_50] : memref<10112x128xf32, #tpu.memory_space<vmem_shared>> -> memref<125x128xf32, #tpu.memory_space<vmem_shared>>
      %dma_wait3A_52 = arith.constant 0 : i32
      %dma_wait3A_53 = arith.constant 0 : i32
      %dma_wait3A_54 = tpu.memref_slice %arg8[%run_scoped3A_22, %dma_wait3A_52, %dma_wait3A_53] : memref<2x125x128xf32, #tpu.memory_space<vmem>> -> memref<1x125x128xf32, #tpu.memory_space<vmem>>
      %dma_wait3A_55 = tpu.memref_squeeze %dma_wait3A_54 : memref<1x125x128xf32, #tpu.memory_space<vmem>> -> memref<125x128xf32, #tpu.memory_space<vmem>>
      tpu.wait_dma2 semaphore(%run_scoped3A_33 : memref<!tpu.dma_semaphore, #tpu.memory_space<semaphore_mem>>) src(%dma_wait3A_55 : memref<125x128xf32, #tpu.memory_space<vmem>>) dst(%dma_wait3A_51 : memref<125x128xf32, #tpu.memory_space<vmem_shared>>)
      tpu.yield
    }) : () -> ()
    %add3A_23 = arith.constant 625 : i32
    %add3A_24 = arith.addi %mul3A_8, %add3A_23 : i32
    %run_scoped3A_25 = arith.constant 0 : i32
    "tpu.region"() ({
      %run_scoped3A_33 = tpu.sem_alloc : memref<!tpu.dma_semaphore, #tpu.memory_space<semaphore_mem>>
      %dma_start3A = arith.constant 0 : i32
      %dma_start3A_34 = arith.constant 0 : i32
      %dma_start3A_35 = tpu.memref_slice %arg8[%run_scoped3A_25, %dma_start3A, %dma_start3A_34] : memref<2x125x128xf32, #tpu.memory_space<vmem>> -> memref<1x7x128xf32, #tpu.memory_space<vmem>>
      %dma_start3A_36 = tpu.memref_squeeze %dma_start3A_35 : memref<1x7x128xf32, #tpu.memory_space<vmem>> -> memref<7x128xf32, #tpu.memory_space<vmem>>
      %dma_start3A_37 = arith.constant 0 : i32
      %dma_start3A_38 = tpu.memref_slice %arg10[%add3A_24, %dma_start3A_37] : memref<10112x128xf32, #tpu.memory_space<vmem_shared>> -> memref<7x128xf32, #tpu.memory_space<vmem_shared>>
      %dma_start3A_39 = arith.constant 0 : i32
      %dma_start3A_40 = tpu.memref_slice %arg10[%add3A_24, %dma_start3A_39] : memref<10112x128xf32, #tpu.memory_space<vmem_shared>> -> memref<7x128xf32, #tpu.memory_space<vmem_shared>>
      %dma_start3A_41 = arith.constant 0 : i32
      %dma_start3A_42 = arith.constant 0 : i32
      %dma_start3A_43 = tpu.memref_slice %arg8[%run_scoped3A_25, %dma_start3A_41, %dma_start3A_42] : memref<2x125x128xf32, #tpu.memory_space<vmem>> -> memref<1x7x128xf32, #tpu.memory_space<vmem>>
      %dma_start3A_44 = tpu.memref_squeeze %dma_start3A_43 : memref<1x7x128xf32, #tpu.memory_space<vmem>> -> memref<7x128xf32, #tpu.memory_space<vmem>>
      tpu.enqueue_dma source(%dma_start3A_44 : memref<7x128xf32, #tpu.memory_space<vmem>>) target(%dma_start3A_40 : memref<7x128xf32, #tpu.memory_space<vmem_shared>>) target_semaphore(%run_scoped3A_33 : memref<!tpu.dma_semaphore, #tpu.memory_space<semaphore_mem>>)
      %dma_wait3A = arith.constant 0 : i32
      %dma_wait3A_45 = arith.constant 0 : i32
      %dma_wait3A_46 = tpu.memref_slice %arg8[%run_scoped3A_25, %dma_wait3A, %dma_wait3A_45] : memref<2x125x128xf32, #tpu.memory_space<vmem>> -> memref<1x7x128xf32, #tpu.memory_space<vmem>>
      %dma_wait3A_47 = tpu.memref_squeeze %dma_wait3A_46 : memref<1x7x128xf32, #tpu.memory_space<vmem>> -> memref<7x128xf32, #tpu.memory_space<vmem>>
      %dma_wait3A_48 = arith.constant 0 : i32
      %dma_wait3A_49 = tpu.memref_slice %arg10[%add3A_24, %dma_wait3A_48] : memref<10112x128xf32, #tpu.memory_space<vmem_shared>> -> memref<7x128xf32, #tpu.memory_space<vmem_shared>>
      %dma_wait3A_50 = arith.constant 0 : i32
      %dma_wait3A_51 = tpu.memref_slice %arg10[%add3A_24, %dma_wait3A_50] : memref<10112x128xf32, #tpu.memory_space<vmem_shared>> -> memref<7x128xf32, #tpu.memory_space<vmem_shared>>
      %dma_wait3A_52 = arith.constant 0 : i32
      %dma_wait3A_53 = arith.constant 0 : i32
      %dma_wait3A_54 = tpu.memref_slice %arg8[%run_scoped3A_25, %dma_wait3A_52, %dma_wait3A_53] : memref<2x125x128xf32, #tpu.memory_space<vmem>> -> memref<1x7x128xf32, #tpu.memory_space<vmem>>
      %dma_wait3A_55 = tpu.memref_squeeze %dma_wait3A_54 : memref<1x7x128xf32, #tpu.memory_space<vmem>> -> memref<7x128xf32, #tpu.memory_space<vmem>>
      tpu.wait_dma2 semaphore(%run_scoped3A_33 : memref<!tpu.dma_semaphore, #tpu.memory_space<semaphore_mem>>) src(%dma_wait3A_55 : memref<7x128xf32, #tpu.memory_space<vmem>>) dst(%dma_wait3A_51 : memref<7x128xf32, #tpu.memory_space<vmem_shared>>)
      tpu.yield
    }) : () -> ()
    "tpu.region"() ({
      %run_scoped3A_33 = tpu.sem_alloc : memref<!tpu.dma_semaphore, #tpu.memory_space<semaphore_mem>>
      %dma_start3A = arith.constant 0 : i32
      %dma_start3A_34 = arith.constant 0 : i32
      %dma_start3A_35 = tpu.memref_slice %arg4[%add3A, %dma_start3A, %dma_start3A_34] : memref<32x80x125xi32, #tpu.memory_space<hbm>> -> memref<1x80x125xi32, #tpu.memory_space<hbm>>
      %dma_start3A_36 = tpu.memref_squeeze %dma_start3A_35 : memref<1x80x125xi32, #tpu.memory_space<hbm>> -> memref<80x125xi32, #tpu.memory_space<hbm>>
      %dma_start3A_37 = arith.constant 0 : i32
      %dma_start3A_38 = arith.constant 0 : i32
      %dma_start3A_39 = tpu.memref_slice %arg4[%add3A, %dma_start3A_37, %dma_start3A_38] : memref<32x80x125xi32, #tpu.memory_space<hbm>> -> memref<1x80x125xi32, #tpu.memory_space<hbm>>
      %dma_start3A_40 = tpu.memref_squeeze %dma_start3A_39 : memref<1x80x125xi32, #tpu.memory_space<hbm>> -> memref<80x125xi32, #tpu.memory_space<hbm>>
      tpu.enqueue_dma source(%dma_start3A_40 : memref<80x125xi32, #tpu.memory_space<hbm>>) target(%arg7 : memref<80x125xi32, #tpu.memory_space<vmem>>) target_semaphore(%run_scoped3A_33 : memref<!tpu.dma_semaphore, #tpu.memory_space<semaphore_mem>>)
      %dma_wait3A = arith.constant 0 : i32
      %dma_wait3A_41 = arith.constant 0 : i32
      %dma_wait3A_42 = tpu.memref_slice %arg4[%add3A, %dma_wait3A, %dma_wait3A_41] : memref<32x80x125xi32, #tpu.memory_space<hbm>> -> memref<1x80x125xi32, #tpu.memory_space<hbm>>
      %dma_wait3A_43 = tpu.memref_squeeze %dma_wait3A_42 : memref<1x80x125xi32, #tpu.memory_space<hbm>> -> memref<80x125xi32, #tpu.memory_space<hbm>>
      %dma_wait3A_44 = arith.constant 0 : i32
      %dma_wait3A_45 = arith.constant 0 : i32
      %dma_wait3A_46 = tpu.memref_slice %arg4[%add3A, %dma_wait3A_44, %dma_wait3A_45] : memref<32x80x125xi32, #tpu.memory_space<hbm>> -> memref<1x80x125xi32, #tpu.memory_space<hbm>>
      %dma_wait3A_47 = tpu.memref_squeeze %dma_wait3A_46 : memref<1x80x125xi32, #tpu.memory_space<hbm>> -> memref<80x125xi32, #tpu.memory_space<hbm>>
      tpu.wait_dma2 semaphore(%run_scoped3A_33 : memref<!tpu.dma_semaphore, #tpu.memory_space<semaphore_mem>>) src(%dma_wait3A_47 : memref<80x125xi32, #tpu.memory_space<hbm>>) dst(%arg7 : memref<80x125xi32, #tpu.memory_space<vmem>>)
      tpu.yield
    }) : () -> ()
    %barrier3A = arith.constant 0 : index
    tpu.barrier barrier_id(%barrier3A)
    %scan3A_26 = arith.constant 0 : i32
    %scan3A_27 = arith.constant 0 : i32
    %scan3A_28 = arith.constant 2 : i32
    %scan3A_29 = arith.addi %scan3A_27, %scan3A_28 : i32
    %scan3A_30 = arith.constant 1 : i32
    scf.for %scan3A_33 = %scan3A_27 to %scan3A_29 step %scan3A_30  : i32 {
      "tpu.region"() ({
        %run_scoped3A_41 = tpu.sem_alloc : memref<!tpu.dma_semaphore, #tpu.memory_space<semaphore_mem>>
        %dma_start3A = arith.constant 0 : i32
        %dma_start3A_42 = arith.constant 0 : i32
        %dma_start3A_43 = tpu.memref_slice %arg3[%add3A, %scan3A_33, %dma_start3A, %dma_start3A_42] : memref<32x2x40x125xi32, #tpu.memory_space<hbm>> -> memref<1x1x40x125xi32, #tpu.memory_space<hbm>>
        %dma_start3A_44 = tpu.memref_squeeze %dma_start3A_43 : memref<1x1x40x125xi32, #tpu.memory_space<hbm>> -> memref<40x125xi32, #tpu.memory_space<hbm>>
        %dma_start3A_45 = arith.constant 0 : i32
        %dma_start3A_46 = arith.constant 0 : i32
        %dma_start3A_47 = tpu.memref_slice %arg3[%add3A, %scan3A_33, %dma_start3A_45, %dma_start3A_46] : memref<32x2x40x125xi32, #tpu.memory_space<hbm>> -> memref<1x1x40x125xi32, #tpu.memory_space<hbm>>
        %dma_start3A_48 = tpu.memref_squeeze %dma_start3A_47 : memref<1x1x40x125xi32, #tpu.memory_space<hbm>> -> memref<40x125xi32, #tpu.memory_space<hbm>>
        tpu.enqueue_dma source(%dma_start3A_48 : memref<40x125xi32, #tpu.memory_space<hbm>>) target(%arg6 : memref<40x125xi32, #tpu.memory_space<vmem>>) target_semaphore(%run_scoped3A_41 : memref<!tpu.dma_semaphore, #tpu.memory_space<semaphore_mem>>)
        %dma_wait3A = arith.constant 0 : i32
        %dma_wait3A_49 = arith.constant 0 : i32
        %dma_wait3A_50 = tpu.memref_slice %arg3[%add3A, %scan3A_33, %dma_wait3A, %dma_wait3A_49] : memref<32x2x40x125xi32, #tpu.memory_space<hbm>> -> memref<1x1x40x125xi32, #tpu.memory_space<hbm>>
        %dma_wait3A_51 = tpu.memref_squeeze %dma_wait3A_50 : memref<1x1x40x125xi32, #tpu.memory_space<hbm>> -> memref<40x125xi32, #tpu.memory_space<hbm>>
        %dma_wait3A_52 = arith.constant 0 : i32
        %dma_wait3A_53 = arith.constant 0 : i32
        %dma_wait3A_54 = tpu.memref_slice %arg3[%add3A, %scan3A_33, %dma_wait3A_52, %dma_wait3A_53] : memref<32x2x40x125xi32, #tpu.memory_space<hbm>> -> memref<1x1x40x125xi32, #tpu.memory_space<hbm>>
        %dma_wait3A_55 = tpu.memref_squeeze %dma_wait3A_54 : memref<1x1x40x125xi32, #tpu.memory_space<hbm>> -> memref<40x125xi32, #tpu.memory_space<hbm>>
        tpu.wait_dma2 semaphore(%run_scoped3A_41 : memref<!tpu.dma_semaphore, #tpu.memory_space<semaphore_mem>>) src(%dma_wait3A_55 : memref<40x125xi32, #tpu.memory_space<hbm>>) dst(%arg6 : memref<40x125xi32, #tpu.memory_space<vmem>>)
        tpu.yield
      }) : () -> ()
      %mul3A_34 = arith.constant 40 : i32
      %mul3A_35 = arith.muli %scan3A_33, %mul3A_34 : i32
      %scan3A_36 = arith.constant 0 : i32
      %scan3A_37 = arith.constant 20 : i32
      %scan3A_38 = arith.addi %scan3A_36, %scan3A_37 : i32
      %scan3A_39 = arith.constant 1 : i32
      scf.for %scan3A_41 = %scan3A_36 to %scan3A_38 step %scan3A_39  : i32 {
        %mul3A_42 = arith.constant 2 : i32
        %mul3A_43 = arith.muli %mul3A_42, %scan3A_41 : i32
        %mul3A_44 = arith.constant 2 : i32
        %mul3A_45 = arith.muli %mul3A_44, %scan3A_41 : i32
        %add3A_46 = arith.constant 1 : i32
        %add3A_47 = arith.addi %mul3A_45, %add3A_46 : i32
        %dma_start3A = arith.constant 0 : i32
        %dma_start3A_48 = arith.constant 0 : i32
        %dma_start3A_49 = arith.constant 0 : i32
        %dma_start3A_50 = tpu.memref_slice %arg8[%dma_start3A, %dma_start3A_48, %dma_start3A_49] : memref<2x125x128xf32, #tpu.memory_space<vmem>> -> memref<1x125x128xf32, #tpu.memory_space<vmem>>
        %dma_start3A_51 = tpu.memref_squeeze %dma_start3A_50 : memref<1x125x128xf32, #tpu.memory_space<vmem>> -> memref<125x128xf32, #tpu.memory_space<vmem>>
        %dma_start3A_52 = arith.constant 0 : i32
        %dma_start3A_53 = tpu.memref_slice %arg6[%mul3A_43, %dma_start3A_52] : memref<40x125xi32, #tpu.memory_space<vmem>> -> memref<1x125xi32, #tpu.memory_space<vmem>>
        %dma_start3A_54 = tpu.memref_squeeze %dma_start3A_53 : memref<1x125xi32, #tpu.memory_space<vmem>> -> memref<125xi32, #tpu.memory_space<vmem>>
        %dma_start3A_55 = arith.constant 0 : i32
        %dma_start3A_56 = arith.constant 0 : i32
        %dma_start3A_57 = tpu.memref_slice %arg2[%dma_start3A_55, %dma_start3A_56] : memref<10000x128xf32, #tpu.memory_space<hbm>> -> memref<10000x128xf32, #tpu.memory_space<hbm>>
        tpu.enqueue_indirect_dma source(%dma_start3A_57 : memref<10000x128xf32, #tpu.memory_space<hbm>>) target(%dma_start3A_51 : memref<125x128xf32, #tpu.memory_space<vmem>>) offsets(%dma_start3A_54 : memref<125xi32, #tpu.memory_space<vmem>>) semaphore(%arg9 : memref<!tpu.dma_semaphore, #tpu.memory_space<semaphore_mem>>)
        %dma_start3A_58 = arith.constant 1 : i32
        %dma_start3A_59 = arith.constant 0 : i32
        %dma_start3A_60 = arith.constant 0 : i32
        %dma_start3A_61 = tpu.memref_slice %arg8[%dma_start3A_58, %dma_start3A_59, %dma_start3A_60] : memref<2x125x128xf32, #tpu.memory_space<vmem>> -> memref<1x125x128xf32, #tpu.memory_space<vmem>>
        %dma_start3A_62 = tpu.memref_squeeze %dma_start3A_61 : memref<1x125x128xf32, #tpu.memory_space<vmem>> -> memref<125x128xf32, #tpu.memory_space<vmem>>
        %dma_start3A_63 = arith.constant 0 : i32
        %dma_start3A_64 = tpu.memref_slice %arg6[%add3A_47, %dma_start3A_63] : memref<40x125xi32, #tpu.memory_space<vmem>> -> memref<1x125xi32, #tpu.memory_space<vmem>>
        %dma_start3A_65 = tpu.memref_squeeze %dma_start3A_64 : memref<1x125xi32, #tpu.memory_space<vmem>> -> memref<125xi32, #tpu.memory_space<vmem>>
        %dma_start3A_66 = arith.constant 0 : i32
        %dma_start3A_67 = arith.constant 0 : i32
        %dma_start3A_68 = tpu.memref_slice %arg2[%dma_start3A_66, %dma_start3A_67] : memref<10000x128xf32, #tpu.memory_space<hbm>> -> memref<10000x128xf32, #tpu.memory_space<hbm>>
        tpu.enqueue_indirect_dma source(%dma_start3A_68 : memref<10000x128xf32, #tpu.memory_space<hbm>>) target(%dma_start3A_62 : memref<125x128xf32, #tpu.memory_space<vmem>>) offsets(%dma_start3A_65 : memref<125xi32, #tpu.memory_space<vmem>>) semaphore(%arg9 : memref<!tpu.dma_semaphore, #tpu.memory_space<semaphore_mem>>)
        %dma_wait3A = arith.constant 0 : i32
        %dma_wait3A_69 = arith.constant 0 : i32
        %dma_wait3A_70 = arith.constant 0 : i32
        %dma_wait3A_71 = tpu.memref_slice %arg8[%dma_wait3A, %dma_wait3A_69, %dma_wait3A_70] : memref<2x125x128xf32, #tpu.memory_space<vmem>> -> memref<1x125x128xf32, #tpu.memory_space<vmem>>
        %dma_wait3A_72 = tpu.memref_squeeze %dma_wait3A_71 : memref<1x125x128xf32, #tpu.memory_space<vmem>> -> memref<125x128xf32, #tpu.memory_space<vmem>>
        %dma_wait3A_73 = arith.constant 0 : i32
        %dma_wait3A_74 = tpu.memref_slice %arg6[%mul3A_43, %dma_wait3A_73] : memref<40x125xi32, #tpu.memory_space<vmem>> -> memref<1x125xi32, #tpu.memory_space<vmem>>
        %dma_wait3A_75 = tpu.memref_squeeze %dma_wait3A_74 : memref<1x125xi32, #tpu.memory_space<vmem>> -> memref<125xi32, #tpu.memory_space<vmem>>
        %dma_wait3A_76 = arith.constant 0 : i32
        %dma_wait3A_77 = arith.constant 0 : i32
        %dma_wait3A_78 = tpu.memref_slice %arg2[%dma_wait3A_76, %dma_wait3A_77] : memref<10000x128xf32, #tpu.memory_space<hbm>> -> memref<10000x128xf32, #tpu.memory_space<hbm>>
        tpu.wait_indirect_dma semaphore(%arg9 : memref<!tpu.dma_semaphore, #tpu.memory_space<semaphore_mem>>) src(%dma_wait3A_78 : memref<10000x128xf32, #tpu.memory_space<hbm>>) dst(%dma_wait3A_72 : memref<125x128xf32, #tpu.memory_space<vmem>>)
        %add3A_79 = arith.addi %mul3A_35, %mul3A_43 : i32
        %run_scoped3A_80 = arith.constant 0 : i32
        "tpu.region"() ({
          %run_scoped3A_94 = tpu.sem_alloc : memref<!tpu.dma_semaphore, #tpu.memory_space<semaphore_mem>>
          %dma_start3A_95 = arith.constant 0 : i32
          %dma_start3A_96 = arith.constant 0 : i32
          %dma_start3A_97 = tpu.memref_slice %arg8[%run_scoped3A_80, %dma_start3A_95, %dma_start3A_96] : memref<2x125x128xf32, #tpu.memory_space<vmem>> -> memref<1x125x128xf32, #tpu.memory_space<vmem>>
          %dma_start3A_98 = tpu.memref_squeeze %dma_start3A_97 : memref<1x125x128xf32, #tpu.memory_space<vmem>> -> memref<125x128xf32, #tpu.memory_space<vmem>>
          %dma_start3A_99 = arith.constant 0 : i32
          %dma_start3A_100 = tpu.memref_slice %arg7[%add3A_79, %dma_start3A_99] : memref<80x125xi32, #tpu.memory_space<vmem>> -> memref<1x125xi32, #tpu.memory_space<vmem>>
          %dma_start3A_101 = tpu.memref_squeeze %dma_start3A_100 : memref<1x125xi32, #tpu.memory_space<vmem>> -> memref<125xi32, #tpu.memory_space<vmem>>
          %dma_start3A_102 = arith.constant 0 : i32
          %dma_start3A_103 = arith.constant 0 : i32
          %dma_start3A_104 = tpu.memref_slice %arg10[%dma_start3A_102, %dma_start3A_103] : memref<10112x128xf32, #tpu.memory_space<vmem_shared>> -> memref<10112x128xf32, #tpu.memory_space<vmem_shared>>
          tpu.enqueue_indirect_dma source(%dma_start3A_98 : memref<125x128xf32, #tpu.memory_space<vmem>>) target(%dma_start3A_104 : memref<10112x128xf32, #tpu.memory_space<vmem_shared>>) offsets(%dma_start3A_101 : memref<125xi32, #tpu.memory_space<vmem>>) semaphore(%run_scoped3A_94 : memref<!tpu.dma_semaphore, #tpu.memory_space<semaphore_mem>>) {add = true}
          %dma_wait3A_105 = arith.constant 0 : i32
          %dma_wait3A_106 = arith.constant 0 : i32
          %dma_wait3A_107 = tpu.memref_slice %arg8[%run_scoped3A_80, %dma_wait3A_105, %dma_wait3A_106] : memref<2x125x128xf32, #tpu.memory_space<vmem>> -> memref<1x125x128xf32, #tpu.memory_space<vmem>>
          %dma_wait3A_108 = tpu.memref_squeeze %dma_wait3A_107 : memref<1x125x128xf32, #tpu.memory_space<vmem>> -> memref<125x128xf32, #tpu.memory_space<vmem>>
          %dma_wait3A_109 = arith.constant 0 : i32
          %dma_wait3A_110 = tpu.memref_slice %arg7[%add3A_79, %dma_wait3A_109] : memref<80x125xi32, #tpu.memory_space<vmem>> -> memref<1x125xi32, #tpu.memory_space<vmem>>
          %dma_wait3A_111 = tpu.memref_squeeze %dma_wait3A_110 : memref<1x125xi32, #tpu.memory_space<vmem>> -> memref<125xi32, #tpu.memory_space<vmem>>
          %dma_wait3A_112 = arith.constant 0 : i32
          %dma_wait3A_113 = arith.constant 0 : i32
          %dma_wait3A_114 = tpu.memref_slice %arg10[%dma_wait3A_112, %dma_wait3A_113] : memref<10112x128xf32, #tpu.memory_space<vmem_shared>> -> memref<10112x128xf32, #tpu.memory_space<vmem_shared>>
          tpu.wait_indirect_dma semaphore(%run_scoped3A_94 : memref<!tpu.dma_semaphore, #tpu.memory_space<semaphore_mem>>) src(%dma_wait3A_108 : memref<125x128xf32, #tpu.memory_space<vmem>>) dst(%dma_wait3A_114 : memref<10112x128xf32, #tpu.memory_space<vmem_shared>>)
          tpu.yield
        }) : () -> ()
        %dma_wait3A_81 = arith.constant 1 : i32
        %dma_wait3A_82 = arith.constant 0 : i32
        %dma_wait3A_83 = arith.constant 0 : i32
        %dma_wait3A_84 = tpu.memref_slice %arg8[%dma_wait3A_81, %dma_wait3A_82, %dma_wait3A_83] : memref<2x125x128xf32, #tpu.memory_space<vmem>> -> memref<1x125x128xf32, #tpu.memory_space<vmem>>
        %dma_wait3A_85 = tpu.memref_squeeze %dma_wait3A_84 : memref<1x125x128xf32, #tpu.memory_space<vmem>> -> memref<125x128xf32, #tpu.memory_space<vmem>>
        %dma_wait3A_86 = arith.constant 0 : i32
        %dma_wait3A_87 = tpu.memref_slice %arg6[%add3A_47, %dma_wait3A_86] : memref<40x125xi32, #tpu.memory_space<vmem>> -> memref<1x125xi32, #tpu.memory_space<vmem>>
        %dma_wait3A_88 = tpu.memref_squeeze %dma_wait3A_87 : memref<1x125xi32, #tpu.memory_space<vmem>> -> memref<125xi32, #tpu.memory_space<vmem>>
        %dma_wait3A_89 = arith.constant 0 : i32
        %dma_wait3A_90 = arith.constant 0 : i32
        %dma_wait3A_91 = tpu.memref_slice %arg2[%dma_wait3A_89, %dma_wait3A_90] : memref<10000x128xf32, #tpu.memory_space<hbm>> -> memref<10000x128xf32, #tpu.memory_space<hbm>>
        tpu.wait_indirect_dma semaphore(%arg9 : memref<!tpu.dma_semaphore, #tpu.memory_space<semaphore_mem>>) src(%dma_wait3A_91 : memref<10000x128xf32, #tpu.memory_space<hbm>>) dst(%dma_wait3A_85 : memref<125x128xf32, #tpu.memory_space<vmem>>)
        %add3A_92 = arith.addi %mul3A_35, %add3A_47 : i32
        %run_scoped3A_93 = arith.constant 1 : i32
        "tpu.region"() ({
          %run_scoped3A_94 = tpu.sem_alloc : memref<!tpu.dma_semaphore, #tpu.memory_space<semaphore_mem>>
          %dma_start3A_95 = arith.constant 0 : i32
          %dma_start3A_96 = arith.constant 0 : i32
          %dma_start3A_97 = tpu.memref_slice %arg8[%run_scoped3A_93, %dma_start3A_95, %dma_start3A_96] : memref<2x125x128xf32, #tpu.memory_space<vmem>> -> memref<1x125x128xf32, #tpu.memory_space<vmem>>
          %dma_start3A_98 = tpu.memref_squeeze %dma_start3A_97 : memref<1x125x128xf32, #tpu.memory_space<vmem>> -> memref<125x128xf32, #tpu.memory_space<vmem>>
          %dma_start3A_99 = arith.constant 0 : i32
          %dma_start3A_100 = tpu.memref_slice %arg7[%add3A_92, %dma_start3A_99] : memref<80x125xi32, #tpu.memory_space<vmem>> -> memref<1x125xi32, #tpu.memory_space<vmem>>
          %dma_start3A_101 = tpu.memref_squeeze %dma_start3A_100 : memref<1x125xi32, #tpu.memory_space<vmem>> -> memref<125xi32, #tpu.memory_space<vmem>>
          %dma_start3A_102 = arith.constant 0 : i32
          %dma_start3A_103 = arith.constant 0 : i32
          %dma_start3A_104 = tpu.memref_slice %arg10[%dma_start3A_102, %dma_start3A_103] : memref<10112x128xf32, #tpu.memory_space<vmem_shared>> -> memref<10112x128xf32, #tpu.memory_space<vmem_shared>>
          tpu.enqueue_indirect_dma source(%dma_start3A_98 : memref<125x128xf32, #tpu.memory_space<vmem>>) target(%dma_start3A_104 : memref<10112x128xf32, #tpu.memory_space<vmem_shared>>) offsets(%dma_start3A_101 : memref<125xi32, #tpu.memory_space<vmem>>) semaphore(%run_scoped3A_94 : memref<!tpu.dma_semaphore, #tpu.memory_space<semaphore_mem>>) {add = true}
          %dma_wait3A_105 = arith.constant 0 : i32
          %dma_wait3A_106 = arith.constant 0 : i32
          %dma_wait3A_107 = tpu.memref_slice %arg8[%run_scoped3A_93, %dma_wait3A_105, %dma_wait3A_106] : memref<2x125x128xf32, #tpu.memory_space<vmem>> -> memref<1x125x128xf32, #tpu.memory_space<vmem>>
          %dma_wait3A_108 = tpu.memref_squeeze %dma_wait3A_107 : memref<1x125x128xf32, #tpu.memory_space<vmem>> -> memref<125x128xf32, #tpu.memory_space<vmem>>
          %dma_wait3A_109 = arith.constant 0 : i32
          %dma_wait3A_110 = tpu.memref_slice %arg7[%add3A_92, %dma_wait3A_109] : memref<80x125xi32, #tpu.memory_space<vmem>> -> memref<1x125xi32, #tpu.memory_space<vmem>>
          %dma_wait3A_111 = tpu.memref_squeeze %dma_wait3A_110 : memref<1x125xi32, #tpu.memory_space<vmem>> -> memref<125xi32, #tpu.memory_space<vmem>>
          %dma_wait3A_112 = arith.constant 0 : i32
          %dma_wait3A_113 = arith.constant 0 : i32
          %dma_wait3A_114 = tpu.memref_slice %arg10[%dma_wait3A_112, %dma_wait3A_113] : memref<10112x128xf32, #tpu.memory_space<vmem_shared>> -> memref<10112x128xf32, #tpu.memory_space<vmem_shared>>
          tpu.wait_indirect_dma semaphore(%run_scoped3A_94 : memref<!tpu.dma_semaphore, #tpu.memory_space<semaphore_mem>>) src(%dma_wait3A_108 : memref<125x128xf32, #tpu.memory_space<vmem>>) dst(%dma_wait3A_114 : memref<10112x128xf32, #tpu.memory_space<vmem_shared>>)
          tpu.yield
        }) : () -> ()
      }
      %scan3A_40 = arith.constant 20 : i32
    }
    %scan3A_31 = arith.constant 2 : i32
    %barrier3A_32 = arith.constant 0 : index
    tpu.barrier barrier_id(%barrier3A_32)
    "tpu.region"() ({
      %run_scoped3A_33 = tpu.sem_alloc : memref<!tpu.dma_semaphore, #tpu.memory_space<semaphore_mem>>
      %dma_start3A = arith.constant 0 : i32
      %dma_start3A_34 = tpu.memref_slice %arg5[%arg0, %mul3A_8, %dma_start3A] : memref<2x10112x128xf32, #tpu.memory_space<hbm>> -> memref<1x632x128xf32, #tpu.memory_space<hbm>>
      %dma_start3A_35 = tpu.memref_squeeze %dma_start3A_34 : memref<1x632x128xf32, #tpu.memory_space<hbm>> -> memref<632x128xf32, #tpu.memory_space<hbm>>
      %dma_start3A_36 = arith.constant 0 : i32
      %dma_start3A_37 = tpu.memref_slice %arg10[%mul3A_8, %dma_start3A_36] : memref<10112x128xf32, #tpu.memory_space<vmem_shared>> -> memref<632x128xf32, #tpu.memory_space<vmem_shared>>
      tpu.enqueue_dma source(%dma_start3A_37 : memref<632x128xf32, #tpu.memory_space<vmem_shared>>) target(%dma_start3A_35 : memref<632x128xf32, #tpu.memory_space<hbm>>) target_semaphore(%run_scoped3A_33 : memref<!tpu.dma_semaphore, #tpu.memory_space<semaphore_mem>>)
      %dma_wait3A = arith.constant 0 : i32
      %dma_wait3A_38 = tpu.memref_slice %arg5[%arg0, %mul3A_8, %dma_wait3A] : memref<2x10112x128xf32, #tpu.memory_space<hbm>> -> memref<1x632x128xf32, #tpu.memory_space<hbm>>
      %dma_wait3A_39 = tpu.memref_squeeze %dma_wait3A_38 : memref<1x632x128xf32, #tpu.memory_space<hbm>> -> memref<632x128xf32, #tpu.memory_space<hbm>>
      %dma_wait3A_40 = arith.constant 0 : i32
      %dma_wait3A_41 = tpu.memref_slice %arg10[%mul3A_8, %dma_wait3A_40] : memref<10112x128xf32, #tpu.memory_space<vmem_shared>> -> memref<632x128xf32, #tpu.memory_space<vmem_shared>>
      tpu.wait_dma2 semaphore(%run_scoped3A_33 : memref<!tpu.dma_semaphore, #tpu.memory_space<semaphore_mem>>) src(%dma_wait3A_41 : memref<632x128xf32, #tpu.memory_space<vmem_shared>>) dst(%dma_wait3A_39 : memref<632x128xf32, #tpu.memory_space<hbm>>)
      tpu.yield
    }) : () -> ()
    return
  }
}

module attributes {stable_mosaic.version = 14 : i64} {
  func.func @_k1_body(%arg0: i32, %arg1: memref<2000x128xf32, #tpu.memory_space<vmem>>, %arg2: memref<128x128xf32, #tpu.memory_space<vmem>>, %arg3: memref<2000x1xf32, #tpu.memory_space<vmem>>, %arg4: memref<2000x128xf32, #tpu.memory_space<vmem>>) attributes {dimension_semantics = [#tpu.dimension_semantics<arbitrary>], iteration_bounds = array<i64: 5>, scalar_prefetch = 0 : i64, scratch_operands = 0 : i64, tpu.core_type = #tpu.core_type<tc>, window_params = [{transform_indices = @transform_0, window_bounds = array<i64: 2000, 128>}, {pipeline_mode = #tpu.pipeline_mode<synchronous>, transform_indices = @transform_1, window_bounds = array<i64: 128, 128>}, {transform_indices = @transform_2, window_bounds = array<i64: 2000, 1>}, {transform_indices = @transform_3, window_bounds = array<i64: 2000, 128>}]} {
    %get3A = arith.constant 0 : index
    %get3A_0 = arith.constant 0 : index
    %get3A_1 = vector.load %arg1[%get3A, %get3A_0] : memref<2000x128xf32, #tpu.memory_space<vmem>>, vector<2000x128xf32>
    %get3A_2 = arith.constant 0 : index
    %get3A_3 = arith.constant 0 : index
    %get3A_4 = vector.load %arg2[%get3A_2, %get3A_3] : memref<128x128xf32, #tpu.memory_space<vmem>>, vector<128x128xf32>
    %dot_general3A = arith.constant dense<0.000000e+00> : vector<2000x128xf32>
    %dot_general3A_5 = tpu.matmul %get3A_1, %get3A_4, %dot_general3A {dimension_numbers = #tpu.dot_dimension_numbers<[1], [0], [0], [1], [0, 0, 1, 1], [], []>, transpose_lhs_hint = false} : vector<2000x128xf32>, vector<128x128xf32>, vector<2000x128xf32> -> vector<2000x128xf32>
    %get3A_6 = arith.constant 0 : index
    %get3A_7 = arith.constant 0 : index
    %get3A_8 = vector.load %arg3[%get3A_6, %get3A_7] : memref<2000x1xf32, #tpu.memory_space<vmem>>, vector<2000x1xf32>
    %mul3A = vector.broadcast %get3A_8 : vector<2000x1xf32> to vector<2000x128xf32>
    %mul3A_9 = arith.mulf %dot_general3A_5, %mul3A : vector<2000x128xf32>
    %swap3A = arith.constant 0 : index
    %swap3A_10 = arith.constant 0 : index
    %swap3A_11 = vector.load %arg4[%swap3A, %swap3A_10] : memref<2000x128xf32, #tpu.memory_space<vmem>>, vector<2000x128xf32>
    tpu.vector_store %arg4[%swap3A, %swap3A_10], %mul3A_9 {strides = array<i32>} : memref<2000x128xf32, #tpu.memory_space<vmem>>, vector<2000x128xf32>,
    return
  }
  func.func @transform_0(%arg0: i32) -> (i32, i32) {
    %c0_i32 = arith.constant 0 : i32
    %c0_i32_0 = arith.constant 0 : i32
    return %arg0, %c0_i32 : i32, i32
  }
  func.func @transform_1(%arg0: i32) -> (i32, i32) {
    %c0_i32 = arith.constant 0 : i32
    %c0_i32_0 = arith.constant 0 : i32
    %c0_i32_1 = arith.constant 0 : i32
    return %c0_i32, %c0_i32_0 : i32, i32
  }
  func.func @transform_2(%arg0: i32) -> (i32, i32) {
    %c0_i32 = arith.constant 0 : i32
    %c0_i32_0 = arith.constant 0 : i32
    return %arg0, %c0_i32 : i32, i32
  }
  func.func @transform_3(%arg0: i32) -> (i32, i32) {
    %c0_i32 = arith.constant 0 : i32
    %c0_i32_0 = arith.constant 0 : i32
    return %arg0, %c0_i32 : i32, i32
  }
}

module attributes {stable_mosaic.version = 14 : i64} {
  func.func @_k2_body(%arg0: i32, %arg1: memref<1x2000x128xf32, #tpu.memory_space<vmem>>, %arg2: memref<1x2000x128xf32, #tpu.memory_space<vmem>>, %arg3: memref<2000x128xf32, #tpu.memory_space<vmem>>, %arg4: memref<2000x1xf32, #tpu.memory_space<vmem>>, %arg5: memref<1x128xf32, #tpu.memory_space<vmem>>, %arg6: memref<128x128xf32, #tpu.memory_space<vmem>>, %arg7: memref<2000x128xf32, #tpu.memory_space<vmem>>) attributes {dimension_semantics = [#tpu.dimension_semantics<arbitrary>], iteration_bounds = array<i64: 5>, scalar_prefetch = 0 : i64, scratch_operands = 0 : i64, tpu.core_type = #tpu.core_type<tc>, window_params = [{transform_indices = @transform_0, window_bounds = array<i64: 1, 2000, 128>}, {transform_indices = @transform_1, window_bounds = array<i64: 1, 2000, 128>}, {transform_indices = @transform_2, window_bounds = array<i64: 2000, 128>}, {transform_indices = @transform_3, window_bounds = array<i64: 2000, 1>}, {pipeline_mode = #tpu.pipeline_mode<synchronous>, transform_indices = @transform_4, window_bounds = array<i64: 1, 128>}, {pipeline_mode = #tpu.pipeline_mode<synchronous>, transform_indices = @transform_5, window_bounds = array<i64: 128, 128>}, {transform_indices = @transform_6, window_bounds = array<i64: 2000, 128>}]} {
    %get3A = arith.constant 0 : index
    %get3A_0 = arith.constant 0 : index
    %get3A_1 = arith.constant 0 : index
    %get3A_2 = vector.load %arg1[%get3A, %get3A_0, %get3A_1] : memref<1x2000x128xf32, #tpu.memory_space<vmem>>, vector<1x2000x128xf32>
    %get3A_3 = vector.shape_cast %get3A_2 : vector<1x2000x128xf32> to vector<2000x128xf32>
    %get3A_4 = arith.constant 0 : index
    %get3A_5 = arith.constant 0 : index
    %get3A_6 = arith.constant 0 : index
    %get3A_7 = vector.load %arg2[%get3A_4, %get3A_5, %get3A_6] : memref<1x2000x128xf32, #tpu.memory_space<vmem>>, vector<1x2000x128xf32>
    %get3A_8 = vector.shape_cast %get3A_7 : vector<1x2000x128xf32> to vector<2000x128xf32>
    %add3A = arith.addf %get3A_3, %get3A_8 : vector<2000x128xf32>
    %get3A_9 = arith.constant 0 : index
    %get3A_10 = arith.constant 0 : index
    %get3A_11 = vector.load %arg3[%get3A_9, %get3A_10] : memref<2000x128xf32, #tpu.memory_space<vmem>>, vector<2000x128xf32>
    %add3A_12 = arith.addf %add3A, %get3A_11 : vector<2000x128xf32>
    %get3A_13 = arith.constant 0 : index
    %get3A_14 = arith.constant 0 : index
    %get3A_15 = vector.load %arg4[%get3A_13, %get3A_14] : memref<2000x1xf32, #tpu.memory_space<vmem>>, vector<2000x1xf32>
    %mul3A = vector.broadcast %get3A_15 : vector<2000x1xf32> to vector<2000x128xf32>
    %mul3A_16 = arith.mulf %add3A_12, %mul3A : vector<2000x128xf32>
    %get3A_17 = arith.constant 0 : index
    %get3A_18 = arith.constant 0 : index
    %get3A_19 = vector.load %arg5[%get3A_17, %get3A_18] : memref<1x128xf32, #tpu.memory_space<vmem>>, vector<1x128xf32>
    %add3A_20 = vector.broadcast %get3A_19 : vector<1x128xf32> to vector<2000x128xf32>
    %add3A_21 = arith.addf %mul3A_16, %add3A_20 : vector<2000x128xf32>
    %max3A = arith.constant 0.000000e+00 : f32
    %max3A_22 = vector.broadcast %max3A : f32 to vector<2000x128xf32>
    %max3A_23 = arith.maximumf %add3A_21, %max3A_22 : vector<2000x128xf32>
    %get3A_24 = arith.constant 0 : index
    %get3A_25 = arith.constant 0 : index
    %get3A_26 = vector.load %arg6[%get3A_24, %get3A_25] : memref<128x128xf32, #tpu.memory_space<vmem>>, vector<128x128xf32>
    %dot_general3A = arith.constant dense<0.000000e+00> : vector<2000x128xf32>
    %dot_general3A_27 = tpu.matmul %max3A_23, %get3A_26, %dot_general3A {dimension_numbers = #tpu.dot_dimension_numbers<[1], [0], [0], [1], [0, 0, 1, 1], [], []>, transpose_lhs_hint = false} : vector<2000x128xf32>, vector<128x128xf32>, vector<2000x128xf32> -> vector<2000x128xf32>
    %get3A_28 = arith.constant 0 : index
    %get3A_29 = arith.constant 0 : index
    %get3A_30 = vector.load %arg4[%get3A_28, %get3A_29] : memref<2000x1xf32, #tpu.memory_space<vmem>>, vector<2000x1xf32>
    %mul3A_31 = vector.broadcast %get3A_30 : vector<2000x1xf32> to vector<2000x128xf32>
    %mul3A_32 = arith.mulf %dot_general3A_27, %mul3A_31 : vector<2000x128xf32>
    %swap3A = arith.constant 0 : index
    %swap3A_33 = arith.constant 0 : index
    %swap3A_34 = vector.load %arg7[%swap3A, %swap3A_33] : memref<2000x128xf32, #tpu.memory_space<vmem>>, vector<2000x128xf32>
    tpu.vector_store %arg7[%swap3A, %swap3A_33], %mul3A_32 {strides = array<i32>} : memref<2000x128xf32, #tpu.memory_space<vmem>>, vector<2000x128xf32>,
    return
  }
  func.func @transform_0(%arg0: i32) -> (i32, i32, i32) {
    %c0_i32 = arith.constant 0 : i32
    %c0_i32_0 = arith.constant 0 : i32
    %c0_i32_1 = arith.constant 0 : i32
    return %c0_i32, %arg0, %c0_i32_0 : i32, i32, i32
  }
  func.func @transform_1(%arg0: i32) -> (i32, i32, i32) {
    %c1_i32 = arith.constant 1 : i32
    %c0_i32 = arith.constant 0 : i32
    %c0_i32_0 = arith.constant 0 : i32
    return %c1_i32, %arg0, %c0_i32 : i32, i32, i32
  }
  func.func @transform_2(%arg0: i32) -> (i32, i32) {
    %c0_i32 = arith.constant 0 : i32
    %c0_i32_0 = arith.constant 0 : i32
    return %arg0, %c0_i32 : i32, i32
  }
  func.func @transform_3(%arg0: i32) -> (i32, i32) {
    %c0_i32 = arith.constant 0 : i32
    %c0_i32_0 = arith.constant 0 : i32
    return %arg0, %c0_i32 : i32, i32
  }
  func.func @transform_4(%arg0: i32) -> (i32, i32) {
    %c0_i32 = arith.constant 0 : i32
    %c0_i32_0 = arith.constant 0 : i32
    %c0_i32_1 = arith.constant 0 : i32
    return %c0_i32, %c0_i32_0 : i32, i32
  }
  func.func @transform_5(%arg0: i32) -> (i32, i32) {
    %c0_i32 = arith.constant 0 : i32
    %c0_i32_0 = arith.constant 0 : i32
    %c0_i32_1 = arith.constant 0 : i32
    return %c0_i32, %c0_i32_0 : i32, i32
  }
  func.func @transform_6(%arg0: i32) -> (i32, i32) {
    %c0_i32 = arith.constant 0 : i32
    %c0_i32_0 = arith.constant 0 : i32
    return %arg0, %c0_i32 : i32, i32
  }
}

module attributes {stable_mosaic.version = 14 : i64} {
  func.func @_k3_body(%arg0: i32, %arg1: memref<1x2000x128xf32, #tpu.memory_space<vmem>>, %arg2: memref<1x2000x128xf32, #tpu.memory_space<vmem>>, %arg3: memref<2000x128xf32, #tpu.memory_space<vmem>>, %arg4: memref<2000x1xf32, #tpu.memory_space<vmem>>, %arg5: memref<1x128xf32, #tpu.memory_space<vmem>>, %arg6: memref<2000x128xf32, #tpu.memory_space<vmem>>) attributes {dimension_semantics = [#tpu.dimension_semantics<arbitrary>], iteration_bounds = array<i64: 5>, scalar_prefetch = 0 : i64, scratch_operands = 0 : i64, tpu.core_type = #tpu.core_type<tc>, window_params = [{transform_indices = @transform_0, window_bounds = array<i64: 1, 2000, 128>}, {transform_indices = @transform_1, window_bounds = array<i64: 1, 2000, 128>}, {transform_indices = @transform_2, window_bounds = array<i64: 2000, 128>}, {transform_indices = @transform_3, window_bounds = array<i64: 2000, 1>}, {pipeline_mode = #tpu.pipeline_mode<synchronous>, transform_indices = @transform_4, window_bounds = array<i64: 1, 128>}, {transform_indices = @transform_5, window_bounds = array<i64: 2000, 128>}]} {
    %get3A = arith.constant 0 : index
    %get3A_0 = arith.constant 0 : index
    %get3A_1 = arith.constant 0 : index
    %get3A_2 = vector.load %arg1[%get3A, %get3A_0, %get3A_1] : memref<1x2000x128xf32, #tpu.memory_space<vmem>>, vector<1x2000x128xf32>
    %get3A_3 = vector.shape_cast %get3A_2 : vector<1x2000x128xf32> to vector<2000x128xf32>
    %get3A_4 = arith.constant 0 : index
    %get3A_5 = arith.constant 0 : index
    %get3A_6 = arith.constant 0 : index
    %get3A_7 = vector.load %arg2[%get3A_4, %get3A_5, %get3A_6] : memref<1x2000x128xf32, #tpu.memory_space<vmem>>, vector<1x2000x128xf32>
    %get3A_8 = vector.shape_cast %get3A_7 : vector<1x2000x128xf32> to vector<2000x128xf32>
    %add3A = arith.addf %get3A_3, %get3A_8 : vector<2000x128xf32>
    %get3A_9 = arith.constant 0 : index
    %get3A_10 = arith.constant 0 : index
    %get3A_11 = vector.load %arg3[%get3A_9, %get3A_10] : memref<2000x128xf32, #tpu.memory_space<vmem>>, vector<2000x128xf32>
    %add3A_12 = arith.addf %add3A, %get3A_11 : vector<2000x128xf32>
    %get3A_13 = arith.constant 0 : index
    %get3A_14 = arith.constant 0 : index
    %get3A_15 = vector.load %arg4[%get3A_13, %get3A_14] : memref<2000x1xf32, #tpu.memory_space<vmem>>, vector<2000x1xf32>
    %mul3A = vector.broadcast %get3A_15 : vector<2000x1xf32> to vector<2000x128xf32>
    %mul3A_16 = arith.mulf %add3A_12, %mul3A : vector<2000x128xf32>
    %get3A_17 = arith.constant 0 : index
    %get3A_18 = arith.constant 0 : index
    %get3A_19 = vector.load %arg5[%get3A_17, %get3A_18] : memref<1x128xf32, #tpu.memory_space<vmem>>, vector<1x128xf32>
    %add3A_20 = vector.broadcast %get3A_19 : vector<1x128xf32> to vector<2000x128xf32>
    %add3A_21 = arith.addf %mul3A_16, %add3A_20 : vector<2000x128xf32>
    %swap3A = arith.constant 0 : index
    %swap3A_22 = arith.constant 0 : index
    %swap3A_23 = vector.load %arg6[%swap3A, %swap3A_22] : memref<2000x128xf32, #tpu.memory_space<vmem>>, vector<2000x128xf32>
    tpu.vector_store %arg6[%swap3A, %swap3A_22], %add3A_21 {strides = array<i32>} : memref<2000x128xf32, #tpu.memory_space<vmem>>, vector<2000x128xf32>,
    return
  }
  func.func @transform_0(%arg0: i32) -> (i32, i32, i32) {
    %c0_i32 = arith.constant 0 : i32
    %c0_i32_0 = arith.constant 0 : i32
    %c0_i32_1 = arith.constant 0 : i32
    return %c0_i32, %arg0, %c0_i32_0 : i32, i32, i32
  }
  func.func @transform_1(%arg0: i32) -> (i32, i32, i32) {
    %c1_i32 = arith.constant 1 : i32
    %c0_i32 = arith.constant 0 : i32
    %c0_i32_0 = arith.constant 0 : i32
    return %c1_i32, %arg0, %c0_i32 : i32, i32, i32
  }
  func.func @transform_2(%arg0: i32) -> (i32, i32) {
    %c0_i32 = arith.constant 0 : i32
    %c0_i32_0 = arith.constant 0 : i32
    return %arg0, %c0_i32 : i32, i32
  }
  func.func @transform_3(%arg0: i32) -> (i32, i32) {
    %c0_i32 = arith.constant 0 : i32
    %c0_i32_0 = arith.constant 0 : i32
    return %arg0, %c0_i32 : i32, i32
  }
  func.func @transform_4(%arg0: i32) -> (i32, i32) {
    %c0_i32 = arith.constant 0 : i32
    %c0_i32_0 = arith.constant 0 : i32
    %c0_i32_1 = arith.constant 0 : i32
    return %c0_i32, %c0_i32_0 : i32, i32
  }
  func.func @transform_5(%arg0: i32) -> (i32, i32) {
    %c0_i32 = arith.constant 0 : i32
    %c0_i32_0 = arith.constant 0 : i32
    return %arg0, %c0_i32 : i32, i32
  }
}

</mosaic_0001>

<sc_bundles>
// kernel: kernel.11.cloned.1.call-start
scs
__scs_entry_jumppad:
0x0: {  	(pc) =	sbr.rel $0x88, $3  }
0x1: {  	(tag) =	ssettag $0x0;
	lr =	simm.s32 $0x1  }
0x2: {  	[smem:$0x3F9B] =	sst lr;
	_ =	strace $0xD0000000  }
0x3: {  	_ = 	snop  }
0x4: {  	_ = 	snop  }
0x5: {  	_ = 	snop  }
0x6: {  	_ = 	snop  }
0x7: {  	_ = 	snop  }
__scs_overlays_trampoline_lowered:
0x8: {  	[smem:$0x3FAA] =	sst s0  }
0x9: {  	[smem:$0x3FAB] =	sst s1  }
0xa: {  	[smem:$0x3FAC] =	sst s2  }
0xb: {  	[smem:$0x3FAD] =	sst s3  }
0xc: {  	[smem:$0x3FAE] =	sst s4  }
0xd: {  	[smem:$0x3FAF] =	sst s5  }
0xe: {  	[smem:$0x3FB0] =	sst s6  }
0xf: {  	[smem:$0x3FB1] =	sst s7  }
0x10: {  	[smem:$0x3FB2] =	sst s8  }
0x11: {  	[smem:$0x3FB3] =	sst s9;
	s0 =	simm.s32 @!p0 $0x0  }
0x12: {  	s1 =	sld [smem:$0x3F99];
	s0 =	simm.s32 @p0 $0x1  }
0x13: {  	[smem:$0x3FB4] =	sst s0;
	s0 =	simm.s32 @!p1 $0x0  }
0x14: {  	s2 =	sld [smem:$0x3F98];
	s0 =	simm.s32 @p1 $0x1  }
0x15: {  	[smem:$0x3FB5] =	sst s0;
	s0 =	simm.s32 @!p2 $0x0  }
0x16: {  	s3 =	sld [smem:$0x3FDB];
	s0 =	simm.s32 @p2 $0x1  }
0x17: {  	s4 =	simm.s32 $0x1BF5;
	[smem:$0x3FB7] =	sst s0  }
0x18: {  	s0 =	sld [smem:$0x3F9A];
	_ =	swait.ge [sflag:s4], $0x0  }
0x19: {  	s7 =	sld [smem:$0x3F9B]  }
0x1a: {  	s8 =	sadd.s32 $0xFFFFE003, lr  }
0x1b: {  	s9 =	sadd.s32 $0xFFFFFEF7, lr;
	s5 =	simm.s32 $0xFFFFFFFF;
	p2 =	slt.u32 s8, $0xFFFFF086  }
0x1c: {  	p1 =	slt.u32 s9, $0xF7A;
	s5 =	simm.s32 @!p2 $0x0  }
0x1d: {  	s5 =	simm.s32 @p1 $0x1;
	p0 =	seq.s32 s7, s2  }
0x1e: {  	s7 =	smul.u32 @!p0 $0xF7A, s2;
	p2 =	seq.s32 @!p0 s5, $0x0  }
0x1f: {  	s9 =	smul.u32 $0xF7A, s1;
	s8 =	simm.s32 @!p0 $0x1BF5;
	p2 =	por !p2, p0  }
0x20: {  	[sflag:s8] =	ssyncset.s32 @!p0 $0xFFFFF086;
	s6 =	sadd.s32 @!p0 s3, s7;
	s7 =	simm.s32 @!p0 $0x108  }
0x21: {  	s3 =	sadd.s32 s3, s9;
	s6 =	sadd.s32 @!p0 $0x88, s6;
	s7 =	simm.s32 @p2 $0x1082  }
0x22: {  	[simem:s7], [sflag:s8] =	dma.local @!p0 [hbm:s6], $0xF7A  }
0x23: {  	s9 =	sor.u32 $0xD0000000, s2;
	s6 =	simm.s32 $0x108;
	_ =	swait.ge @!p0 [sflag:s8], $0x0  }
0x24: {  	s3 =	sadd.s32 $0x88, s3;
	s6 =	simm.s32 @!p1 $0x1082;
	[sflag:s4] =	ssyncset.s32 $0xFFFFF086  }
0x25: {  	[simem:s6], [sflag:s4] =	dma.local [hbm:s3], $0xF7A  }
0x26: {  	[smem:$0x3F9B] =	sst s1;
	(tag) =	ssettag s2;
	_ =	strace s9  }
0x27: {  	s1 =	sld [smem:$0x3FAB]  }
0x28: {  	s2 =	sld [smem:$0x3FAC]  }
0x29: {  	s4 =	sld [smem:$0x3FAE]  }
0x2a: {  	p0 =	seq.s32 s5, $0x0;
	s5 =	sld [smem:$0x3FAF]  }
0x2b: {  	s6 =	sld [smem:$0x3FB0]  }
0x2c: {  	s7 =	sld [smem:$0x3FB1]  }
0x2d: {  	s3 =	simm.s32 $0x108;
	s8 =	sld [smem:$0x3FB2]  }
0x2e: {  	s3 =	simm.s32 @!p0 $0x1082;
	s9 =	sld [smem:$0x3FB3]  }
0x2f: {  	lr =	sadd.s32 s0, s3;
	s0 =	sld [smem:$0x3FAA]  }
0x30: {  	s3 =	sld [smem:$0x3FAD]  }
0x31: {  	[smem:$0x3FB6] =	sst s10  }
0x32: {  	s10 =	sld [smem:$0x3FB4];
	_ =	sdelay $0x3  }
0x33: {  	p0 =	seq.s32 s10, $0x1;
	s10 =	sld [smem:$0x3FB6];
	_ =	sdelay $0x3  }
0x34: {  	[smem:$0x3FB6] =	sst s10  }
0x35: {  	s10 =	sld [smem:$0x3FB5];
	_ =	sdelay $0x3  }
0x36: {  	p1 =	seq.s32 s10, $0x1;
	s10 =	sld [smem:$0x3FB6];
	_ =	sdelay $0x3  }
0x37: {  	[smem:$0x3FB6] =	sst s10  }
0x38: {  	s10 =	sld [smem:$0x3FB7]  }
0x39: {  	_ = 	snop;
	(pc) =	sbr.ind lr, $3  }
0x3a: {  	_ = 	snop  }
0x3b: {  	_ = 	snop  }
0x3c: {  	p2 =	seq.s32 s10, $0x1;
	s10 =	sld [smem:$0x3FB6]  }
0x3d: {  	_ =	shalt  }
0x3e: {  	_ =	shalt  }
0x3f: {  	_ =	shalt  }
0x40: {  	_ =	shalt  }
0x41: {  	_ =	shalt  }
0x42: {  	_ =	shalt  }
0x43: {  	_ =	shalt  }
0x44: {  	_ =	shalt  }
0x45: {  	_ =	shalt  }
0x46: {  	_ =	shalt  }
0x47: {  	_ =	shalt  }
0x48: {  	_ =	shalt  }
0x49: {  	_ =	shalt  }
0x4a: {  	_ =	shalt  }
0x4b: {  	_ =	shalt  }
0x4c: {  	_ =	shalt  }
0x4d: {  	_ =	shalt  }
0x4e: {  	_ =	shalt  }
0x4f: {  	_ =	shalt  }
0x50: {  	_ =	shalt  }
0x51: {  	_ =	shalt  }
0x52: {  	_ =	shalt  }
0x53: {  	_ =	shalt  }
0x54: {  	_ =	shalt  }
0x55: {  	_ =	shalt  }
0x56: {  	_ =	shalt  }
0x57: {  	_ =	shalt  }
0x58: {  	_ =	shalt  }
0x59: {  	_ =	shalt  }
0x5a: {  	_ =	shalt  }
0x5b: {  	_ =	shalt  }
0x5c: {  	_ =	shalt  }
0x5d: {  	_ =	shalt  }
0x5e: {  	_ =	shalt  }
0x5f: {  	_ =	shalt  }
0x60: {  	_ =	shalt  }
0x61: {  	_ =	shalt  }
0x62: {  	_ =	shalt  }
0x63: {  	_ =	shalt  }
0x64: {  	_ =	shalt  }
0x65: {  	_ =	shalt  }
0x66: {  	_ =	shalt  }
0x67: {  	_ =	shalt  }
0x68: {  	_ =	shalt  }
0x69: {  	_ =	shalt  }
0x6a: {  	_ =	shalt  }
0x6b: {  	_ =	shalt  }
0x6c: {  	_ =	shalt  }
0x6d: {  	_ =	shalt  }
0x6e: {  	_ =	shalt  }
0x6f: {  	_ =	shalt  }
0x70: {  	_ =	shalt  }
0x71: {  	_ =	shalt  }
0x72: {  	_ =	shalt  }
0x73: {  	_ =	shalt  }
0x74: {  	_ =	shalt  }
0x75: {  	_ =	shalt  }
0x76: {  	_ =	shalt  }
0x77: {  	_ =	shalt  }
0x78: {  	_ =	shalt  }
0x79: {  	_ =	shalt  }
0x7a: {  	_ =	shalt  }
0x7b: {  	_ =	shalt  }
0x7c: {  	_ =	shalt  }
0x7d: {  	_ =	shalt  }
0x7e: {  	_ =	shalt  }
0x7f: {  	_ =	shalt  }
0x80: {  	_ =	shalt  }
0x81: {  	_ =	shalt  }
0x82: {  	_ =	shalt  }
0x83: {  	_ =	shalt  }
0x84: {  	_ =	shalt  }
0x85: {  	_ =	shalt  }
0x86: {  	_ =	shalt  }
0x87: {  	_ =	shalt  }
.Lfunc_end0:
.L_simem_size_0:
called_computation.1_lowered:
.L_overlay_start_0:
0x88: {  	s2 =	sld [smem:$0x3FD9]  }
0x89: {  	s3 =	sld [smem:$0x3FFE];
	_ =	sdelay $0x1  }
0x8a: {  	s1 =	srdreg.scid  }
0x8b: {  	s0 =	sand.u32 $0x1, s1  }
0x8c: {  	s17 =	sshll.u32 s0, $0xA;
	s2 =	sadd.s32 s3, s2  }
0x8d: {  	s2 =	sadd.s32 s2, s17  }
0x8e: {  	[smem:$0x3FC2] =	sst s2  }
0x8f: {  	_ = 	snop  }
0x90: {  	s2 =	sld [smem:$0x3FD0];
	(tm) =	ssettm $0x1  }
0x91: {  	s18 =	sld [smem:$0x3FFB];
	_ =	sdelay $0x3  }
0x92: {  	_ =	strace s18  }
0x93: {  	s3 =	sld [smem:$0x3FFC];
	_ =	sdelay $0x3  }
0x94: {  	_ =	strace s3  }
0x95: {  	s3 =	sld [smem:$0x3FFD];
	_ =	sdelay $0x3  }
0x96: {  	_ =	strace s3  }
0x97: {  	_ =	strace $0x8FFFFFFF  }
0x98: {  	s19 =	sld [smem:$0x3FDB];
	_ =	sdelay $0x1  }
0x99: {  	s4 =	simm.s32 $_scs_section_size  }
0x9a: {  	s5 =	simm.s32 $_size__tile_overlayer_lowered;
	s6 =	simm.s32 $_tile_overlayer_lowered  }
0x9b: {  	s22 =	simm.s32 $0x1BFF;
	s21 =	sshll.u32 s6, $0x1;
	s3 =	sadd.s32 s4, s19  }
0x9c: {  	s7 =	simm.s32 $0x0;
	s20 =	sshll.u32 s5, $0x1;
	s5 =	sadd.s32 s21, s3  }
0x9d: {  	[timem:s7], [sflag:s22] =	dma.local [hbm:s5], s20  }
0x9e: {  	_ =	swait.ge [sflag:s22], s20  }
0x9f: {  	s4 =	ssub.s32 $0x0, s20;
	[sflag:s22] =	ssyncset.done $0x0  }
0xa0: {  	[sflag:s22] =	ssyncadd.s32 s4;
	_ =	sdelay $0x1  }
0xa1: {  	s23 =	simm.s32 $0x1B8B  }
0xa2: {  	_ =	swait.ge [sflag:s23], $0x1  }
0xa3: {  	[sflag:s23] =	ssyncset.done $0x0  }
0xa4: {  	s25 =	simm.s32 $0x1B8E;
	s24 =	sld [smem:$0x3FFE];
	[sflag:s23] =	ssyncadd.s32 $0xFFFFFFFF  }
0xa5: {  	s26 =	simm.s32 $execute0_lowered;
	[smem:$0x3FD2] =	sst s25  }
0xa6: {  	s5 =	sshll.u32 s26, $0x1;
	_ =	strace $0x80000049;
	[dreg:$0x1] =	wrdreg $0xFFFFFFFF  }
0xa7: {  	s28 =	simm.s32 $_size_execute0_lowered;
	s3 =	sadd.s32 s3, s5;
	[dreg:$0x0] =	wrdreg $0x0  }
0xa8: {  	s5 =	sshll.u32 s28, $0x1;
	[dreg:$0x2] =	wrdreg s3  }
0xa9: {  	[dreg:$0x3] =	wrdreg s5  }
0xaa: {  	[dreg:$0x4] =	wrdreg $0xC0  }
0xab: {  	_ =	task [dreg:s7], $0x5FFFF  }
0xac: {  	[dreg:$0x1] =	wrdreg $0xFFFFFFFF  }
0xad: {  	[dreg:$0x0] =	wrdreg $0x60  }
0xae: {  	[dreg:$0x2] =	wrdreg s2  }
0xaf: {  	[dreg:$0x3] =	wrdreg s24  }
0xb0: {  	[dreg:$0x4] =	wrdreg $0xBC000  }
0xb1: {  	[dreg:$0x5] =	wrdreg $0x9  }
0xb2: {  	_ =	task.clear_ibuf [dreg:s7], $0x6FFFF;
	_ =	strace $0x90000049  }
0xb3: {  	s29 =	simm.s32 $0x9;
	_ =	strace $0x8000004B  }
0xb4: {  	_ =	swait.ge [sflag:s29], $0x1  }
0xb5: {  	[sflag:s29] =	ssyncadd.s32 $0xFFFFFFFF  }
0xb6: {  	_ =	strace $0x9000004B  }
0xb7: {  	_ =	sfence  }
0xb8: {  	s30 =	sld [smem:$0x0];
	_ =	sdelay $0x2  }
0xb9: {  	s31 =	sshll.u32 s1, $0xD;
	s1 =	sshrl.u32 s1, $0x2  }
0xba: {  	s3 =	sand.u32 $0x4000, s31;
	s1 =	sadd.s32 s1, s30  }
0xbb: {  	s0 =	sor.u32 s3, s0;
	s1 =	sshll.u32 s1, $0x11  }
0xbc: {  	s0 =	sor.u32 s1, s0  }
0xbd: {  	s0 =	sadd.s32 $0x8F2B, s0  }
0xbe: {  	[sflag:s0] =	ssyncadd.remote.s32 $0x1  }
0xbf: {  	_ =	sfence.sel $0xFFFF  }
0xc0: {  	[dreg:$0x0] =	wrdreg $0xFFFFFFFF;
	(pc) =	sbr.abs _section_cstart, $3  }
0xc1: {  	[dreg:$0x1] =	wrdreg $0xFFFFFFFF  }
0xc2: {  	_ =	task.clear_ibuf [dreg:s7], $0x2FFFF;
	_ =	strace $0x9FFFFFFF  }
0xc3: {  	(tm) =	ssettm $0x7FFFFFFF  }
tec
execute0_lowered:
.L_overlay_start_1:
0x0: {  	(tag) =	ssettag $0x1  }
0x1: {  	s2 =	rddreg [dreg:$0x0]  }
0x2: {  	s1 =	srdreg.scid;
	s6 =	rddreg [dreg:$0x1]  }
0x3: {  	s0 =	stileid.u32;
	s3 =	rddreg [dreg:$0x2];
	s4 =	simm.s32 $0x0  }
0x4: {  	s16 =	simm.s32 $0x3C00;
	s17 =	simm.s32 $0x2;
	s18 =	simm.s32 $0x1400  }
0x5: {  	s19 =	simm.s32 $0x7D;
	s20 =	simm.s32 $0x7C00;
	s9 =	smul.u32 $0x13C00, s0  }
0x6: {  	s5 =	sand.u32 $0x1, s1;
	s26 =	sshll.u32 s0, $0x1;
	s10 =	smul.u32 $0x4F000, s0  }
0x7: {  	s21 =	simm.s32 $0x1;
	s1 =	sor.u32 s5, s26;
	s8 =	smul.u32 $0x13C000, s5  }
0x8: {  	[smem:$0x7FF] =	sst s4;
	s29 =	ssub.s32 $0x2, s5;
	s7 =	smul.u32 $0x2800, s1  }
0x9: {  	s1 =	rddreg [dreg:$0x3];
	_ =	strace $0x8000004A;
	s30 =	sshrl.u32 s10, $0x2  }
0xa: {  	s31 =	sshrl.u32 s29, $0x1;
	s28 =	sadd.s32 s9, s8;
	s5 =	sadd.s32 s30, s3  }
0xb: {  	s13 =	ssub.s32 s29, s31;
	s7 =	sshrl.u32 s7, $0x3;
	s8 =	sadd.s32 $0xBB80, s5  }
0xc: {  	s9 =	sadd.s32 $0xFA00, s5;
	s15 =	sadd.s32 s7, s6;
	s7 =	sshrl.u32 s28, $0x3  }
0xd: {  	s10 =	sadd.s32 $0x13880, s5;
	s13 =	smax.u32 s13, $0x1;
	s12 =	sadd.s32 s7, s6  }
0xe: {  	s6 =	sadd.s32 $0x3E80, s5;
	s7 =	sadd.s32 $0x7D00, s5;
	s11 =	sadd.s32 $0x2600, s15  }
0xf: {  	v0 =	vimm.f32 $0.0e+00;
	s14 =	sadd.s32 $0xC600, s15;
	s15 =	sadd.s32 $0xC880, s15;
	s12 =	sadd.s32 $0x16600, s12  }
.LBB2_1:
0x10: {  	s22 =	simm.s32 $0x70;
	s23 =	simm.s32 $0x3C0  }
.LBB2_2:
0x11: {  	p0 =	sne.s32 s23, $0xF9C0;
	[tilespmem:s22+$0x3C00] =	vst v0  }
0x12: {  	[tilespmem:s22+$0x3B90] =	vst v0  }
0x13: {  	[tilespmem:s22+$0x3BA0] =	vst v0  }
.Ltmp0:
0x14: {  	[tilespmem:s22+$0x3BB0] =	vst v0;
	(pc) =	sbr.rel @p0 .LBB2_2-.Ltmp0, $4  }
0x15: {  	[tilespmem:s22+$0x3BC0] =	vst v0  }
0x16: {  	[tilespmem:s22+$0x3BD0] =	vst v0  }
0x17: {  	[tilespmem:s22+$0x3BE0] =	vst v0  }
0x18: {  	[tilespmem:s22+$0x3BF0] =	vst v0;
	s22 =	sshra.s32 s23, $0x2;
	s23 =	sadd.s32 $0x200, s23  }
0x19: {  	[tilespmem:s22+$0x3C00] =	vst v0  }
0x1a: {  	[tilespmem:s22+$0x3B90] =	vst v0  }
0x1b: {  	[tilespmem:s22+$0x3BA0] =	vst v0  }
0x1c: {  	[tilespmem:s22+$0x3BB0] =	vst v0  }
0x1d: {  	[tilespmem:s22+$0x3BC0] =	vst v0  }
0x1e: {  	[tilespmem:s22+$0x3BD0] =	vst v0  }
0x1f: {  	[tilespmem:s22+$0x3BE0] =	vst v0  }
0x20: {  	[tilespmem:s22+$0x3BF0] =	vst v0  }
0x21: {  	[spmem:s5] =	stream.linear.scatter [tilespmem:s16], [sflag:$0x2], $0x3E80, $0x38;
	[tilespmem:$0x1F800] =	vst v63  }
0x22: {  	_ =	swait.ge [sflag:s17], $0x3E80  }
0x23: {  	[sflag:s17] =	ssyncset.done $0x0  }
0x24: {  	[sflag:s17] =	ssyncadd.s32 $0xFFFFC180  }
0x25: {  	[spmem:s6] =	stream.linear.scatter [tilespmem:s16], [sflag:$0x2], $0x3E80, $0x38;
	[tilespmem:$0x1F800] =	vst v63  }
0x26: {  	_ =	swait.ge [sflag:s17], $0x3E80  }
0x27: {  	[sflag:s17] =	ssyncset.done $0x0  }
0x28: {  	[sflag:s17] =	ssyncadd.s32 $0xFFFFC180  }
0x29: {  	[spmem:s7] =	stream.linear.scatter [tilespmem:s16], [sflag:$0x2], $0x3E80, $0x38;
	[tilespmem:$0x1F800] =	vst v63  }
0x2a: {  	_ =	swait.ge [sflag:s17], $0x3E80  }
0x2b: {  	[sflag:s17] =	ssyncset.done $0x0  }
0x2c: {  	[sflag:s17] =	ssyncadd.s32 $0xFFFFC180  }
0x2d: {  	[spmem:s8] =	stream.linear.scatter [tilespmem:s16], [sflag:$0x2], $0x3E80, $0x38;
	[tilespmem:$0x1F800] =	vst v63  }
0x2e: {  	_ =	swait.ge [sflag:s17], $0x3E80  }
0x2f: {  	[sflag:s17] =	ssyncset.done $0x0  }
0x30: {  	[sflag:s17] =	ssyncadd.s32 $0xFFFFC180  }
0x31: {  	[spmem:s9] =	stream.linear.scatter [tilespmem:s16], [sflag:$0x2], $0x3E80, $0x38;
	[tilespmem:$0x1F800] =	vst v63  }
0x32: {  	_ =	swait.ge [sflag:s17], $0x3E80  }
0x33: {  	[sflag:s17] =	ssyncset.done $0x0  }
0x34: {  	[sflag:s17] =	ssyncadd.s32 $0xFFFFC180  }
0x35: {  	[spmem:s10] =	stream.linear.scatter [tilespmem:s16], [sflag:$0x2], $0x380, $0x38;
	[tilespmem:$0x1F800] =	vst v63  }
0x36: {  	_ =	swait.ge [sflag:s17], $0x380  }
0x37: {  	[sflag:s17] =	ssyncset.done $0x0  }
0x38: {  	s26 =	simm.s32 $0x0;
	[sflag:s17] =	ssyncadd.s32 $0xFFFFFC80  }
0x39: {  	[tilespmem:s18], [sflag:$0x2] =	stream.linear.gather [hbm4b:s11+s26], $0x2800, $0x38;
	[tilespmem:$0x1F800] =	vst v63  }
0x3a: {  	_ =	swait.ge [sflag:s17], $0x2800  }
0x3b: {  	[sflag:s17] =	ssyncset.done $0x0  }
0x3c: {  	[sflag:s17] =	ssyncadd.s32 $0xFFFFD800  }
0x3d: {  	[bflag:$0x0] =	sbarrier.arrive $0xFFFF  }
0x3e: {  	[tilespmem:s26], [sflag:$0x2] =	stream.linear.gather [hbm4b:s14+s26], $0x1400, $0x38;
	[tilespmem:$0x1F800] =	vst v63  }
0x3f: {  	_ =	swait.ge [sflag:s17], $0x1400  }
0x40: {  	[sflag:s17] =	ssyncset.done $0x0  }
0x41: {  	s28 =	simm.s32 $0x0;
	[sflag:s17] =	ssyncadd.s32 $0xFFFFEC00  }
0x42: {  	[tilespmem:s16], [sflag:$0x1] =	stream.indirect.gather [hbm4b:s2+s19], $0x80, s28, s19, $0xb8;
	[tilespmem:$0x1F800] =	vst v63  }
0x43: {  	s29 =	simm.s32 $0x80  }
0x44: {  	[tilespmem:s20], [sflag:$0x1] =	stream.indirect.gather [hbm4b:s2+s19], $0x80, s29, s19, $0xb8;
	[tilespmem:$0x1F800] =	vst v63  }
0x45: {  	_ =	swait.ge [sflag:s21], $0x3E80  }
0x46: {  	[sflag:s21] =	ssyncset.done $0x0  }
0x47: {  	s30 =	simm.s32 $0x1400;
	[sflag:s21] =	ssyncadd.s32 $0xFFFFC180  }
0x48: {  	[spmem:s3] =	stream.indirect.scatter.add.f32 [tilespmem:s16], [sflag:$0x2], $0x80, s30, s19, $0xb8;
	[tilespmem:$0x1F800] =	vst v63  }
0x49: {  	_ =	swait.ge [sflag:s17], $0x3E80  }
0x4a: {  	[sflag:s17] =	ssyncset.done $0x0  }
0x4b: {  	[sflag:s17] =	ssyncadd.s32 $0xFFFFC180  }
0x4c: {  	_ =	swait.ge [sflag:s21], $0x3E80  }
0x4d: {  	[sflag:s21] =	ssyncset.done $0x0  }
0x4e: {  	s31 =	simm.s32 $0x1480;
	[sflag:s21] =	ssyncadd.s32 $0xFFFFC180  }
0x4f: {  	[spmem:s3] =	stream.indirect.scatter.add.f32 [tilespmem:s20], [sflag:$0x2], $0x80, s31, s19, $0xb8;
	[tilespmem:$0x1F800] =	vst v63  }
0x50: {  	_ =	swait.ge [sflag:s17], $0x3E80  }
0x51: {  	s22 =	simm.s32 $0x400;
	s23 =	simm.s32 $0x800;
	[sflag:s17] =	ssyncset.done $0x0  }
.LBB2_4:
0x52: {  	s24 =	sshra.s32 s22, $0x2  }
0x53: {  	[sflag:s17] =	ssyncadd.s32 $0xFFFFC180;
	s22 =	smov.u32 s23;
	s25 =	sadd.s32 $0x400, s23  }
0x54: {  	[tilespmem:s16], [sflag:$0x1] =	stream.indirect.gather [hbm4b:s2+s19], $0x80, s24, s19, $0xb8;
	[tilespmem:$0x1F800] =	vst v63  }
0x55: {  	p0 =	sne.s32 s23, $0x4C00;
	s23 =	sadd.s32 $0x80, s24  }
0x56: {  	[tilespmem:s20], [sflag:$0x1] =	stream.indirect.gather [hbm4b:s2+s19], $0x80, s23, s19, $0xb8;
	[tilespmem:$0x1F800] =	vst v63  }
0x57: {  	_ =	swait.ge [sflag:s21], $0x3E80  }
0x58: {  	[sflag:s21] =	ssyncset.done $0x0  }
0x59: {  	s23 =	sadd.s32 $0x1400, s24;
	[sflag:s21] =	ssyncadd.s32 $0xFFFFC180  }
0x5a: {  	[spmem:s3] =	stream.indirect.scatter.add.f32 [tilespmem:s16], [sflag:$0x2], $0x80, s23, s19, $0xb8;
	[tilespmem:$0x1F800] =	vst v63  }
0x5b: {  	_ =	swait.ge [sflag:s17], $0x3E80  }
0x5c: {  	[sflag:s17] =	ssyncset.done $0x0  }
0x5d: {  	[sflag:s17] =	ssyncadd.s32 $0xFFFFC180  }
0x5e: {  	_ =	swait.ge [sflag:s21], $0x3E80  }
.Ltmp1:
0x5f: {  	[sflag:s21] =	ssyncset.done $0x0;
	(pc) =	sbr.rel @p0 .LBB2_4-.Ltmp1, $4  }
0x60: {  	s23 =	sadd.s32 $0x1480, s24;
	[sflag:s21] =	ssyncadd.s32 $0xFFFFC180  }
0x61: {  	[spmem:s3] =	stream.indirect.scatter.add.f32 [tilespmem:s20], [sflag:$0x2], $0x80, s23, s19, $0xb8;
	[tilespmem:$0x1F800] =	vst v63  }
0x62: {  	_ =	swait.ge [sflag:s17], $0x3E80  }
0x63: {  	s23 =	smov.u32 s25;
	[sflag:s17] =	ssyncset.done $0x0  }
0x64: {  	s22 =	sshra.s32 s22, $0x2;
	[sflag:s17] =	ssyncadd.s32 $0xFFFFC180  }
0x65: {  	[tilespmem:s16], [sflag:$0x1] =	stream.indirect.gather [hbm4b:s2+s19], $0x80, s22, s19, $0xb8;
	[tilespmem:$0x1F800] =	vst v63  }
0x66: {  	s23 =	sadd.s32 $0x80, s22  }
0x67: {  	[tilespmem:s20], [sflag:$0x1] =	stream.indirect.gather [hbm4b:s2+s19], $0x80, s23, s19, $0xb8;
	[tilespmem:$0x1F800] =	vst v63  }
0x68: {  	_ =	swait.ge [sflag:s21], $0x3E80  }
0x69: {  	[sflag:s21] =	ssyncset.done $0x0  }
0x6a: {  	s25 =	sadd.s32 $0x1400, s22;
	[sflag:s21] =	ssyncadd.s32 $0xFFFFC180  }
0x6b: {  	[spmem:s3] =	stream.indirect.scatter.add.f32 [tilespmem:s16], [sflag:$0x2], $0x80, s25, s19, $0xb8;
	[tilespmem:$0x1F800] =	vst v63  }
0x6c: {  	_ =	swait.ge [sflag:s17], $0x3E80  }
0x6d: {  	[sflag:s17] =	ssyncset.done $0x0  }
0x6e: {  	[sflag:s17] =	ssyncadd.s32 $0xFFFFC180  }
0x6f: {  	_ =	swait.ge [sflag:s21], $0x3E80  }
0x70: {  	[sflag:s21] =	ssyncset.done $0x0  }
0x71: {  	s22 =	sadd.s32 $0x1480, s22;
	[sflag:s21] =	ssyncadd.s32 $0xFFFFC180  }
0x72: {  	[spmem:s3] =	stream.indirect.scatter.add.f32 [tilespmem:s20], [sflag:$0x2], $0x80, s22, s19, $0xb8;
	[tilespmem:$0x1F800] =	vst v63  }
0x73: {  	_ =	swait.ge [sflag:s17], $0x3E80  }
0x74: {  	[sflag:s17] =	ssyncset.done $0x0  }
0x75: {  	s26 =	simm.s32 $0x0;
	[sflag:s17] =	ssyncadd.s32 $0xFFFFC180  }
0x76: {  	[tilespmem:s26], [sflag:$0x2] =	stream.linear.gather [hbm4b:s15+s26], $0x1400, $0x38;
	[tilespmem:$0x1F800] =	vst v63  }
0x77: {  	_ =	swait.ge [sflag:s17], $0x1400  }
0x78: {  	[sflag:s17] =	ssyncset.done $0x0  }
0x79: {  	s28 =	simm.s32 $0x0;
	[sflag:s17] =	ssyncadd.s32 $0xFFFFEC00  }
0x7a: {  	[tilespmem:s16], [sflag:$0x1] =	stream.indirect.gather [hbm4b:s2+s19], $0x80, s28, s19, $0xb8;
	[tilespmem:$0x1F800] =	vst v63  }
0x7b: {  	s29 =	simm.s32 $0x80  }
0x7c: {  	[tilespmem:s20], [sflag:$0x1] =	stream.indirect.gather [hbm4b:s2+s19], $0x80, s29, s19, $0xb8;
	[tilespmem:$0x1F800] =	vst v63  }
0x7d: {  	_ =	swait.ge [sflag:s21], $0x3E80  }
0x7e: {  	[sflag:s21] =	ssyncset.done $0x0  }
0x7f: {  	s30 =	simm.s32 $0x2800;
	[sflag:s21] =	ssyncadd.s32 $0xFFFFC180  }
0x80: {  	[spmem:s3] =	stream.indirect.scatter.add.f32 [tilespmem:s16], [sflag:$0x2], $0x80, s30, s19, $0xb8;
	[tilespmem:$0x1F800] =	vst v63  }
0x81: {  	_ =	swait.ge [sflag:s17], $0x3E80  }
0x82: {  	[sflag:s17] =	ssyncset.done $0x0  }
0x83: {  	[sflag:s17] =	ssyncadd.s32 $0xFFFFC180  }
0x84: {  	_ =	swait.ge [sflag:s21], $0x3E80  }
0x85: {  	[sflag:s21] =	ssyncset.done $0x0  }
0x86: {  	s31 =	simm.s32 $0x2880;
	[sflag:s21] =	ssyncadd.s32 $0xFFFFC180  }
0x87: {  	[spmem:s3] =	stream.indirect.scatter.add.f32 [tilespmem:s20], [sflag:$0x2], $0x80, s31, s19, $0xb8;
	[tilespmem:$0x1F800] =	vst v63  }
0x88: {  	_ =	swait.ge [sflag:s17], $0x3E80  }
0x89: {  	s23 =	simm.s32 $0x800;
	s22 =	simm.s32 $0x400;
	[sflag:s17] =	ssyncset.done $0x0  }
.LBB2_6:
0x8a: {  	s24 =	sshra.s32 s22, $0x2  }
0x8b: {  	[sflag:s17] =	ssyncadd.s32 $0xFFFFC180;
	s22 =	smov.u32 s23;
	s25 =	sadd.s32 $0x400, s23  }
0x8c: {  	[tilespmem:s16], [sflag:$0x1] =	stream.indirect.gather [hbm4b:s2+s19], $0x80, s24, s19, $0xb8;
	[tilespmem:$0x1F800] =	vst v63  }
0x8d: {  	p0 =	sne.s32 s23, $0x4C00;
	s23 =	sadd.s32 $0x80, s24  }
0x8e: {  	[tilespmem:s20], [sflag:$0x1] =	stream.indirect.gather [hbm4b:s2+s19], $0x80, s23, s19, $0xb8;
	[tilespmem:$0x1F800] =	vst v63  }
0x8f: {  	_ =	swait.ge [sflag:s21], $0x3E80  }
0x90: {  	[sflag:s21] =	ssyncset.done $0x0  }
0x91: {  	s23 =	sadd.s32 $0x2800, s24;
	[sflag:s21] =	ssyncadd.s32 $0xFFFFC180  }
0x92: {  	[spmem:s3] =	stream.indirect.scatter.add.f32 [tilespmem:s16], [sflag:$0x2], $0x80, s23, s19, $0xb8;
	[tilespmem:$0x1F800] =	vst v63  }
0x93: {  	_ =	swait.ge [sflag:s17], $0x3E80  }
0x94: {  	[sflag:s17] =	ssyncset.done $0x0  }
0x95: {  	[sflag:s17] =	ssyncadd.s32 $0xFFFFC180  }
0x96: {  	_ =	swait.ge [sflag:s21], $0x3E80  }
.Ltmp2:
0x97: {  	[sflag:s21] =	ssyncset.done $0x0;
	(pc) =	sbr.rel @p0 .LBB2_6-.Ltmp2, $4  }
0x98: {  	s23 =	sadd.s32 $0x2880, s24;
	[sflag:s21] =	ssyncadd.s32 $0xFFFFC180  }
0x99: {  	[spmem:s3] =	stream.indirect.scatter.add.f32 [tilespmem:s20], [sflag:$0x2], $0x80, s23, s19, $0xb8;
	[tilespmem:$0x1F800] =	vst v63  }
0x9a: {  	_ =	swait.ge [sflag:s17], $0x3E80  }
0x9b: {  	s23 =	smov.u32 s25;
	[sflag:s17] =	ssyncset.done $0x0  }
0x9c: {  	s22 =	sshra.s32 s22, $0x2;
	[sflag:s17] =	ssyncadd.s32 $0xFFFFC180  }
0x9d: {  	[tilespmem:s16], [sflag:$0x1] =	stream.indirect.gather [hbm4b:s2+s19], $0x80, s22, s19, $0xb8;
	[tilespmem:$0x1F800] =	vst v63  }
0x9e: {  	s23 =	sadd.s32 $0x80, s22  }
0x9f: {  	[tilespmem:s20], [sflag:$0x1] =	stream.indirect.gather [hbm4b:s2+s19], $0x80, s23, s19, $0xb8;
	[tilespmem:$0x1F800] =	vst v63  }
0xa0: {  	_ =	swait.ge [sflag:s21], $0x3E80  }
0xa1: {  	[sflag:s21] =	ssyncset.done $0x0  }
0xa2: {  	s29 =	sadd.s32 $0x2800, s22;
	[sflag:s21] =	ssyncadd.s32 $0xFFFFC180  }
0xa3: {  	[spmem:s3] =	stream.indirect.scatter.add.f32 [tilespmem:s16], [sflag:$0x2], $0x80, s29, s19, $0xb8;
	[tilespmem:$0x1F800] =	vst v63  }
0xa4: {  	_ =	swait.ge [sflag:s17], $0x3E80  }
0xa5: {  	[sflag:s17] =	ssyncset.done $0x0  }
0xa6: {  	[sflag:s17] =	ssyncadd.s32 $0xFFFFC180  }
0xa7: {  	_ =	swait.ge [sflag:s21], $0x3E80  }
0xa8: {  	[sflag:s21] =	ssyncset.done $0x0  }
0xa9: {  	s22 =	sadd.s32 $0x2880, s22;
	[sflag:s21] =	ssyncadd.s32 $0xFFFFC180  }
0xaa: {  	[spmem:s3] =	stream.indirect.scatter.add.f32 [tilespmem:s20], [sflag:$0x2], $0x80, s22, s19, $0xb8;
	[tilespmem:$0x1F800] =	vst v63  }
0xab: {  	_ =	swait.ge [sflag:s17], $0x3E80  }
0xac: {  	s30 =	sshll.u32 s0, $0x6;
	s4 =	sadd.s32 $0x1, s4;
	[sflag:s17] =	ssyncset.done $0x0  }
0xad: {  	s31 =	sshrl.u32 s5, $0x3;
	p0 =	sne.s32 s4, s13;
	[sflag:s17] =	ssyncadd.s32 $0xFFFFC180  }
.Ltmp3:
0xae: {  	s22 =	sor.u32 $0x1C02, s30;
	[bflag:$0x0] =	sbarrier.arrive $0xFFFF;
	(pc) =	sbr.rel @p0 .LBB2_1-.Ltmp3, $4  }
0xaf: {  	[hbm:s12], [sflag:s22] =	dma.local [spmem:s31], $0x2780  }
0xb0: {  	_ =	swait.ge [sflag:s17], $0x2780  }
0xb1: {  	[sflag:s17] =	ssyncset.done $0x0  }
0xb2: {  	[sflag:s17] =	ssyncadd.s32 $0xFFFFD880  }
0xb3: {  	_ =	sfence.sel $0x180000  }
0xb4: {  	[bflag:$0x0] =	sbarrier.arrive $0xFFFF  }
0xb5: {  	p0 =	sne.s32 s0, $0x0;
	_ =	strace $0x9000004A  }
0xb6: {  	s0 =	sadd.s32 @!p0 $0x100000, s1;
	[bflag:$0x2] =	sbarrier.arrive $0xFFFF  }
0xb7: {  	[sflag:s0] =	ssyncadd.tile.s32 @!p0 $0x1;
	_ =	shalt  }
.Lfunc_end2:
_tile_overlayer_lowered:
.L_overlay_start_2:
0xb8: {  	(tag) =	ssettag $0x2  }
0xb9: {  	s0 =	rddreg [dreg:$0x0];
	s2 =	stileid.u32  }
0xba: {  	s1 =	rddreg [dreg:$0x1];
	p0 =	sne.s32 s2, $0x0  }
0xbb: {  	s3 =	rddreg [dreg:$0x2];
	[bflag:$0x3] =	sbarrier.arrive $0xFFFF;
	s2 =	simm.s32 @!p0 $0x1C02  }
0xbc: {  	[timem:s3], [sflag:s2] =	dma.local @!p0 [hbm:s0], s1  }
0xbd: {  	s0 =	simm.s32 @!p0 $0x2  }
0xbe: {  	_ =	swait.ge @!p0 [sflag:s0], s1  }
0xbf: {  	s1 =	ssub.s32 @!p0 $0x0, s1;
	[sflag:s0] =	ssyncset.done @!p0 $0x0  }
0xc0: {  	[sflag:s0] =	ssyncadd.s32 @!p0 s1  }
0xc1: {  	[bflag:$0x3] =	sbarrier.arrive $0xFFFF  }
0xc2: {  	_ =	shalt  }

// kernel: kernel.14.cloned.1.call-start
scs
__scs_entry_jumppad:
0x0: {  	(pc) =	sbr.rel $0x88, $3  }
0x1: {  	(tag) =	ssettag $0x0;
	lr =	simm.s32 $0x1  }
0x2: {  	[smem:$0x3F9B] =	sst lr;
	_ =	strace $0xD0000000  }
0x3: {  	_ = 	snop  }
0x4: {  	_ = 	snop  }
0x5: {  	_ = 	snop  }
0x6: {  	_ = 	snop  }
0x7: {  	_ = 	snop  }
__scs_overlays_trampoline_lowered:
0x8: {  	[smem:$0x3FAA] =	sst s0  }
0x9: {  	[smem:$0x3FAB] =	sst s1  }
0xa: {  	[smem:$0x3FAC] =	sst s2  }
0xb: {  	[smem:$0x3FAD] =	sst s3  }
0xc: {  	[smem:$0x3FAE] =	sst s4  }
0xd: {  	[smem:$0x3FAF] =	sst s5  }
0xe: {  	[smem:$0x3FB0] =	sst s6  }
0xf: {  	[smem:$0x3FB1] =	sst s7  }
0x10: {  	[smem:$0x3FB2] =	sst s8  }
0x11: {  	[smem:$0x3FB3] =	sst s9;
	s0 =	simm.s32 @!p0 $0x0  }
0x12: {  	s1 =	sld [smem:$0x3F99];
	s0 =	simm.s32 @p0 $0x1  }
0x13: {  	[smem:$0x3FB4] =	sst s0;
	s0 =	simm.s32 @!p1 $0x0  }
0x14: {  	s2 =	sld [smem:$0x3F98];
	s0 =	simm.s32 @p1 $0x1  }
0x15: {  	[smem:$0x3FB5] =	sst s0;
	s0 =	simm.s32 @!p2 $0x0  }
0x16: {  	s3 =	sld [smem:$0x3FDB];
	s0 =	simm.s32 @p2 $0x1  }
0x17: {  	s4 =	simm.s32 $0x1BF5;
	[smem:$0x3FB7] =	sst s0  }
0x18: {  	s0 =	sld [smem:$0x3F9A];
	_ =	swait.ge [sflag:s4], $0x0  }
0x19: {  	s7 =	sld [smem:$0x3F9B]  }
0x1a: {  	s8 =	sadd.s32 $0xFFFFE003, lr  }
0x1b: {  	s9 =	sadd.s32 $0xFFFFFEF7, lr;
	s5 =	simm.s32 $0xFFFFFFFF;
	p2 =	slt.u32 s8, $0xFFFFF086  }
0x1c: {  	p1 =	slt.u32 s9, $0xF7A;
	s5 =	simm.s32 @!p2 $0x0  }
0x1d: {  	s5 =	simm.s32 @p1 $0x1;
	p0 =	seq.s32 s7, s2  }
0x1e: {  	s7 =	smul.u32 @!p0 $0xF7A, s2;
	p2 =	seq.s32 @!p0 s5, $0x0  }
0x1f: {  	s9 =	smul.u32 $0xF7A, s1;
	s8 =	simm.s32 @!p0 $0x1BF5;
	p2 =	por !p2, p0  }
0x20: {  	[sflag:s8] =	ssyncset.s32 @!p0 $0xFFFFF086;
	s6 =	sadd.s32 @!p0 s3, s7;
	s7 =	simm.s32 @!p0 $0x108  }
0x21: {  	s3 =	sadd.s32 s3, s9;
	s6 =	sadd.s32 @!p0 $0x88, s6;
	s7 =	simm.s32 @p2 $0x1082  }
0x22: {  	[simem:s7], [sflag:s8] =	dma.local @!p0 [hbm:s6], $0xF7A  }
0x23: {  	s9 =	sor.u32 $0xD0000000, s2;
	s6 =	simm.s32 $0x108;
	_ =	swait.ge @!p0 [sflag:s8], $0x0  }
0x24: {  	s3 =	sadd.s32 $0x88, s3;
	s6 =	simm.s32 @!p1 $0x1082;
	[sflag:s4] =	ssyncset.s32 $0xFFFFF086  }
0x25: {  	[simem:s6], [sflag:s4] =	dma.local [hbm:s3], $0xF7A  }
0x26: {  	[smem:$0x3F9B] =	sst s1;
	(tag) =	ssettag s2;
	_ =	strace s9  }
0x27: {  	s1 =	sld [smem:$0x3FAB]  }
0x28: {  	s2 =	sld [smem:$0x3FAC]  }
0x29: {  	s4 =	sld [smem:$0x3FAE]  }
0x2a: {  	p0 =	seq.s32 s5, $0x0;
	s5 =	sld [smem:$0x3FAF]  }
0x2b: {  	s6 =	sld [smem:$0x3FB0]  }
0x2c: {  	s7 =	sld [smem:$0x3FB1]  }
0x2d: {  	s3 =	simm.s32 $0x108;
	s8 =	sld [smem:$0x3FB2]  }
0x2e: {  	s3 =	simm.s32 @!p0 $0x1082;
	s9 =	sld [smem:$0x3FB3]  }
0x2f: {  	lr =	sadd.s32 s0, s3;
	s0 =	sld [smem:$0x3FAA]  }
0x30: {  	s3 =	sld [smem:$0x3FAD]  }
0x31: {  	[smem:$0x3FB6] =	sst s10  }
0x32: {  	s10 =	sld [smem:$0x3FB4];
	_ =	sdelay $0x3  }
0x33: {  	p0 =	seq.s32 s10, $0x1;
	s10 =	sld [smem:$0x3FB6];
	_ =	sdelay $0x3  }
0x34: {  	[smem:$0x3FB6] =	sst s10  }
0x35: {  	s10 =	sld [smem:$0x3FB5];
	_ =	sdelay $0x3  }
0x36: {  	p1 =	seq.s32 s10, $0x1;
	s10 =	sld [smem:$0x3FB6];
	_ =	sdelay $0x3  }
0x37: {  	[smem:$0x3FB6] =	sst s10  }
0x38: {  	s10 =	sld [smem:$0x3FB7]  }
0x39: {  	_ = 	snop;
	(pc) =	sbr.ind lr, $3  }
0x3a: {  	_ = 	snop  }
0x3b: {  	_ = 	snop  }
0x3c: {  	p2 =	seq.s32 s10, $0x1;
	s10 =	sld [smem:$0x3FB6]  }
0x3d: {  	_ =	shalt  }
0x3e: {  	_ =	shalt  }
0x3f: {  	_ =	shalt  }
0x40: {  	_ =	shalt  }
0x41: {  	_ =	shalt  }
0x42: {  	_ =	shalt  }
0x43: {  	_ =	shalt  }
0x44: {  	_ =	shalt  }
0x45: {  	_ =	shalt  }
0x46: {  	_ =	shalt  }
0x47: {  	_ =	shalt  }
0x48: {  	_ =	shalt  }
0x49: {  	_ =	shalt  }
0x4a: {  	_ =	shalt  }
0x4b: {  	_ =	shalt  }
0x4c: {  	_ =	shalt  }
0x4d: {  	_ =	shalt  }
0x4e: {  	_ =	shalt  }
0x4f: {  	_ =	shalt  }
0x50: {  	_ =	shalt  }
0x51: {  	_ =	shalt  }
0x52: {  	_ =	shalt  }
0x53: {  	_ =	shalt  }
0x54: {  	_ =	shalt  }
0x55: {  	_ =	shalt  }
0x56: {  	_ =	shalt  }
0x57: {  	_ =	shalt  }
0x58: {  	_ =	shalt  }
0x59: {  	_ =	shalt  }
0x5a: {  	_ =	shalt  }
0x5b: {  	_ =	shalt  }
0x5c: {  	_ =	shalt  }
0x5d: {  	_ =	shalt  }
0x5e: {  	_ =	shalt  }
0x5f: {  	_ =	shalt  }
0x60: {  	_ =	shalt  }
0x61: {  	_ =	shalt  }
0x62: {  	_ =	shalt  }
0x63: {  	_ =	shalt  }
0x64: {  	_ =	shalt  }
0x65: {  	_ =	shalt  }
0x66: {  	_ =	shalt  }
0x67: {  	_ =	shalt  }
0x68: {  	_ =	shalt  }
0x69: {  	_ =	shalt  }
0x6a: {  	_ =	shalt  }
0x6b: {  	_ =	shalt  }
0x6c: {  	_ =	shalt  }
0x6d: {  	_ =	shalt  }
0x6e: {  	_ =	shalt  }
0x6f: {  	_ =	shalt  }
0x70: {  	_ =	shalt  }
0x71: {  	_ =	shalt  }
0x72: {  	_ =	shalt  }
0x73: {  	_ =	shalt  }
0x74: {  	_ =	shalt  }
0x75: {  	_ =	shalt  }
0x76: {  	_ =	shalt  }
0x77: {  	_ =	shalt  }
0x78: {  	_ =	shalt  }
0x79: {  	_ =	shalt  }
0x7a: {  	_ =	shalt  }
0x7b: {  	_ =	shalt  }
0x7c: {  	_ =	shalt  }
0x7d: {  	_ =	shalt  }
0x7e: {  	_ =	shalt  }
0x7f: {  	_ =	shalt  }
0x80: {  	_ =	shalt  }
0x81: {  	_ =	shalt  }
0x82: {  	_ =	shalt  }
0x83: {  	_ =	shalt  }
0x84: {  	_ =	shalt  }
0x85: {  	_ =	shalt  }
0x86: {  	_ =	shalt  }
0x87: {  	_ =	shalt  }
.Lfunc_end0:
.L_simem_size_0:
called_computation.2_lowered:
.L_overlay_start_0:
0x88: {  	s2 =	sld [smem:$0x3FD9]  }
0x89: {  	s3 =	sld [smem:$0x3FFE];
	_ =	sdelay $0x1  }
0x8a: {  	s1 =	srdreg.scid  }
0x8b: {  	s0 =	sand.u32 $0x1, s1  }
0x8c: {  	s17 =	sshll.u32 s0, $0xA;
	s2 =	sadd.s32 s3, s2  }
0x8d: {  	s2 =	sadd.s32 s2, s17  }
0x8e: {  	[smem:$0x3FC2] =	sst s2  }
0x8f: {  	_ = 	snop  }
0x90: {  	s2 =	sld [smem:$0x3FD0];
	(tm) =	ssettm $0x1  }
0x91: {  	s18 =	sld [smem:$0x3FFB];
	_ =	sdelay $0x3  }
0x92: {  	_ =	strace s18  }
0x93: {  	s3 =	sld [smem:$0x3FFC];
	_ =	sdelay $0x3  }
0x94: {  	_ =	strace s3  }
0x95: {  	s3 =	sld [smem:$0x3FFD];
	_ =	sdelay $0x3  }
0x96: {  	_ =	strace s3  }
0x97: {  	_ =	strace $0x8FFFFFFF  }
0x98: {  	s19 =	sld [smem:$0x3FDB];
	_ =	sdelay $0x1  }
0x99: {  	s4 =	simm.s32 $_scs_section_size  }
0x9a: {  	s5 =	simm.s32 $_size__tile_overlayer_lowered;
	s6 =	simm.s32 $_tile_overlayer_lowered  }
0x9b: {  	s22 =	simm.s32 $0x1BFF;
	s21 =	sshll.u32 s6, $0x1;
	s3 =	sadd.s32 s4, s19  }
0x9c: {  	s7 =	simm.s32 $0x0;
	s20 =	sshll.u32 s5, $0x1;
	s5 =	sadd.s32 s21, s3  }
0x9d: {  	[timem:s7], [sflag:s22] =	dma.local [hbm:s5], s20  }
0x9e: {  	_ =	swait.ge [sflag:s22], s20  }
0x9f: {  	s4 =	ssub.s32 $0x0, s20;
	[sflag:s22] =	ssyncset.done $0x0  }
0xa0: {  	[sflag:s22] =	ssyncadd.s32 s4;
	_ =	sdelay $0x1  }
0xa1: {  	s23 =	simm.s32 $0x1B8B  }
0xa2: {  	_ =	swait.ge [sflag:s23], $0x1  }
0xa3: {  	[sflag:s23] =	ssyncset.done $0x0  }
0xa4: {  	s25 =	simm.s32 $0x1B8E;
	s24 =	sld [smem:$0x3FFE];
	[sflag:s23] =	ssyncadd.s32 $0xFFFFFFFF  }
0xa5: {  	s26 =	simm.s32 $execute0_lowered;
	[smem:$0x3FD2] =	sst s25  }
0xa6: {  	s5 =	sshll.u32 s26, $0x1;
	_ =	strace $0x8000004C;
	[dreg:$0x1] =	wrdreg $0xFFFFFFFF  }
0xa7: {  	s28 =	simm.s32 $_size_execute0_lowered;
	s3 =	sadd.s32 s3, s5;
	[dreg:$0x0] =	wrdreg $0x0  }
0xa8: {  	s5 =	sshll.u32 s28, $0x1;
	[dreg:$0x2] =	wrdreg s3  }
0xa9: {  	[dreg:$0x3] =	wrdreg s5  }
0xaa: {  	[dreg:$0x4] =	wrdreg $0xC0  }
0xab: {  	_ =	task [dreg:s7], $0x5FFFF  }
0xac: {  	[dreg:$0x1] =	wrdreg $0xFFFFFFFF  }
0xad: {  	[dreg:$0x0] =	wrdreg $0x60  }
0xae: {  	[dreg:$0x2] =	wrdreg s2  }
0xaf: {  	[dreg:$0x3] =	wrdreg s24  }
0xb0: {  	[dreg:$0x4] =	wrdreg $0xBC000  }
0xb1: {  	[dreg:$0x5] =	wrdreg $0x9  }
0xb2: {  	_ =	task.clear_ibuf [dreg:s7], $0x6FFFF;
	_ =	strace $0x9000004C  }
0xb3: {  	s29 =	simm.s32 $0x9;
	_ =	strace $0x8000004E  }
0xb4: {  	_ =	swait.ge [sflag:s29], $0x1  }
0xb5: {  	[sflag:s29] =	ssyncadd.s32 $0xFFFFFFFF  }
0xb6: {  	_ =	strace $0x9000004E  }
0xb7: {  	_ =	sfence  }
0xb8: {  	s30 =	sld [smem:$0x0];
	_ =	sdelay $0x2  }
0xb9: {  	s31 =	sshll.u32 s1, $0xD;
	s1 =	sshrl.u32 s1, $0x2  }
0xba: {  	s3 =	sand.u32 $0x4000, s31;
	s1 =	sadd.s32 s1, s30  }
0xbb: {  	s0 =	sor.u32 s3, s0;
	s1 =	sshll.u32 s1, $0x11  }
0xbc: {  	s0 =	sor.u32 s1, s0  }
0xbd: {  	s0 =	sadd.s32 $0x8F2B, s0  }
0xbe: {  	[sflag:s0] =	ssyncadd.remote.s32 $0x1  }
0xbf: {  	_ =	sfence.sel $0xFFFF  }
0xc0: {  	[dreg:$0x0] =	wrdreg $0xFFFFFFFF;
	(pc) =	sbr.abs _section_cstart, $3  }
0xc1: {  	[dreg:$0x1] =	wrdreg $0xFFFFFFFF  }
0xc2: {  	_ =	task.clear_ibuf [dreg:s7], $0x2FFFF;
	_ =	strace $0x9FFFFFFF  }
0xc3: {  	(tm) =	ssettm $0x7FFFFFFF  }
tec
execute0_lowered:
.L_overlay_start_1:
0x0: {  	(tag) =	ssettag $0x1  }
0x1: {  	s2 =	rddreg [dreg:$0x0]  }
0x2: {  	s1 =	srdreg.scid;
	s6 =	rddreg [dreg:$0x1]  }
0x3: {  	s0 =	stileid.u32;
	s3 =	rddreg [dreg:$0x2];
	s4 =	simm.s32 $0x0  }
0x4: {  	s16 =	simm.s32 $0x3C00;
	s17 =	simm.s32 $0x2;
	s18 =	simm.s32 $0x1400  }
0x5: {  	s19 =	simm.s32 $0x7D;
	s20 =	simm.s32 $0x7C00;
	s9 =	smul.u32 $0x13C00, s0  }
0x6: {  	s5 =	sand.u32 $0x1, s1;
	s26 =	sshll.u32 s0, $0x1;
	s10 =	smul.u32 $0x4F000, s0  }
0x7: {  	s21 =	simm.s32 $0x1;
	s1 =	sor.u32 s5, s26;
	s8 =	smul.u32 $0x13C000, s5  }
0x8: {  	[smem:$0x7FF] =	sst s4;
	s29 =	ssub.s32 $0x2, s5;
	s7 =	smul.u32 $0x2800, s1  }
0x9: {  	s1 =	rddreg [dreg:$0x3];
	_ =	strace $0x8000004D;
	s30 =	sshrl.u32 s10, $0x2  }
0xa: {  	s31 =	sshrl.u32 s29, $0x1;
	s28 =	sadd.s32 s9, s8;
	s5 =	sadd.s32 s30, s3  }
0xb: {  	s13 =	ssub.s32 s29, s31;
	s7 =	sshrl.u32 s7, $0x3;
	s8 =	sadd.s32 $0xBB80, s5  }
0xc: {  	s9 =	sadd.s32 $0xFA00, s5;
	s15 =	sadd.s32 s7, s6;
	s7 =	sshrl.u32 s28, $0x3  }
0xd: {  	s10 =	sadd.s32 $0x13880, s5;
	s13 =	smax.u32 s13, $0x1;
	s12 =	sadd.s32 s7, s6  }
0xe: {  	s6 =	sadd.s32 $0x3E80, s5;
	s7 =	sadd.s32 $0x7D00, s5;
	s11 =	sadd.s32 $0x2600, s15  }
0xf: {  	v0 =	vimm.f32 $0.0e+00;
	s14 =	sadd.s32 $0xC600, s15;
	s15 =	sadd.s32 $0xC880, s15;
	s12 =	sadd.s32 $0x16600, s12  }
.LBB2_1:
0x10: {  	s22 =	simm.s32 $0x70;
	s23 =	simm.s32 $0x3C0  }
.LBB2_2:
0x11: {  	p0 =	sne.s32 s23, $0xF9C0;
	[tilespmem:s22+$0x3C00] =	vst v0  }
0x12: {  	[tilespmem:s22+$0x3B90] =	vst v0  }
0x13: {  	[tilespmem:s22+$0x3BA0] =	vst v0  }
.Ltmp0:
0x14: {  	[tilespmem:s22+$0x3BB0] =	vst v0;
	(pc) =	sbr.rel @p0 .LBB2_2-.Ltmp0, $4  }
0x15: {  	[tilespmem:s22+$0x3BC0] =	vst v0  }
0x16: {  	[tilespmem:s22+$0x3BD0] =	vst v0  }
0x17: {  	[tilespmem:s22+$0x3BE0] =	vst v0  }
0x18: {  	[tilespmem:s22+$0x3BF0] =	vst v0;
	s22 =	sshra.s32 s23, $0x2;
	s23 =	sadd.s32 $0x200, s23  }
0x19: {  	[tilespmem:s22+$0x3C00] =	vst v0  }
0x1a: {  	[tilespmem:s22+$0x3B90] =	vst v0  }
0x1b: {  	[tilespmem:s22+$0x3BA0] =	vst v0  }
0x1c: {  	[tilespmem:s22+$0x3BB0] =	vst v0  }
0x1d: {  	[tilespmem:s22+$0x3BC0] =	vst v0  }
0x1e: {  	[tilespmem:s22+$0x3BD0] =	vst v0  }
0x1f: {  	[tilespmem:s22+$0x3BE0] =	vst v0  }
0x20: {  	[tilespmem:s22+$0x3BF0] =	vst v0  }
0x21: {  	[spmem:s5] =	stream.linear.scatter [tilespmem:s16], [sflag:$0x2], $0x3E80, $0x38;
	[tilespmem:$0x1F800] =	vst v63  }
0x22: {  	_ =	swait.ge [sflag:s17], $0x3E80  }
0x23: {  	[sflag:s17] =	ssyncset.done $0x0  }
0x24: {  	[sflag:s17] =	ssyncadd.s32 $0xFFFFC180  }
0x25: {  	[spmem:s6] =	stream.linear.scatter [tilespmem:s16], [sflag:$0x2], $0x3E80, $0x38;
	[tilespmem:$0x1F800] =	vst v63  }
0x26: {  	_ =	swait.ge [sflag:s17], $0x3E80  }
0x27: {  	[sflag:s17] =	ssyncset.done $0x0  }
0x28: {  	[sflag:s17] =	ssyncadd.s32 $0xFFFFC180  }
0x29: {  	[spmem:s7] =	stream.linear.scatter [tilespmem:s16], [sflag:$0x2], $0x3E80, $0x38;
	[tilespmem:$0x1F800] =	vst v63  }
0x2a: {  	_ =	swait.ge [sflag:s17], $0x3E80  }
0x2b: {  	[sflag:s17] =	ssyncset.done $0x0  }
0x2c: {  	[sflag:s17] =	ssyncadd.s32 $0xFFFFC180  }
0x2d: {  	[spmem:s8] =	stream.linear.scatter [tilespmem:s16], [sflag:$0x2], $0x3E80, $0x38;
	[tilespmem:$0x1F800] =	vst v63  }
0x2e: {  	_ =	swait.ge [sflag:s17], $0x3E80  }
0x2f: {  	[sflag:s17] =	ssyncset.done $0x0  }
0x30: {  	[sflag:s17] =	ssyncadd.s32 $0xFFFFC180  }
0x31: {  	[spmem:s9] =	stream.linear.scatter [tilespmem:s16], [sflag:$0x2], $0x3E80, $0x38;
	[tilespmem:$0x1F800] =	vst v63  }
0x32: {  	_ =	swait.ge [sflag:s17], $0x3E80  }
0x33: {  	[sflag:s17] =	ssyncset.done $0x0  }
0x34: {  	[sflag:s17] =	ssyncadd.s32 $0xFFFFC180  }
0x35: {  	[spmem:s10] =	stream.linear.scatter [tilespmem:s16], [sflag:$0x2], $0x380, $0x38;
	[tilespmem:$0x1F800] =	vst v63  }
0x36: {  	_ =	swait.ge [sflag:s17], $0x380  }
0x37: {  	[sflag:s17] =	ssyncset.done $0x0  }
0x38: {  	s26 =	simm.s32 $0x0;
	[sflag:s17] =	ssyncadd.s32 $0xFFFFFC80  }
0x39: {  	[tilespmem:s18], [sflag:$0x2] =	stream.linear.gather [hbm4b:s11+s26], $0x2800, $0x38;
	[tilespmem:$0x1F800] =	vst v63  }
0x3a: {  	_ =	swait.ge [sflag:s17], $0x2800  }
0x3b: {  	[sflag:s17] =	ssyncset.done $0x0  }
0x3c: {  	[sflag:s17] =	ssyncadd.s32 $0xFFFFD800  }
0x3d: {  	[bflag:$0x0] =	sbarrier.arrive $0xFFFF  }
0x3e: {  	[tilespmem:s26], [sflag:$0x2] =	stream.linear.gather [hbm4b:s14+s26], $0x1400, $0x38;
	[tilespmem:$0x1F800] =	vst v63  }
0x3f: {  	_ =	swait.ge [sflag:s17], $0x1400  }
0x40: {  	[sflag:s17] =	ssyncset.done $0x0  }
0x41: {  	s28 =	simm.s32 $0x0;
	[sflag:s17] =	ssyncadd.s32 $0xFFFFEC00  }
0x42: {  	[tilespmem:s16], [sflag:$0x1] =	stream.indirect.gather [hbm4b:s2+s19], $0x80, s28, s19, $0xb8;
	[tilespmem:$0x1F800] =	vst v63  }
0x43: {  	s29 =	simm.s32 $0x80  }
0x44: {  	[tilespmem:s20], [sflag:$0x1] =	stream.indirect.gather [hbm4b:s2+s19], $0x80, s29, s19, $0xb8;
	[tilespmem:$0x1F800] =	vst v63  }
0x45: {  	_ =	swait.ge [sflag:s21], $0x3E80  }
0x46: {  	[sflag:s21] =	ssyncset.done $0x0  }
0x47: {  	s30 =	simm.s32 $0x1400;
	[sflag:s21] =	ssyncadd.s32 $0xFFFFC180  }
0x48: {  	[spmem:s3] =	stream.indirect.scatter.add.f32 [tilespmem:s16], [sflag:$0x2], $0x80, s30, s19, $0xb8;
	[tilespmem:$0x1F800] =	vst v63  }
0x49: {  	_ =	swait.ge [sflag:s17], $0x3E80  }
0x4a: {  	[sflag:s17] =	ssyncset.done $0x0  }
0x4b: {  	[sflag:s17] =	ssyncadd.s32 $0xFFFFC180  }
0x4c: {  	_ =	swait.ge [sflag:s21], $0x3E80  }
0x4d: {  	[sflag:s21] =	ssyncset.done $0x0  }
0x4e: {  	s31 =	simm.s32 $0x1480;
	[sflag:s21] =	ssyncadd.s32 $0xFFFFC180  }
0x4f: {  	[spmem:s3] =	stream.indirect.scatter.add.f32 [tilespmem:s20], [sflag:$0x2], $0x80, s31, s19, $0xb8;
	[tilespmem:$0x1F800] =	vst v63  }
0x50: {  	_ =	swait.ge [sflag:s17], $0x3E80  }
0x51: {  	s22 =	simm.s32 $0x400;
	s23 =	simm.s32 $0x800;
	[sflag:s17] =	ssyncset.done $0x0  }
.LBB2_4:
0x52: {  	s24 =	sshra.s32 s22, $0x2  }
0x53: {  	[sflag:s17] =	ssyncadd.s32 $0xFFFFC180;
	s22 =	smov.u32 s23;
	s25 =	sadd.s32 $0x400, s23  }
0x54: {  	[tilespmem:s16], [sflag:$0x1] =	stream.indirect.gather [hbm4b:s2+s19], $0x80, s24, s19, $0xb8;
	[tilespmem:$0x1F800] =	vst v63  }
0x55: {  	p0 =	sne.s32 s23, $0x4C00;
	s23 =	sadd.s32 $0x80, s24  }
0x56: {  	[tilespmem:s20], [sflag:$0x1] =	stream.indirect.gather [hbm4b:s2+s19], $0x80, s23, s19, $0xb8;
	[tilespmem:$0x1F800] =	vst v63  }
0x57: {  	_ =	swait.ge [sflag:s21], $0x3E80  }
0x58: {  	[sflag:s21] =	ssyncset.done $0x0  }
0x59: {  	s23 =	sadd.s32 $0x1400, s24;
	[sflag:s21] =	ssyncadd.s32 $0xFFFFC180  }
0x5a: {  	[spmem:s3] =	stream.indirect.scatter.add.f32 [tilespmem:s16], [sflag:$0x2], $0x80, s23, s19, $0xb8;
	[tilespmem:$0x1F800] =	vst v63  }
0x5b: {  	_ =	swait.ge [sflag:s17], $0x3E80  }
0x5c: {  	[sflag:s17] =	ssyncset.done $0x0  }
0x5d: {  	[sflag:s17] =	ssyncadd.s32 $0xFFFFC180  }
0x5e: {  	_ =	swait.ge [sflag:s21], $0x3E80  }
.Ltmp1:
0x5f: {  	[sflag:s21] =	ssyncset.done $0x0;
	(pc) =	sbr.rel @p0 .LBB2_4-.Ltmp1, $4  }
0x60: {  	s23 =	sadd.s32 $0x1480, s24;
	[sflag:s21] =	ssyncadd.s32 $0xFFFFC180  }
0x61: {  	[spmem:s3] =	stream.indirect.scatter.add.f32 [tilespmem:s20], [sflag:$0x2], $0x80, s23, s19, $0xb8;
	[tilespmem:$0x1F800] =	vst v63  }
0x62: {  	_ =	swait.ge [sflag:s17], $0x3E80  }
0x63: {  	s23 =	smov.u32 s25;
	[sflag:s17] =	ssyncset.done $0x0  }
0x64: {  	s22 =	sshra.s32 s22, $0x2;
	[sflag:s17] =	ssyncadd.s32 $0xFFFFC180  }
0x65: {  	[tilespmem:s16], [sflag:$0x1] =	stream.indirect.gather [hbm4b:s2+s19], $0x80, s22, s19, $0xb8;
	[tilespmem:$0x1F800] =	vst v63  }
0x66: {  	s23 =	sadd.s32 $0x80, s22  }
0x67: {  	[tilespmem:s20], [sflag:$0x1] =	stream.indirect.gather [hbm4b:s2+s19], $0x80, s23, s19, $0xb8;
	[tilespmem:$0x1F800] =	vst v63  }
0x68: {  	_ =	swait.ge [sflag:s21], $0x3E80  }
0x69: {  	[sflag:s21] =	ssyncset.done $0x0  }
0x6a: {  	s25 =	sadd.s32 $0x1400, s22;
	[sflag:s21] =	ssyncadd.s32 $0xFFFFC180  }
0x6b: {  	[spmem:s3] =	stream.indirect.scatter.add.f32 [tilespmem:s16], [sflag:$0x2], $0x80, s25, s19, $0xb8;
	[tilespmem:$0x1F800] =	vst v63  }
0x6c: {  	_ =	swait.ge [sflag:s17], $0x3E80  }
0x6d: {  	[sflag:s17] =	ssyncset.done $0x0  }
0x6e: {  	[sflag:s17] =	ssyncadd.s32 $0xFFFFC180  }
0x6f: {  	_ =	swait.ge [sflag:s21], $0x3E80  }
0x70: {  	[sflag:s21] =	ssyncset.done $0x0  }
0x71: {  	s22 =	sadd.s32 $0x1480, s22;
	[sflag:s21] =	ssyncadd.s32 $0xFFFFC180  }
0x72: {  	[spmem:s3] =	stream.indirect.scatter.add.f32 [tilespmem:s20], [sflag:$0x2], $0x80, s22, s19, $0xb8;
	[tilespmem:$0x1F800] =	vst v63  }
0x73: {  	_ =	swait.ge [sflag:s17], $0x3E80  }
0x74: {  	[sflag:s17] =	ssyncset.done $0x0  }
0x75: {  	s26 =	simm.s32 $0x0;
	[sflag:s17] =	ssyncadd.s32 $0xFFFFC180  }
0x76: {  	[tilespmem:s26], [sflag:$0x2] =	stream.linear.gather [hbm4b:s15+s26], $0x1400, $0x38;
	[tilespmem:$0x1F800] =	vst v63  }
0x77: {  	_ =	swait.ge [sflag:s17], $0x1400  }
0x78: {  	[sflag:s17] =	ssyncset.done $0x0  }
0x79: {  	s28 =	simm.s32 $0x0;
	[sflag:s17] =	ssyncadd.s32 $0xFFFFEC00  }
0x7a: {  	[tilespmem:s16], [sflag:$0x1] =	stream.indirect.gather [hbm4b:s2+s19], $0x80, s28, s19, $0xb8;
	[tilespmem:$0x1F800] =	vst v63  }
0x7b: {  	s29 =	simm.s32 $0x80  }
0x7c: {  	[tilespmem:s20], [sflag:$0x1] =	stream.indirect.gather [hbm4b:s2+s19], $0x80, s29, s19, $0xb8;
	[tilespmem:$0x1F800] =	vst v63  }
0x7d: {  	_ =	swait.ge [sflag:s21], $0x3E80  }
0x7e: {  	[sflag:s21] =	ssyncset.done $0x0  }
0x7f: {  	s30 =	simm.s32 $0x2800;
	[sflag:s21] =	ssyncadd.s32 $0xFFFFC180  }
0x80: {  	[spmem:s3] =	stream.indirect.scatter.add.f32 [tilespmem:s16], [sflag:$0x2], $0x80, s30, s19, $0xb8;
	[tilespmem:$0x1F800] =	vst v63  }
0x81: {  	_ =	swait.ge [sflag:s17], $0x3E80  }
0x82: {  	[sflag:s17] =	ssyncset.done $0x0  }
0x83: {  	[sflag:s17] =	ssyncadd.s32 $0xFFFFC180  }
0x84: {  	_ =	swait.ge [sflag:s21], $0x3E80  }
0x85: {  	[sflag:s21] =	ssyncset.done $0x0  }
0x86: {  	s31 =	simm.s32 $0x2880;
	[sflag:s21] =	ssyncadd.s32 $0xFFFFC180  }
0x87: {  	[spmem:s3] =	stream.indirect.scatter.add.f32 [tilespmem:s20], [sflag:$0x2], $0x80, s31, s19, $0xb8;
	[tilespmem:$0x1F800] =	vst v63  }
0x88: {  	_ =	swait.ge [sflag:s17], $0x3E80  }
0x89: {  	s23 =	simm.s32 $0x800;
	s22 =	simm.s32 $0x400;
	[sflag:s17] =	ssyncset.done $0x0  }
.LBB2_6:
0x8a: {  	s24 =	sshra.s32 s22, $0x2  }
0x8b: {  	[sflag:s17] =	ssyncadd.s32 $0xFFFFC180;
	s22 =	smov.u32 s23;
	s25 =	sadd.s32 $0x400, s23  }
0x8c: {  	[tilespmem:s16], [sflag:$0x1] =	stream.indirect.gather [hbm4b:s2+s19], $0x80, s24, s19, $0xb8;
	[tilespmem:$0x1F800] =	vst v63  }
0x8d: {  	p0 =	sne.s32 s23, $0x4C00;
	s23 =	sadd.s32 $0x80, s24  }
0x8e: {  	[tilespmem:s20], [sflag:$0x1] =	stream.indirect.gather [hbm4b:s2+s19], $0x80, s23, s19, $0xb8;
	[tilespmem:$0x1F800] =	vst v63  }
0x8f: {  	_ =	swait.ge [sflag:s21], $0x3E80  }
0x90: {  	[sflag:s21] =	ssyncset.done $0x0  }
0x91: {  	s23 =	sadd.s32 $0x2800, s24;
	[sflag:s21] =	ssyncadd.s32 $0xFFFFC180  }
0x92: {  	[spmem:s3] =	stream.indirect.scatter.add.f32 [tilespmem:s16], [sflag:$0x2], $0x80, s23, s19, $0xb8;
	[tilespmem:$0x1F800] =	vst v63  }
0x93: {  	_ =	swait.ge [sflag:s17], $0x3E80  }
0x94: {  	[sflag:s17] =	ssyncset.done $0x0  }
0x95: {  	[sflag:s17] =	ssyncadd.s32 $0xFFFFC180  }
0x96: {  	_ =	swait.ge [sflag:s21], $0x3E80  }
.Ltmp2:
0x97: {  	[sflag:s21] =	ssyncset.done $0x0;
	(pc) =	sbr.rel @p0 .LBB2_6-.Ltmp2, $4  }
0x98: {  	s23 =	sadd.s32 $0x2880, s24;
	[sflag:s21] =	ssyncadd.s32 $0xFFFFC180  }
0x99: {  	[spmem:s3] =	stream.indirect.scatter.add.f32 [tilespmem:s20], [sflag:$0x2], $0x80, s23, s19, $0xb8;
	[tilespmem:$0x1F800] =	vst v63  }
0x9a: {  	_ =	swait.ge [sflag:s17], $0x3E80  }
0x9b: {  	s23 =	smov.u32 s25;
	[sflag:s17] =	ssyncset.done $0x0  }
0x9c: {  	s22 =	sshra.s32 s22, $0x2;
	[sflag:s17] =	ssyncadd.s32 $0xFFFFC180  }
0x9d: {  	[tilespmem:s16], [sflag:$0x1] =	stream.indirect.gather [hbm4b:s2+s19], $0x80, s22, s19, $0xb8;
	[tilespmem:$0x1F800] =	vst v63  }
0x9e: {  	s23 =	sadd.s32 $0x80, s22  }
0x9f: {  	[tilespmem:s20], [sflag:$0x1] =	stream.indirect.gather [hbm4b:s2+s19], $0x80, s23, s19, $0xb8;
	[tilespmem:$0x1F800] =	vst v63  }
0xa0: {  	_ =	swait.ge [sflag:s21], $0x3E80  }
0xa1: {  	[sflag:s21] =	ssyncset.done $0x0  }
0xa2: {  	s29 =	sadd.s32 $0x2800, s22;
	[sflag:s21] =	ssyncadd.s32 $0xFFFFC180  }
0xa3: {  	[spmem:s3] =	stream.indirect.scatter.add.f32 [tilespmem:s16], [sflag:$0x2], $0x80, s29, s19, $0xb8;
	[tilespmem:$0x1F800] =	vst v63  }
0xa4: {  	_ =	swait.ge [sflag:s17], $0x3E80  }
0xa5: {  	[sflag:s17] =	ssyncset.done $0x0  }
0xa6: {  	[sflag:s17] =	ssyncadd.s32 $0xFFFFC180  }
0xa7: {  	_ =	swait.ge [sflag:s21], $0x3E80  }
0xa8: {  	[sflag:s21] =	ssyncset.done $0x0  }
0xa9: {  	s22 =	sadd.s32 $0x2880, s22;
	[sflag:s21] =	ssyncadd.s32 $0xFFFFC180  }
0xaa: {  	[spmem:s3] =	stream.indirect.scatter.add.f32 [tilespmem:s20], [sflag:$0x2], $0x80, s22, s19, $0xb8;
	[tilespmem:$0x1F800] =	vst v63  }
0xab: {  	_ =	swait.ge [sflag:s17], $0x3E80  }
0xac: {  	s30 =	sshll.u32 s0, $0x6;
	s4 =	sadd.s32 $0x1, s4;
	[sflag:s17] =	ssyncset.done $0x0  }
0xad: {  	s31 =	sshrl.u32 s5, $0x3;
	p0 =	sne.s32 s4, s13;
	[sflag:s17] =	ssyncadd.s32 $0xFFFFC180  }
.Ltmp3:
0xae: {  	s22 =	sor.u32 $0x1C02, s30;
	[bflag:$0x0] =	sbarrier.arrive $0xFFFF;
	(pc) =	sbr.rel @p0 .LBB2_1-.Ltmp3, $4  }
0xaf: {  	[hbm:s12], [sflag:s22] =	dma.local [spmem:s31], $0x2780  }
0xb0: {  	_ =	swait.ge [sflag:s17], $0x2780  }
0xb1: {  	[sflag:s17] =	ssyncset.done $0x0  }
0xb2: {  	[sflag:s17] =	ssyncadd.s32 $0xFFFFD880  }
0xb3: {  	_ =	sfence.sel $0x180000  }
0xb4: {  	[bflag:$0x0] =	sbarrier.arrive $0xFFFF  }
0xb5: {  	p0 =	sne.s32 s0, $0x0;
	_ =	strace $0x9000004D  }
0xb6: {  	s0 =	sadd.s32 @!p0 $0x100000, s1;
	[bflag:$0x2] =	sbarrier.arrive $0xFFFF  }
0xb7: {  	[sflag:s0] =	ssyncadd.tile.s32 @!p0 $0x1;
	_ =	shalt  }
.Lfunc_end2:
_tile_overlayer_lowered:
.L_overlay_start_2:
0xb8: {  	(tag) =	ssettag $0x2  }
0xb9: {  	s0 =	rddreg [dreg:$0x0];
	s2 =	stileid.u32  }
0xba: {  	s1 =	rddreg [dreg:$0x1];
	p0 =	sne.s32 s2, $0x0  }
0xbb: {  	s3 =	rddreg [dreg:$0x2];
	[bflag:$0x3] =	sbarrier.arrive $0xFFFF;
	s2 =	simm.s32 @!p0 $0x1C02  }
0xbc: {  	[timem:s3], [sflag:s2] =	dma.local @!p0 [hbm:s0], s1  }
0xbd: {  	s0 =	simm.s32 @!p0 $0x2  }
0xbe: {  	_ =	swait.ge @!p0 [sflag:s0], s1  }
0xbf: {  	s1 =	ssub.s32 @!p0 $0x0, s1;
	[sflag:s0] =	ssyncset.done @!p0 $0x0  }
0xc0: {  	[sflag:s0] =	ssyncadd.s32 @!p0 s1  }
0xc1: {  	[bflag:$0x3] =	sbarrier.arrive $0xFFFF  }
0xc2: {  	_ =	shalt  }

// kernel: kernel.8.cloned.1.call-start
scs
__scs_entry_jumppad:
0x0: {  	(pc) =	sbr.rel $0x88, $3  }
0x1: {  	(tag) =	ssettag $0x0;
	lr =	simm.s32 $0x1  }
0x2: {  	[smem:$0x3F9B] =	sst lr;
	_ =	strace $0xD0000000  }
0x3: {  	_ = 	snop  }
0x4: {  	_ = 	snop  }
0x5: {  	_ = 	snop  }
0x6: {  	_ = 	snop  }
0x7: {  	_ = 	snop  }
__scs_overlays_trampoline_lowered:
0x8: {  	[smem:$0x3FAA] =	sst s0  }
0x9: {  	[smem:$0x3FAB] =	sst s1  }
0xa: {  	[smem:$0x3FAC] =	sst s2  }
0xb: {  	[smem:$0x3FAD] =	sst s3  }
0xc: {  	[smem:$0x3FAE] =	sst s4  }
0xd: {  	[smem:$0x3FAF] =	sst s5  }
0xe: {  	[smem:$0x3FB0] =	sst s6  }
0xf: {  	[smem:$0x3FB1] =	sst s7  }
0x10: {  	[smem:$0x3FB2] =	sst s8  }
0x11: {  	[smem:$0x3FB3] =	sst s9;
	s0 =	simm.s32 @!p0 $0x0  }
0x12: {  	s1 =	sld [smem:$0x3F99];
	s0 =	simm.s32 @p0 $0x1  }
0x13: {  	[smem:$0x3FB4] =	sst s0;
	s0 =	simm.s32 @!p1 $0x0  }
0x14: {  	s2 =	sld [smem:$0x3F98];
	s0 =	simm.s32 @p1 $0x1  }
0x15: {  	[smem:$0x3FB5] =	sst s0;
	s0 =	simm.s32 @!p2 $0x0  }
0x16: {  	s3 =	sld [smem:$0x3FDB];
	s0 =	simm.s32 @p2 $0x1  }
0x17: {  	s4 =	simm.s32 $0x1BF5;
	[smem:$0x3FB7] =	sst s0  }
0x18: {  	s0 =	sld [smem:$0x3F9A];
	_ =	swait.ge [sflag:s4], $0x0  }
0x19: {  	s7 =	sld [smem:$0x3F9B]  }
0x1a: {  	s8 =	sadd.s32 $0xFFFFE003, lr  }
0x1b: {  	s9 =	sadd.s32 $0xFFFFFEF7, lr;
	s5 =	simm.s32 $0xFFFFFFFF;
	p2 =	slt.u32 s8, $0xFFFFF086  }
0x1c: {  	p1 =	slt.u32 s9, $0xF7A;
	s5 =	simm.s32 @!p2 $0x0  }
0x1d: {  	s5 =	simm.s32 @p1 $0x1;
	p0 =	seq.s32 s7, s2  }
0x1e: {  	s7 =	smul.u32 @!p0 $0xF7A, s2;
	p2 =	seq.s32 @!p0 s5, $0x0  }
0x1f: {  	s9 =	smul.u32 $0xF7A, s1;
	s8 =	simm.s32 @!p0 $0x1BF5;
	p2 =	por !p2, p0  }
0x20: {  	[sflag:s8] =	ssyncset.s32 @!p0 $0xFFFFF086;
	s6 =	sadd.s32 @!p0 s3, s7;
	s7 =	simm.s32 @!p0 $0x108  }
0x21: {  	s3 =	sadd.s32 s3, s9;
	s6 =	sadd.s32 @!p0 $0x88, s6;
	s7 =	simm.s32 @p2 $0x1082  }
0x22: {  	[simem:s7], [sflag:s8] =	dma.local @!p0 [hbm:s6], $0xF7A  }
0x23: {  	s9 =	sor.u32 $0xD0000000, s2;
	s6 =	simm.s32 $0x108;
	_ =	swait.ge @!p0 [sflag:s8], $0x0  }
0x24: {  	s3 =	sadd.s32 $0x88, s3;
	s6 =	simm.s32 @!p1 $0x1082;
	[sflag:s4] =	ssyncset.s32 $0xFFFFF086  }
0x25: {  	[simem:s6], [sflag:s4] =	dma.local [hbm:s3], $0xF7A  }
0x26: {  	[smem:$0x3F9B] =	sst s1;
	(tag) =	ssettag s2;
	_ =	strace s9  }
0x27: {  	s1 =	sld [smem:$0x3FAB]  }
0x28: {  	s2 =	sld [smem:$0x3FAC]  }
0x29: {  	s4 =	sld [smem:$0x3FAE]  }
0x2a: {  	p0 =	seq.s32 s5, $0x0;
	s5 =	sld [smem:$0x3FAF]  }
0x2b: {  	s6 =	sld [smem:$0x3FB0]  }
0x2c: {  	s7 =	sld [smem:$0x3FB1]  }
0x2d: {  	s3 =	simm.s32 $0x108;
	s8 =	sld [smem:$0x3FB2]  }
0x2e: {  	s3 =	simm.s32 @!p0 $0x1082;
	s9 =	sld [smem:$0x3FB3]  }
0x2f: {  	lr =	sadd.s32 s0, s3;
	s0 =	sld [smem:$0x3FAA]  }
0x30: {  	s3 =	sld [smem:$0x3FAD]  }
0x31: {  	[smem:$0x3FB6] =	sst s10  }
0x32: {  	s10 =	sld [smem:$0x3FB4];
	_ =	sdelay $0x3  }
0x33: {  	p0 =	seq.s32 s10, $0x1;
	s10 =	sld [smem:$0x3FB6];
	_ =	sdelay $0x3  }
0x34: {  	[smem:$0x3FB6] =	sst s10  }
0x35: {  	s10 =	sld [smem:$0x3FB5];
	_ =	sdelay $0x3  }
0x36: {  	p1 =	seq.s32 s10, $0x1;
	s10 =	sld [smem:$0x3FB6];
	_ =	sdelay $0x3  }
0x37: {  	[smem:$0x3FB6] =	sst s10  }
0x38: {  	s10 =	sld [smem:$0x3FB7]  }
0x39: {  	_ = 	snop;
	(pc) =	sbr.ind lr, $3  }
0x3a: {  	_ = 	snop  }
0x3b: {  	_ = 	snop  }
0x3c: {  	p2 =	seq.s32 s10, $0x1;
	s10 =	sld [smem:$0x3FB6]  }
0x3d: {  	_ =	shalt  }
0x3e: {  	_ =	shalt  }
0x3f: {  	_ =	shalt  }
0x40: {  	_ =	shalt  }
0x41: {  	_ =	shalt  }
0x42: {  	_ =	shalt  }
0x43: {  	_ =	shalt  }
0x44: {  	_ =	shalt  }
0x45: {  	_ =	shalt  }
0x46: {  	_ =	shalt  }
0x47: {  	_ =	shalt  }
0x48: {  	_ =	shalt  }
0x49: {  	_ =	shalt  }
0x4a: {  	_ =	shalt  }
0x4b: {  	_ =	shalt  }
0x4c: {  	_ =	shalt  }
0x4d: {  	_ =	shalt  }
0x4e: {  	_ =	shalt  }
0x4f: {  	_ =	shalt  }
0x50: {  	_ =	shalt  }
0x51: {  	_ =	shalt  }
0x52: {  	_ =	shalt  }
0x53: {  	_ =	shalt  }
0x54: {  	_ =	shalt  }
0x55: {  	_ =	shalt  }
0x56: {  	_ =	shalt  }
0x57: {  	_ =	shalt  }
0x58: {  	_ =	shalt  }
0x59: {  	_ =	shalt  }
0x5a: {  	_ =	shalt  }
0x5b: {  	_ =	shalt  }
0x5c: {  	_ =	shalt  }
0x5d: {  	_ =	shalt  }
0x5e: {  	_ =	shalt  }
0x5f: {  	_ =	shalt  }
0x60: {  	_ =	shalt  }
0x61: {  	_ =	shalt  }
0x62: {  	_ =	shalt  }
0x63: {  	_ =	shalt  }
0x64: {  	_ =	shalt  }
0x65: {  	_ =	shalt  }
0x66: {  	_ =	shalt  }
0x67: {  	_ =	shalt  }
0x68: {  	_ =	shalt  }
0x69: {  	_ =	shalt  }
0x6a: {  	_ =	shalt  }
0x6b: {  	_ =	shalt  }
0x6c: {  	_ =	shalt  }
0x6d: {  	_ =	shalt  }
0x6e: {  	_ =	shalt  }
0x6f: {  	_ =	shalt  }
0x70: {  	_ =	shalt  }
0x71: {  	_ =	shalt  }
0x72: {  	_ =	shalt  }
0x73: {  	_ =	shalt  }
0x74: {  	_ =	shalt  }
0x75: {  	_ =	shalt  }
0x76: {  	_ =	shalt  }
0x77: {  	_ =	shalt  }
0x78: {  	_ =	shalt  }
0x79: {  	_ =	shalt  }
0x7a: {  	_ =	shalt  }
0x7b: {  	_ =	shalt  }
0x7c: {  	_ =	shalt  }
0x7d: {  	_ =	shalt  }
0x7e: {  	_ =	shalt  }
0x7f: {  	_ =	shalt  }
0x80: {  	_ =	shalt  }
0x81: {  	_ =	shalt  }
0x82: {  	_ =	shalt  }
0x83: {  	_ =	shalt  }
0x84: {  	_ =	shalt  }
0x85: {  	_ =	shalt  }
0x86: {  	_ =	shalt  }
0x87: {  	_ =	shalt  }
.Lfunc_end0:
.L_simem_size_0:
called_computation_lowered:
.L_overlay_start_0:
0x88: {  	s0 =	sld [smem:$0x3FD9]  }
0x89: {  	s1 =	sld [smem:$0x3FFE];
	_ =	sdelay $0x3  }
0x8a: {  	s0 =	sadd.s32 s1, s0  }
0x8b: {  	[smem:$0x3FC2] =	sst s0  }
0x8c: {  	_ = 	snop  }
0x8d: {  	s0 =	sld [smem:$0x3FD0];
	(tm) =	ssettm $0x1  }
0x8e: {  	s16 =	sld [smem:$0x3FFB];
	_ =	sdelay $0x3  }
0x8f: {  	_ =	strace s16  }
0x90: {  	s1 =	sld [smem:$0x3FFC];
	_ =	sdelay $0x3  }
0x91: {  	_ =	strace s1  }
0x92: {  	s1 =	sld [smem:$0x3FFD];
	_ =	sdelay $0x3  }
0x93: {  	_ =	strace s1  }
0x94: {  	_ =	strace $0x8FFFFFFF  }
0x95: {  	s17 =	sld [smem:$0x3FDB];
	_ =	sdelay $0x1  }
0x96: {  	s2 =	simm.s32 $_scs_section_size  }
0x97: {  	s3 =	simm.s32 $_size__tile_overlayer_lowered;
	s4 =	simm.s32 $_tile_overlayer_lowered  }
0x98: {  	s20 =	simm.s32 $0x1BFF;
	s19 =	sshll.u32 s4, $0x1;
	s1 =	sadd.s32 s2, s17  }
0x99: {  	s5 =	simm.s32 $0x0;
	s18 =	sshll.u32 s3, $0x1;
	s3 =	sadd.s32 s19, s1  }
0x9a: {  	[timem:s5], [sflag:s20] =	dma.local [hbm:s3], s18  }
0x9b: {  	_ =	swait.ge [sflag:s20], s18  }
0x9c: {  	s2 =	ssub.s32 $0x0, s18;
	[sflag:s20] =	ssyncset.done $0x0  }
0x9d: {  	[sflag:s20] =	ssyncadd.s32 s2;
	_ =	sdelay $0x1  }
0x9e: {  	s21 =	simm.s32 $0x1B8B  }
0x9f: {  	_ =	swait.ge [sflag:s21], $0x1  }
0xa0: {  	[sflag:s21] =	ssyncset.done $0x0  }
0xa1: {  	s23 =	simm.s32 $0x1B8E;
	s22 =	sld [smem:$0x3FFE];
	[sflag:s21] =	ssyncadd.s32 $0xFFFFFFFF  }
0xa2: {  	s24 =	simm.s32 $execute0_lowered;
	[smem:$0x3FD2] =	sst s23  }
0xa3: {  	s3 =	sshll.u32 s24, $0x1;
	_ =	strace $0x80000046;
	[dreg:$0x1] =	wrdreg $0xFFFFFFFF  }
0xa4: {  	s25 =	simm.s32 $_size_execute0_lowered;
	s1 =	sadd.s32 s1, s3;
	[dreg:$0x0] =	wrdreg $0x0  }
0xa5: {  	s3 =	sshll.u32 s25, $0x1;
	[dreg:$0x2] =	wrdreg s1  }
0xa6: {  	[dreg:$0x3] =	wrdreg s3  }
0xa7: {  	[dreg:$0x4] =	wrdreg $0xC0  }
0xa8: {  	_ =	task [dreg:s5], $0x5FFFF  }
0xa9: {  	[dreg:$0x1] =	wrdreg $0xFFFFFFFF  }
0xaa: {  	[dreg:$0x0] =	wrdreg $0x60  }
0xab: {  	[dreg:$0x2] =	wrdreg s0  }
0xac: {  	[dreg:$0x3] =	wrdreg s22  }
0xad: {  	[dreg:$0x4] =	wrdreg $0xCE800  }
0xae: {  	[dreg:$0x5] =	wrdreg $0x9  }
0xaf: {  	_ =	task.clear_ibuf [dreg:s5], $0x6FFFF;
	_ =	strace $0x90000046  }
0xb0: {  	s26 =	simm.s32 $0x9;
	_ =	strace $0x80000048  }
0xb1: {  	_ =	swait.ge [sflag:s26], $0x1  }
0xb2: {  	[sflag:s26] =	ssyncadd.s32 $0xFFFFFFFF  }
0xb3: {  	_ =	strace $0x90000048  }
0xb4: {  	_ =	sfence  }
0xb5: {  	s28 =	sld [smem:$0x0];
	_ =	sdelay $0x1  }
0xb6: {  	s29 =	srdreg.scid  }
0xb7: {  	s30 =	sshll.u32 s29, $0xD;
	s31 =	sshrl.u32 s29, $0x2  }
0xb8: {  	s2 =	sand.u32 $0x4000, s30;
	s1 =	sand.u32 $0x1, s29;
	s0 =	sadd.s32 s31, s28  }
0xb9: {  	s1 =	sor.u32 s2, s1;
	s0 =	sshll.u32 s0, $0x11  }
0xba: {  	s0 =	sor.u32 s0, s1  }
0xbb: {  	s0 =	sadd.s32 $0x8F2B, s0  }
0xbc: {  	[sflag:s0] =	ssyncadd.remote.s32 $0x1  }
0xbd: {  	_ =	sfence.sel $0xFFFF  }
0xbe: {  	[dreg:$0x0] =	wrdreg $0xFFFFFFFF;
	(pc) =	sbr.abs _section_cstart, $3  }
0xbf: {  	[dreg:$0x1] =	wrdreg $0xFFFFFFFF  }
0xc0: {  	_ =	task.clear_ibuf [dreg:s5], $0x2FFFF;
	_ =	strace $0x9FFFFFFF  }
0xc1: {  	(tm) =	ssettm $0x7FFFFFFF  }
tec
execute0_lowered:
.L_overlay_start_1:
0x0: {  	(tag) =	ssettag $0x1  }
0x1: {  	s7 =	rddreg [dreg:$0x0];
	s0 =	stileid.u32  }
0x2: {  	s3 =	rddreg [dreg:$0x1];
	s4 =	sshrl.u32 s0, $0x3  }
0x3: {  	s6 =	rddreg [dreg:$0x2];
	s2 =	sshll.u32 s0, $0x7;
	s8 =	smul.u32 $0x27400, s4  }
0x4: {  	s1 =	rddreg [dreg:$0x3];
	s9 =	simm.s32 $0x0;
	s5 =	sand.u32 $0x380, s2  }
0x5: {  	[smem:$0x7FF] =	sst s9;
	s8 =	sor.u32 s5, s8  }
0x6: {  	s3 =	sadd.s32 $0x1E00, s3;
	s9 =	simm.s32 $0x0;
	s8 =	sshrl.u32 s8, $0x3  }
0x7: {  	v0 =	vimm.f32 $0.0e+00;
	_ =	strace $0x80000047;
	s7 =	sadd.s32 s7, s8;
	s8 =	simm.s32 $0x40  }
.LBB2_1:
0x8: {  	p0 =	sne.s32 s8, $0xFFC0;
	[tilespmem:s9+$0x4E80] =	vst v0;
	s9 =	smov.u32 s8;
	s8 =	sadd.s32 $0x40, s8  }
.Ltmp0:
0x9: {  	(pc) =	sbr.rel @p0 .LBB2_1-.Ltmp0, $2  }
0xa: {  	_ =	sdelay $0x2  }
0xb: {  	s9 =	sshra.s32 s9, $0x2  }
0xc: {  	s8 =	simm.s32 $0x80  }
0xd: {  	[tilespmem:s9+$0x4E80] =	vst v0;
	s30 =	simm.s32 $0x400;
	s10 =	simm.s32 $0x0;
	s31 =	simm.s32 $0x1  }
0xe: {  	[tilespmem:s10], [sflag:$0x1] =	stream.strided.gather [hbm4b:s7+s8], $0x4E80, s30, s8, $0x38;
	[tilespmem:$0x10E80] =	vst v63  }
0xf: {  	_ =	swait.ge [sflag:s31], $0x4E80  }
0x10: {  	s9 =	simm.s32 $0x0;
	[sflag:s31] =	ssyncset.done $0x0  }
0x11: {  	v0 =	vimm.f32 $1.000000000e+00;
	s7 =	simm.s32 $0x4E80;
	s8 =	simm.s32 $0x40;
	[sflag:s31] =	ssyncadd.s32 $0xFFFFB180  }
.LBB2_3:
0x12: {  	p0 =	sne.s32 s8, $0x13840;
	v1 =	vld [tilespmem:s9+$0x0];
	_ =	sdelay $0x3  }
.Ltmp1:
0x13: {  	(pc) =	sbr.rel @p0 .LBB2_3-.Ltmp1, $2  }
0x14: {  	_ =	sdelay $0x2  }
0x15: {  	s9 =	sshra.s32 s8, $0x2;
	s8 =	sadd.s32 $0x40, s8;
	[tilespmem:v1+s7+$0x0] =	vst.idx.add.f32.msk $0xffff, v0  }
0x16: {  	v1 =	vld [tilespmem:s9+$0x0];
	_ =	sdelay $0x5  }
0x17: {  	s4 =	sshll.u32 s4, $0x11  }
0x18: {  	s12 =	simm.s32 $0x80;
	s4 =	sadd.s32 s4, s6  }
0x19: {  	s8 =	simm.s32 $0x400;
	s5 =	sadd.s32 s5, s4;
	s4 =	simm.s32 $0x4E80;
	[tilespmem:v1+s7+$0x0] =	vst.idx.add.f32.msk $0xffff, v0  }
0x1a: {  	[spmem:s5] =	stream.strided.scatter [tilespmem:s4], [sflag:$0x1], $0x4000, s8, s12, $0x38;
	[tilespmem:$0x10E80] =	vst v63  }
0x1b: {  	s5 =	simm.s32 $0x1  }
0x1c: {  	_ =	swait.ge [sflag:s5], $0x4000  }
0x1d: {  	[sflag:s5] =	ssyncset.done $0x0  }
0x1e: {  	s13 =	sshll.u32 s0, $0xD;
	[sflag:s5] =	ssyncadd.s32 $0xFFFFC000  }
0x1f: {  	s14 =	simm.s32 $0x8E80;
	s6 =	sadd.s32 s13, s6;
	[bflag:$0x0] =	sbarrier.arrive $0xFFFF  }
0x20: {  	[tilespmem:s14], [sflag:$0x1] =	stream.linear.gather [spmem:s6], $0x80, $0x38;
	[tilespmem:$0x10E80] =	vst v63  }
0x21: {  	s16 =	simm.s32 $0x9280;
	s15 =	sadd.s32 $0x400, s6  }
0x22: {  	[tilespmem:s16], [sflag:$0x1] =	stream.linear.gather [spmem:s15], $0x80, $0x38;
	[tilespmem:$0x10E80] =	vst v63  }
0x23: {  	s18 =	simm.s32 $0x9680;
	s17 =	sadd.s32 $0x800, s6  }
0x24: {  	[tilespmem:s18], [sflag:$0x1] =	stream.linear.gather [spmem:s17], $0x80, $0x38;
	[tilespmem:$0x10E80] =	vst v63  }
0x25: {  	s20 =	simm.s32 $0x9A80;
	s19 =	sadd.s32 $0xC00, s6  }
0x26: {  	[tilespmem:s20], [sflag:$0x1] =	stream.linear.gather [spmem:s19], $0x80, $0x38;
	[tilespmem:$0x10E80] =	vst v63  }
0x27: {  	s22 =	simm.s32 $0x9E80;
	s21 =	sadd.s32 $0x1000, s6  }
0x28: {  	[tilespmem:s22], [sflag:$0x1] =	stream.linear.gather [spmem:s21], $0x80, $0x38;
	[tilespmem:$0x10E80] =	vst v63  }
0x29: {  	s24 =	simm.s32 $0xA280;
	s23 =	sadd.s32 $0x1400, s6  }
0x2a: {  	[tilespmem:s24], [sflag:$0x1] =	stream.linear.gather [spmem:s23], $0x80, $0x38;
	[tilespmem:$0x10E80] =	vst v63  }
0x2b: {  	s26 =	simm.s32 $0xA680;
	s25 =	sadd.s32 $0x1800, s6  }
0x2c: {  	[tilespmem:s26], [sflag:$0x1] =	stream.linear.gather [spmem:s25], $0x80, $0x38;
	[tilespmem:$0x10E80] =	vst v63  }
0x2d: {  	s29 =	simm.s32 $0xAA80;
	s28 =	sadd.s32 $0x1C00, s6  }
0x2e: {  	[tilespmem:s29], [sflag:$0x1] =	stream.linear.gather [spmem:s28], $0x80, $0x38;
	[tilespmem:$0x10E80] =	vst v63  }
0x2f: {  	_ =	swait.ge [sflag:s5], $0x400  }
0x30: {  	[sflag:s5] =	ssyncset.done $0x0  }
0x31: {  	s31 =	simm.s32 $0x8F00;
	s30 =	sadd.s32 $0x80, s6;
	[sflag:s5] =	ssyncadd.s32 $0xFFFFFC00  }
0x32: {  	[tilespmem:s31], [sflag:$0x1] =	stream.linear.gather [spmem:s30], $0x80, $0x38;
	[tilespmem:$0x10E80] =	vst v63  }
0x33: {  	s10 =	simm.s32 $0x9300;
	s9 =	sadd.s32 $0x480, s6  }
0x34: {  	[tilespmem:s10], [sflag:$0x1] =	stream.linear.gather [spmem:s9], $0x80, $0x38;
	[tilespmem:$0x10E80] =	vst v63  }
0x35: {  	s11 =	sadd.s32 $0x880, s6;
	s12 =	simm.s32 $0x9700  }
0x36: {  	[tilespmem:s12], [sflag:$0x1] =	stream.linear.gather [spmem:s11], $0x80, $0x38;
	[tilespmem:$0x10E80] =	vst v63  }
0x37: {  	s13 =	sadd.s32 $0xC80, s6;
	s14 =	simm.s32 $0x9B00  }
0x38: {  	[tilespmem:s14], [sflag:$0x1] =	stream.linear.gather [spmem:s13], $0x80, $0x38;
	[tilespmem:$0x10E80] =	vst v63  }
0x39: {  	s15 =	sadd.s32 $0x1080, s6;
	s16 =	simm.s32 $0x9F00  }
0x3a: {  	[tilespmem:s16], [sflag:$0x1] =	stream.linear.gather [spmem:s15], $0x80, $0x38;
	[tilespmem:$0x10E80] =	vst v63  }
0x3b: {  	s17 =	sadd.s32 $0x1480, s6;
	s18 =	simm.s32 $0xA300  }
0x3c: {  	[tilespmem:s18], [sflag:$0x1] =	stream.linear.gather [spmem:s17], $0x80, $0x38;
	[tilespmem:$0x10E80] =	vst v63  }
0x3d: {  	s19 =	sadd.s32 $0x1880, s6;
	s20 =	simm.s32 $0xA700  }
0x3e: {  	[tilespmem:s20], [sflag:$0x1] =	stream.linear.gather [spmem:s19], $0x80, $0x38;
	[tilespmem:$0x10E80] =	vst v63  }
0x3f: {  	s21 =	sadd.s32 $0x1C80, s6;
	s22 =	simm.s32 $0xAB00  }
0x40: {  	[tilespmem:s22], [sflag:$0x1] =	stream.linear.gather [spmem:s21], $0x80, $0x38;
	[tilespmem:$0x10E80] =	vst v63  }
0x41: {  	_ =	swait.ge [sflag:s5], $0x400  }
0x42: {  	[sflag:s5] =	ssyncset.done $0x0  }
0x43: {  	s23 =	sadd.s32 $0x100, s6;
	s24 =	simm.s32 $0x8F80;
	[sflag:s5] =	ssyncadd.s32 $0xFFFFFC00  }
0x44: {  	[tilespmem:s24], [sflag:$0x1] =	stream.linear.gather [spmem:s23], $0x80, $0x38;
	[tilespmem:$0x10E80] =	vst v63  }
0x45: {  	s25 =	sadd.s32 $0x500, s6;
	s26 =	simm.s32 $0x9380  }
0x46: {  	[tilespmem:s26], [sflag:$0x1] =	stream.linear.gather [spmem:s25], $0x80, $0x38;
	[tilespmem:$0x10E80] =	vst v63  }
0x47: {  	s28 =	sadd.s32 $0x900, s6;
	s29 =	simm.s32 $0x9780  }
0x48: {  	[tilespmem:s29], [sflag:$0x1] =	stream.linear.gather [spmem:s28], $0x80, $0x38;
	[tilespmem:$0x10E80] =	vst v63  }
0x49: {  	s30 =	sadd.s32 $0xD00, s6;
	s31 =	simm.s32 $0x9B80  }
0x4a: {  	[tilespmem:s31], [sflag:$0x1] =	stream.linear.gather [spmem:s30], $0x80, $0x38;
	[tilespmem:$0x10E80] =	vst v63  }
0x4b: {  	s9 =	sadd.s32 $0x1100, s6;
	s10 =	simm.s32 $0x9F80  }
0x4c: {  	[tilespmem:s10], [sflag:$0x1] =	stream.linear.gather [spmem:s9], $0x80, $0x38;
	[tilespmem:$0x10E80] =	vst v63  }
0x4d: {  	s11 =	sadd.s32 $0x1500, s6;
	s12 =	simm.s32 $0xA380  }
0x4e: {  	[tilespmem:s12], [sflag:$0x1] =	stream.linear.gather [spmem:s11], $0x80, $0x38;
	[tilespmem:$0x10E80] =	vst v63  }
0x4f: {  	s13 =	sadd.s32 $0x1900, s6;
	s14 =	simm.s32 $0xA780  }
0x50: {  	[tilespmem:s14], [sflag:$0x1] =	stream.linear.gather [spmem:s13], $0x80, $0x38;
	[tilespmem:$0x10E80] =	vst v63  }
0x51: {  	s15 =	sadd.s32 $0x1D00, s6;
	s16 =	simm.s32 $0xAB80  }
0x52: {  	[tilespmem:s16], [sflag:$0x1] =	stream.linear.gather [spmem:s15], $0x80, $0x38;
	[tilespmem:$0x10E80] =	vst v63  }
0x53: {  	_ =	swait.ge [sflag:s5], $0x400  }
0x54: {  	[sflag:s5] =	ssyncset.done $0x0  }
0x55: {  	s17 =	sadd.s32 $0x180, s6;
	s18 =	simm.s32 $0x9000;
	[sflag:s5] =	ssyncadd.s32 $0xFFFFFC00  }
0x56: {  	[tilespmem:s18], [sflag:$0x1] =	stream.linear.gather [spmem:s17], $0x80, $0x38;
	[tilespmem:$0x10E80] =	vst v63  }
0x57: {  	s19 =	sadd.s32 $0x580, s6;
	s20 =	simm.s32 $0x9400  }
0x58: {  	[tilespmem:s20], [sflag:$0x1] =	stream.linear.gather [spmem:s19], $0x80, $0x38;
	[tilespmem:$0x10E80] =	vst v63  }
0x59: {  	s21 =	sadd.s32 $0x980, s6;
	s22 =	simm.s32 $0x9800  }
0x5a: {  	[tilespmem:s22], [sflag:$0x1] =	stream.linear.gather [spmem:s21], $0x80, $0x38;
	[tilespmem:$0x10E80] =	vst v63  }
0x5b: {  	s23 =	sadd.s32 $0xD80, s6;
	s24 =	simm.s32 $0x9C00  }
0x5c: {  	[tilespmem:s24], [sflag:$0x1] =	stream.linear.gather [spmem:s23], $0x80, $0x38;
	[tilespmem:$0x10E80] =	vst v63  }
0x5d: {  	s25 =	sadd.s32 $0x1180, s6;
	s26 =	simm.s32 $0xA000  }
0x5e: {  	[tilespmem:s26], [sflag:$0x1] =	stream.linear.gather [spmem:s25], $0x80, $0x38;
	[tilespmem:$0x10E80] =	vst v63  }
0x5f: {  	s28 =	sadd.s32 $0x1580, s6;
	s29 =	simm.s32 $0xA400  }
0x60: {  	[tilespmem:s29], [sflag:$0x1] =	stream.linear.gather [spmem:s28], $0x80, $0x38;
	[tilespmem:$0x10E80] =	vst v63  }
0x61: {  	s30 =	sadd.s32 $0x1980, s6;
	s31 =	simm.s32 $0xA800  }
0x62: {  	[tilespmem:s31], [sflag:$0x1] =	stream.linear.gather [spmem:s30], $0x80, $0x38;
	[tilespmem:$0x10E80] =	vst v63  }
0x63: {  	s9 =	sadd.s32 $0x1D80, s6;
	s10 =	simm.s32 $0xAC00  }
0x64: {  	[tilespmem:s10], [sflag:$0x1] =	stream.linear.gather [spmem:s9], $0x80, $0x38;
	[tilespmem:$0x10E80] =	vst v63  }
0x65: {  	_ =	swait.ge [sflag:s5], $0x400  }
0x66: {  	[sflag:s5] =	ssyncset.done $0x0  }
0x67: {  	s11 =	sadd.s32 $0x200, s6;
	s12 =	simm.s32 $0x9080;
	[sflag:s5] =	ssyncadd.s32 $0xFFFFFC00  }
0x68: {  	[tilespmem:s12], [sflag:$0x1] =	stream.linear.gather [spmem:s11], $0x80, $0x38;
	[tilespmem:$0x10E80] =	vst v63  }
0x69: {  	s13 =	sadd.s32 $0x600, s6;
	s14 =	simm.s32 $0x9480  }
0x6a: {  	[tilespmem:s14], [sflag:$0x1] =	stream.linear.gather [spmem:s13], $0x80, $0x38;
	[tilespmem:$0x10E80] =	vst v63  }
0x6b: {  	s15 =	sadd.s32 $0xA00, s6;
	s16 =	simm.s32 $0x9880  }
0x6c: {  	[tilespmem:s16], [sflag:$0x1] =	stream.linear.gather [spmem:s15], $0x80, $0x38;
	[tilespmem:$0x10E80] =	vst v63  }
0x6d: {  	s17 =	sadd.s32 $0xE00, s6;
	s18 =	simm.s32 $0x9C80  }
0x6e: {  	[tilespmem:s18], [sflag:$0x1] =	stream.linear.gather [spmem:s17], $0x80, $0x38;
	[tilespmem:$0x10E80] =	vst v63  }
0x6f: {  	s19 =	sadd.s32 $0x1200, s6;
	s20 =	simm.s32 $0xA080  }
0x70: {  	[tilespmem:s20], [sflag:$0x1] =	stream.linear.gather [spmem:s19], $0x80, $0x38;
	[tilespmem:$0x10E80] =	vst v63  }
0x71: {  	s21 =	sadd.s32 $0x1600, s6;
	s22 =	simm.s32 $0xA480  }
0x72: {  	[tilespmem:s22], [sflag:$0x1] =	stream.linear.gather [spmem:s21], $0x80, $0x38;
	[tilespmem:$0x10E80] =	vst v63  }
0x73: {  	s23 =	sadd.s32 $0x1A00, s6;
	s24 =	simm.s32 $0xA880  }
0x74: {  	[tilespmem:s24], [sflag:$0x1] =	stream.linear.gather [spmem:s23], $0x80, $0x38;
	[tilespmem:$0x10E80] =	vst v63  }
0x75: {  	s25 =	sadd.s32 $0x1E00, s6;
	s26 =	simm.s32 $0xAC80  }
0x76: {  	[tilespmem:s26], [sflag:$0x1] =	stream.linear.gather [spmem:s25], $0x80, $0x38;
	[tilespmem:$0x10E80] =	vst v63  }
0x77: {  	_ =	swait.ge [sflag:s5], $0x400  }
0x78: {  	[sflag:s5] =	ssyncset.done $0x0  }
0x79: {  	s28 =	sadd.s32 $0x280, s6;
	s29 =	simm.s32 $0x9100;
	[sflag:s5] =	ssyncadd.s32 $0xFFFFFC00  }
0x7a: {  	[tilespmem:s29], [sflag:$0x1] =	stream.linear.gather [spmem:s28], $0x80, $0x38;
	[tilespmem:$0x10E80] =	vst v63  }
0x7b: {  	s30 =	sadd.s32 $0x680, s6;
	s31 =	simm.s32 $0x9500  }
0x7c: {  	[tilespmem:s31], [sflag:$0x1] =	stream.linear.gather [spmem:s30], $0x80, $0x38;
	[tilespmem:$0x10E80] =	vst v63  }
0x7d: {  	s9 =	sadd.s32 $0xA80, s6;
	s10 =	simm.s32 $0x9900  }
0x7e: {  	[tilespmem:s10], [sflag:$0x1] =	stream.linear.gather [spmem:s9], $0x80, $0x38;
	[tilespmem:$0x10E80] =	vst v63  }
0x7f: {  	s11 =	sadd.s32 $0xE80, s6;
	s12 =	simm.s32 $0x9D00  }
0x80: {  	[tilespmem:s12], [sflag:$0x1] =	stream.linear.gather [spmem:s11], $0x80, $0x38;
	[tilespmem:$0x10E80] =	vst v63  }
0x81: {  	s13 =	sadd.s32 $0x1280, s6;
	s14 =	simm.s32 $0xA100  }
0x82: {  	[tilespmem:s14], [sflag:$0x1] =	stream.linear.gather [spmem:s13], $0x80, $0x38;
	[tilespmem:$0x10E80] =	vst v63  }
0x83: {  	s15 =	sadd.s32 $0x1680, s6;
	s16 =	simm.s32 $0xA500  }
0x84: {  	[tilespmem:s16], [sflag:$0x1] =	stream.linear.gather [spmem:s15], $0x80, $0x38;
	[tilespmem:$0x10E80] =	vst v63  }
0x85: {  	s17 =	sadd.s32 $0x1A80, s6;
	s18 =	simm.s32 $0xA900  }
0x86: {  	[tilespmem:s18], [sflag:$0x1] =	stream.linear.gather [spmem:s17], $0x80, $0x38;
	[tilespmem:$0x10E80] =	vst v63  }
0x87: {  	s19 =	sadd.s32 $0x1E80, s6;
	s20 =	simm.s32 $0xAD00  }
0x88: {  	[tilespmem:s20], [sflag:$0x1] =	stream.linear.gather [spmem:s19], $0x80, $0x38;
	[tilespmem:$0x10E80] =	vst v63  }
0x89: {  	_ =	swait.ge [sflag:s5], $0x400  }
0x8a: {  	[sflag:s5] =	ssyncset.done $0x0  }
0x8b: {  	s21 =	sadd.s32 $0x300, s6;
	s22 =	simm.s32 $0x9180;
	[sflag:s5] =	ssyncadd.s32 $0xFFFFFC00  }
0x8c: {  	[tilespmem:s22], [sflag:$0x1] =	stream.linear.gather [spmem:s21], $0x80, $0x38;
	[tilespmem:$0x10E80] =	vst v63  }
0x8d: {  	s23 =	sadd.s32 $0x700, s6;
	s24 =	simm.s32 $0x9580  }
0x8e: {  	[tilespmem:s24], [sflag:$0x1] =	stream.linear.gather [spmem:s23], $0x80, $0x38;
	[tilespmem:$0x10E80] =	vst v63  }
0x8f: {  	s25 =	sadd.s32 $0xB00, s6;
	s26 =	simm.s32 $0x9980  }
0x90: {  	[tilespmem:s26], [sflag:$0x1] =	stream.linear.gather [spmem:s25], $0x80, $0x38;
	[tilespmem:$0x10E80] =	vst v63  }
0x91: {  	s28 =	sadd.s32 $0xF00, s6;
	s29 =	simm.s32 $0x9D80  }
0x92: {  	[tilespmem:s29], [sflag:$0x1] =	stream.linear.gather [spmem:s28], $0x80, $0x38;
	[tilespmem:$0x10E80] =	vst v63  }
0x93: {  	s30 =	sadd.s32 $0x1300, s6;
	s31 =	simm.s32 $0xA180  }
0x94: {  	[tilespmem:s31], [sflag:$0x1] =	stream.linear.gather [spmem:s30], $0x80, $0x38;
	[tilespmem:$0x10E80] =	vst v63  }
0x95: {  	s9 =	sadd.s32 $0x1700, s6;
	s10 =	simm.s32 $0xA580  }
0x96: {  	[tilespmem:s10], [sflag:$0x1] =	stream.linear.gather [spmem:s9], $0x80, $0x38;
	[tilespmem:$0x10E80] =	vst v63  }
0x97: {  	s11 =	sadd.s32 $0x1B00, s6;
	s12 =	simm.s32 $0xA980  }
0x98: {  	[tilespmem:s12], [sflag:$0x1] =	stream.linear.gather [spmem:s11], $0x80, $0x38;
	[tilespmem:$0x10E80] =	vst v63  }
0x99: {  	s13 =	sadd.s32 $0x1F00, s6;
	s14 =	simm.s32 $0xAD80  }
0x9a: {  	[tilespmem:s14], [sflag:$0x1] =	stream.linear.gather [spmem:s13], $0x80, $0x38;
	[tilespmem:$0x10E80] =	vst v63  }
0x9b: {  	_ =	swait.ge [sflag:s5], $0x400  }
0x9c: {  	[sflag:s5] =	ssyncset.done $0x0  }
0x9d: {  	s15 =	sadd.s32 $0x380, s6;
	s16 =	simm.s32 $0x9200;
	[sflag:s5] =	ssyncadd.s32 $0xFFFFFC00  }
0x9e: {  	[tilespmem:s16], [sflag:$0x1] =	stream.linear.gather [spmem:s15], $0x80, $0x38;
	[tilespmem:$0x10E80] =	vst v63  }
0x9f: {  	s17 =	sadd.s32 $0x780, s6;
	s18 =	simm.s32 $0x9600  }
0xa0: {  	[tilespmem:s18], [sflag:$0x1] =	stream.linear.gather [spmem:s17], $0x80, $0x38;
	[tilespmem:$0x10E80] =	vst v63  }
0xa1: {  	s19 =	sadd.s32 $0xB80, s6;
	s20 =	simm.s32 $0x9A00  }
0xa2: {  	[tilespmem:s20], [sflag:$0x1] =	stream.linear.gather [spmem:s19], $0x80, $0x38;
	[tilespmem:$0x10E80] =	vst v63  }
0xa3: {  	s21 =	sadd.s32 $0xF80, s6;
	s22 =	simm.s32 $0x9E00  }
0xa4: {  	[tilespmem:s22], [sflag:$0x1] =	stream.linear.gather [spmem:s21], $0x80, $0x38;
	[tilespmem:$0x10E80] =	vst v63  }
0xa5: {  	s23 =	sadd.s32 $0x1380, s6;
	s24 =	simm.s32 $0xA200  }
0xa6: {  	[tilespmem:s24], [sflag:$0x1] =	stream.linear.gather [spmem:s23], $0x80, $0x38;
	[tilespmem:$0x10E80] =	vst v63  }
0xa7: {  	s25 =	sadd.s32 $0x1780, s6;
	s26 =	simm.s32 $0xA600  }
0xa8: {  	[tilespmem:s26], [sflag:$0x1] =	stream.linear.gather [spmem:s25], $0x80, $0x38;
	[tilespmem:$0x10E80] =	vst v63  }
0xa9: {  	s28 =	sadd.s32 $0x1B80, s6;
	s29 =	simm.s32 $0xAA00  }
0xaa: {  	[tilespmem:s29], [sflag:$0x1] =	stream.linear.gather [spmem:s28], $0x80, $0x38;
	[tilespmem:$0x10E80] =	vst v63  }
0xab: {  	s30 =	sadd.s32 $0x1F80, s6;
	s31 =	simm.s32 $0xAE00  }
0xac: {  	[tilespmem:s31], [sflag:$0x1] =	stream.linear.gather [spmem:s30], $0x80, $0x38;
	[tilespmem:$0x10E80] =	vst v63  }
0xad: {  	_ =	swait.ge [sflag:s5], $0x400  }
0xae: {  	[sflag:s5] =	ssyncset.done $0x0  }
0xaf: {  	s9 =	sadd.s32 $0x20000, s6;
	s10 =	simm.s32 $0xAE80;
	[sflag:s5] =	ssyncadd.s32 $0xFFFFFC00  }
0xb0: {  	[tilespmem:s10], [sflag:$0x1] =	stream.linear.gather [spmem:s9], $0x80, $0x38;
	[tilespmem:$0x10E80] =	vst v63  }
0xb1: {  	s11 =	sadd.s32 $0x20400, s6;
	s12 =	simm.s32 $0xB280  }
0xb2: {  	[tilespmem:s12], [sflag:$0x1] =	stream.linear.gather [spmem:s11], $0x80, $0x38;
	[tilespmem:$0x10E80] =	vst v63  }
0xb3: {  	s13 =	sadd.s32 $0x20800, s6;
	s14 =	simm.s32 $0xB680  }
0xb4: {  	[tilespmem:s14], [sflag:$0x1] =	stream.linear.gather [spmem:s13], $0x80, $0x38;
	[tilespmem:$0x10E80] =	vst v63  }
0xb5: {  	s15 =	sadd.s32 $0x20C00, s6;
	s16 =	simm.s32 $0xBA80  }
0xb6: {  	[tilespmem:s16], [sflag:$0x1] =	stream.linear.gather [spmem:s15], $0x80, $0x38;
	[tilespmem:$0x10E80] =	vst v63  }
0xb7: {  	s17 =	sadd.s32 $0x21000, s6;
	s18 =	simm.s32 $0xBE80  }
0xb8: {  	[tilespmem:s18], [sflag:$0x1] =	stream.linear.gather [spmem:s17], $0x80, $0x38;
	[tilespmem:$0x10E80] =	vst v63  }
0xb9: {  	s19 =	sadd.s32 $0x21400, s6;
	s20 =	simm.s32 $0xC280  }
0xba: {  	[tilespmem:s20], [sflag:$0x1] =	stream.linear.gather [spmem:s19], $0x80, $0x38;
	[tilespmem:$0x10E80] =	vst v63  }
0xbb: {  	s21 =	sadd.s32 $0x21800, s6;
	s22 =	simm.s32 $0xC680  }
0xbc: {  	[tilespmem:s22], [sflag:$0x1] =	stream.linear.gather [spmem:s21], $0x80, $0x38;
	[tilespmem:$0x10E80] =	vst v63  }
0xbd: {  	s23 =	sadd.s32 $0x21C00, s6;
	s24 =	simm.s32 $0xCA80  }
0xbe: {  	[tilespmem:s24], [sflag:$0x1] =	stream.linear.gather [spmem:s23], $0x80, $0x38;
	[tilespmem:$0x10E80] =	vst v63  }
0xbf: {  	_ =	swait.ge [sflag:s5], $0x400  }
0xc0: {  	[sflag:s5] =	ssyncset.done $0x0  }
0xc1: {  	s25 =	sadd.s32 $0x20080, s6;
	s26 =	simm.s32 $0xAF00;
	[sflag:s5] =	ssyncadd.s32 $0xFFFFFC00  }
0xc2: {  	[tilespmem:s26], [sflag:$0x1] =	stream.linear.gather [spmem:s25], $0x80, $0x38;
	[tilespmem:$0x10E80] =	vst v63  }
0xc3: {  	s28 =	sadd.s32 $0x20480, s6;
	s29 =	simm.s32 $0xB300  }
0xc4: {  	[tilespmem:s29], [sflag:$0x1] =	stream.linear.gather [spmem:s28], $0x80, $0x38;
	[tilespmem:$0x10E80] =	vst v63  }
0xc5: {  	s30 =	sadd.s32 $0x20880, s6;
	s31 =	simm.s32 $0xB700  }
0xc6: {  	[tilespmem:s31], [sflag:$0x1] =	stream.linear.gather [spmem:s30], $0x80, $0x38;
	[tilespmem:$0x10E80] =	vst v63  }
0xc7: {  	s9 =	sadd.s32 $0x20C80, s6;
	s10 =	simm.s32 $0xBB00  }
0xc8: {  	[tilespmem:s10], [sflag:$0x1] =	stream.linear.gather [spmem:s9], $0x80, $0x38;
	[tilespmem:$0x10E80] =	vst v63  }
0xc9: {  	s11 =	sadd.s32 $0x21080, s6;
	s12 =	simm.s32 $0xBF00  }
0xca: {  	[tilespmem:s12], [sflag:$0x1] =	stream.linear.gather [spmem:s11], $0x80, $0x38;
	[tilespmem:$0x10E80] =	vst v63  }
0xcb: {  	s13 =	sadd.s32 $0x21480, s6;
	s14 =	simm.s32 $0xC300  }
0xcc: {  	[tilespmem:s14], [sflag:$0x1] =	stream.linear.gather [spmem:s13], $0x80, $0x38;
	[tilespmem:$0x10E80] =	vst v63  }
0xcd: {  	s15 =	sadd.s32 $0x21880, s6;
	s16 =	simm.s32 $0xC700  }
0xce: {  	[tilespmem:s16], [sflag:$0x1] =	stream.linear.gather [spmem:s15], $0x80, $0x38;
	[tilespmem:$0x10E80] =	vst v63  }
0xcf: {  	s17 =	sadd.s32 $0x21C80, s6;
	s18 =	simm.s32 $0xCB00  }
0xd0: {  	[tilespmem:s18], [sflag:$0x1] =	stream.linear.gather [spmem:s17], $0x80, $0x38;
	[tilespmem:$0x10E80] =	vst v63  }
0xd1: {  	_ =	swait.ge [sflag:s5], $0x400  }
0xd2: {  	[sflag:s5] =	ssyncset.done $0x0  }
0xd3: {  	s19 =	sadd.s32 $0x20100, s6;
	s20 =	simm.s32 $0xAF80;
	[sflag:s5] =	ssyncadd.s32 $0xFFFFFC00  }
0xd4: {  	[tilespmem:s20], [sflag:$0x1] =	stream.linear.gather [spmem:s19], $0x80, $0x38;
	[tilespmem:$0x10E80] =	vst v63  }
0xd5: {  	s21 =	sadd.s32 $0x20500, s6;
	s22 =	simm.s32 $0xB380  }
0xd6: {  	[tilespmem:s22], [sflag:$0x1] =	stream.linear.gather [spmem:s21], $0x80, $0x38;
	[tilespmem:$0x10E80] =	vst v63  }
0xd7: {  	s23 =	sadd.s32 $0x20900, s6;
	s24 =	simm.s32 $0xB780  }
0xd8: {  	[tilespmem:s24], [sflag:$0x1] =	stream.linear.gather [spmem:s23], $0x80, $0x38;
	[tilespmem:$0x10E80] =	vst v63  }
0xd9: {  	s25 =	sadd.s32 $0x20D00, s6;
	s26 =	simm.s32 $0xBB80  }
0xda: {  	[tilespmem:s26], [sflag:$0x1] =	stream.linear.gather [spmem:s25], $0x80, $0x38;
	[tilespmem:$0x10E80] =	vst v63  }
0xdb: {  	s28 =	sadd.s32 $0x21100, s6;
	s29 =	simm.s32 $0xBF80  }
0xdc: {  	[tilespmem:s29], [sflag:$0x1] =	stream.linear.gather [spmem:s28], $0x80, $0x38;
	[tilespmem:$0x10E80] =	vst v63  }
0xdd: {  	s30 =	sadd.s32 $0x21500, s6;
	s31 =	simm.s32 $0xC380  }
0xde: {  	[tilespmem:s31], [sflag:$0x1] =	stream.linear.gather [spmem:s30], $0x80, $0x38;
	[tilespmem:$0x10E80] =	vst v63  }
0xdf: {  	s9 =	sadd.s32 $0x21900, s6;
	s10 =	simm.s32 $0xC780  }
0xe0: {  	[tilespmem:s10], [sflag:$0x1] =	stream.linear.gather [spmem:s9], $0x80, $0x38;
	[tilespmem:$0x10E80] =	vst v63  }
0xe1: {  	s11 =	sadd.s32 $0x21D00, s6;
	s12 =	simm.s32 $0xCB80  }
0xe2: {  	[tilespmem:s12], [sflag:$0x1] =	stream.linear.gather [spmem:s11], $0x80, $0x38;
	[tilespmem:$0x10E80] =	vst v63  }
0xe3: {  	_ =	swait.ge [sflag:s5], $0x400  }
0xe4: {  	[sflag:s5] =	ssyncset.done $0x0  }
0xe5: {  	s13 =	sadd.s32 $0x20180, s6;
	s14 =	simm.s32 $0xB000;
	[sflag:s5] =	ssyncadd.s32 $0xFFFFFC00  }
0xe6: {  	[tilespmem:s14], [sflag:$0x1] =	stream.linear.gather [spmem:s13], $0x80, $0x38;
	[tilespmem:$0x10E80] =	vst v63  }
0xe7: {  	s15 =	sadd.s32 $0x20580, s6;
	s16 =	simm.s32 $0xB400  }
0xe8: {  	[tilespmem:s16], [sflag:$0x1] =	stream.linear.gather [spmem:s15], $0x80, $0x38;
	[tilespmem:$0x10E80] =	vst v63  }
0xe9: {  	s17 =	sadd.s32 $0x20980, s6;
	s18 =	simm.s32 $0xB800  }
0xea: {  	[tilespmem:s18], [sflag:$0x1] =	stream.linear.gather [spmem:s17], $0x80, $0x38;
	[tilespmem:$0x10E80] =	vst v63  }
0xeb: {  	s19 =	sadd.s32 $0x20D80, s6;
	s20 =	simm.s32 $0xBC00  }
0xec: {  	[tilespmem:s20], [sflag:$0x1] =	stream.linear.gather [spmem:s19], $0x80, $0x38;
	[tilespmem:$0x10E80] =	vst v63  }
0xed: {  	s21 =	sadd.s32 $0x21180, s6;
	s22 =	simm.s32 $0xC000  }
0xee: {  	[tilespmem:s22], [sflag:$0x1] =	stream.linear.gather [spmem:s21], $0x80, $0x38;
	[tilespmem:$0x10E80] =	vst v63  }
0xef: {  	s23 =	sadd.s32 $0x21580, s6;
	s24 =	simm.s32 $0xC400  }
0xf0: {  	[tilespmem:s24], [sflag:$0x1] =	stream.linear.gather [spmem:s23], $0x80, $0x38;
	[tilespmem:$0x10E80] =	vst v63  }
0xf1: {  	s25 =	sadd.s32 $0x21980, s6;
	s26 =	simm.s32 $0xC800  }
0xf2: {  	[tilespmem:s26], [sflag:$0x1] =	stream.linear.gather [spmem:s25], $0x80, $0x38;
	[tilespmem:$0x10E80] =	vst v63  }
0xf3: {  	s28 =	sadd.s32 $0x21D80, s6;
	s29 =	simm.s32 $0xCC00  }
0xf4: {  	[tilespmem:s29], [sflag:$0x1] =	stream.linear.gather [spmem:s28], $0x80, $0x38;
	[tilespmem:$0x10E80] =	vst v63  }
0xf5: {  	_ =	swait.ge [sflag:s5], $0x400  }
0xf6: {  	[sflag:s5] =	ssyncset.done $0x0  }
0xf7: {  	s30 =	sadd.s32 $0x20200, s6;
	s31 =	simm.s32 $0xB080;
	[sflag:s5] =	ssyncadd.s32 $0xFFFFFC00  }
0xf8: {  	[tilespmem:s31], [sflag:$0x1] =	stream.linear.gather [spmem:s30], $0x80, $0x38;
	[tilespmem:$0x10E80] =	vst v63  }
0xf9: {  	s9 =	sadd.s32 $0x20600, s6;
	s10 =	simm.s32 $0xB480  }
0xfa: {  	[tilespmem:s10], [sflag:$0x1] =	stream.linear.gather [spmem:s9], $0x80, $0x38;
	[tilespmem:$0x10E80] =	vst v63  }
0xfb: {  	s11 =	sadd.s32 $0x20A00, s6;
	s12 =	simm.s32 $0xB880  }
0xfc: {  	[tilespmem:s12], [sflag:$0x1] =	stream.linear.gather [spmem:s11], $0x80, $0x38;
	[tilespmem:$0x10E80] =	vst v63  }
0xfd: {  	s13 =	sadd.s32 $0x20E00, s6;
	s14 =	simm.s32 $0xBC80  }
0xfe: {  	[tilespmem:s14], [sflag:$0x1] =	stream.linear.gather [spmem:s13], $0x80, $0x38;
	[tilespmem:$0x10E80] =	vst v63  }
0xff: {  	s15 =	sadd.s32 $0x21200, s6;
	s16 =	simm.s32 $0xC080  }
0x100: {  	[tilespmem:s16], [sflag:$0x1] =	stream.linear.gather [spmem:s15], $0x80, $0x38;
	[tilespmem:$0x10E80] =	vst v63  }
0x101: {  	s17 =	sadd.s32 $0x21600, s6;
	s18 =	simm.s32 $0xC480  }
0x102: {  	[tilespmem:s18], [sflag:$0x1] =	stream.linear.gather [spmem:s17], $0x80, $0x38;
	[tilespmem:$0x10E80] =	vst v63  }
0x103: {  	s19 =	sadd.s32 $0x21A00, s6;
	s20 =	simm.s32 $0xC880  }
0x104: {  	[tilespmem:s20], [sflag:$0x1] =	stream.linear.gather [spmem:s19], $0x80, $0x38;
	[tilespmem:$0x10E80] =	vst v63  }
0x105: {  	s21 =	sadd.s32 $0x21E00, s6;
	s22 =	simm.s32 $0xCC80  }
0x106: {  	[tilespmem:s22], [sflag:$0x1] =	stream.linear.gather [spmem:s21], $0x80, $0x38;
	[tilespmem:$0x10E80] =	vst v63  }
0x107: {  	_ =	swait.ge [sflag:s5], $0x400  }
0x108: {  	[sflag:s5] =	ssyncset.done $0x0  }
0x109: {  	s23 =	sadd.s32 $0x20280, s6;
	s24 =	simm.s32 $0xB100;
	[sflag:s5] =	ssyncadd.s32 $0xFFFFFC00  }
0x10a: {  	[tilespmem:s24], [sflag:$0x1] =	stream.linear.gather [spmem:s23], $0x80, $0x38;
	[tilespmem:$0x10E80] =	vst v63  }
0x10b: {  	s25 =	sadd.s32 $0x20680, s6;
	s26 =	simm.s32 $0xB500  }
0x10c: {  	[tilespmem:s26], [sflag:$0x1] =	stream.linear.gather [spmem:s25], $0x80, $0x38;
	[tilespmem:$0x10E80] =	vst v63  }
0x10d: {  	s28 =	sadd.s32 $0x20A80, s6;
	s29 =	simm.s32 $0xB900  }
0x10e: {  	[tilespmem:s29], [sflag:$0x1] =	stream.linear.gather [spmem:s28], $0x80, $0x38;
	[tilespmem:$0x10E80] =	vst v63  }
0x10f: {  	s30 =	sadd.s32 $0x20E80, s6;
	s31 =	simm.s32 $0xBD00  }
0x110: {  	[tilespmem:s31], [sflag:$0x1] =	stream.linear.gather [spmem:s30], $0x80, $0x38;
	[tilespmem:$0x10E80] =	vst v63  }
0x111: {  	s9 =	sadd.s32 $0x21280, s6;
	s10 =	simm.s32 $0xC100  }
0x112: {  	[tilespmem:s10], [sflag:$0x1] =	stream.linear.gather [spmem:s9], $0x80, $0x38;
	[tilespmem:$0x10E80] =	vst v63  }
0x113: {  	s11 =	sadd.s32 $0x21680, s6;
	s12 =	simm.s32 $0xC500  }
0x114: {  	[tilespmem:s12], [sflag:$0x1] =	stream.linear.gather [spmem:s11], $0x80, $0x38;
	[tilespmem:$0x10E80] =	vst v63  }
0x115: {  	s13 =	sadd.s32 $0x21A80, s6;
	s14 =	simm.s32 $0xC900  }
0x116: {  	[tilespmem:s14], [sflag:$0x1] =	stream.linear.gather [spmem:s13], $0x80, $0x38;
	[tilespmem:$0x10E80] =	vst v63  }
0x117: {  	s15 =	sadd.s32 $0x21E80, s6;
	s16 =	simm.s32 $0xCD00  }
0x118: {  	[tilespmem:s16], [sflag:$0x1] =	stream.linear.gather [spmem:s15], $0x80, $0x38;
	[tilespmem:$0x10E80] =	vst v63  }
0x119: {  	_ =	swait.ge [sflag:s5], $0x400  }
0x11a: {  	[sflag:s5] =	ssyncset.done $0x0  }
0x11b: {  	s17 =	sadd.s32 $0x20300, s6;
	s18 =	simm.s32 $0xB180;
	[sflag:s5] =	ssyncadd.s32 $0xFFFFFC00  }
0x11c: {  	[tilespmem:s18], [sflag:$0x1] =	stream.linear.gather [spmem:s17], $0x80, $0x38;
	[tilespmem:$0x10E80] =	vst v63  }
0x11d: {  	s19 =	sadd.s32 $0x20700, s6;
	s20 =	simm.s32 $0xB580  }
0x11e: {  	[tilespmem:s20], [sflag:$0x1] =	stream.linear.gather [spmem:s19], $0x80, $0x38;
	[tilespmem:$0x10E80] =	vst v63  }
0x11f: {  	s21 =	sadd.s32 $0x20B00, s6;
	s22 =	simm.s32 $0xB980  }
0x120: {  	[tilespmem:s22], [sflag:$0x1] =	stream.linear.gather [spmem:s21], $0x80, $0x38;
	[tilespmem:$0x10E80] =	vst v63  }
0x121: {  	s23 =	sadd.s32 $0x20F00, s6;
	s24 =	simm.s32 $0xBD80  }
0x122: {  	[tilespmem:s24], [sflag:$0x1] =	stream.linear.gather [spmem:s23], $0x80, $0x38;
	[tilespmem:$0x10E80] =	vst v63  }
0x123: {  	s25 =	sadd.s32 $0x21300, s6;
	s26 =	simm.s32 $0xC180  }
0x124: {  	[tilespmem:s26], [sflag:$0x1] =	stream.linear.gather [spmem:s25], $0x80, $0x38;
	[tilespmem:$0x10E80] =	vst v63  }
0x125: {  	s28 =	sadd.s32 $0x21700, s6;
	s29 =	simm.s32 $0xC580  }
0x126: {  	[tilespmem:s29], [sflag:$0x1] =	stream.linear.gather [spmem:s28], $0x80, $0x38;
	[tilespmem:$0x10E80] =	vst v63  }
0x127: {  	s30 =	sadd.s32 $0x21B00, s6;
	s31 =	simm.s32 $0xC980  }
0x128: {  	[tilespmem:s31], [sflag:$0x1] =	stream.linear.gather [spmem:s30], $0x80, $0x38;
	[tilespmem:$0x10E80] =	vst v63  }
0x129: {  	s9 =	sadd.s32 $0x21F00, s6;
	s10 =	simm.s32 $0xCD80  }
0x12a: {  	[tilespmem:s10], [sflag:$0x1] =	stream.linear.gather [spmem:s9], $0x80, $0x38;
	[tilespmem:$0x10E80] =	vst v63  }
0x12b: {  	_ =	swait.ge [sflag:s5], $0x400  }
0x12c: {  	[sflag:s5] =	ssyncset.done $0x0  }
0x12d: {  	s11 =	sadd.s32 $0x20380, s6;
	s12 =	simm.s32 $0xB200;
	[sflag:s5] =	ssyncadd.s32 $0xFFFFFC00  }
0x12e: {  	[tilespmem:s12], [sflag:$0x1] =	stream.linear.gather [spmem:s11], $0x80, $0x38;
	[tilespmem:$0x10E80] =	vst v63  }
0x12f: {  	s13 =	sadd.s32 $0x20780, s6;
	s14 =	simm.s32 $0xB600  }
0x130: {  	[tilespmem:s14], [sflag:$0x1] =	stream.linear.gather [spmem:s13], $0x80, $0x38;
	[tilespmem:$0x10E80] =	vst v63  }
0x131: {  	s15 =	sadd.s32 $0x20B80, s6;
	s16 =	simm.s32 $0xBA00  }
0x132: {  	[tilespmem:s16], [sflag:$0x1] =	stream.linear.gather [spmem:s15], $0x80, $0x38;
	[tilespmem:$0x10E80] =	vst v63  }
0x133: {  	s17 =	sadd.s32 $0x20F80, s6;
	s18 =	simm.s32 $0xBE00  }
0x134: {  	[tilespmem:s18], [sflag:$0x1] =	stream.linear.gather [spmem:s17], $0x80, $0x38;
	[tilespmem:$0x10E80] =	vst v63  }
0x135: {  	s19 =	sadd.s32 $0x21380, s6;
	s20 =	simm.s32 $0xC200  }
0x136: {  	[tilespmem:s20], [sflag:$0x1] =	stream.linear.gather [spmem:s19], $0x80, $0x38;
	[tilespmem:$0x10E80] =	vst v63  }
0x137: {  	s21 =	sadd.s32 $0x21780, s6;
	s22 =	simm.s32 $0xC600  }
0x138: {  	[tilespmem:s22], [sflag:$0x1] =	stream.linear.gather [spmem:s21], $0x80, $0x38;
	[tilespmem:$0x10E80] =	vst v63  }
0x139: {  	s23 =	sadd.s32 $0x21B80, s6;
	s24 =	simm.s32 $0xCA00  }
0x13a: {  	[tilespmem:s24], [sflag:$0x1] =	stream.linear.gather [spmem:s23], $0x80, $0x38;
	[tilespmem:$0x10E80] =	vst v63  }
0x13b: {  	s6 =	sadd.s32 $0x21F80, s6;
	s25 =	simm.s32 $0xCE00  }
0x13c: {  	[tilespmem:s25], [sflag:$0x1] =	stream.linear.gather [spmem:s6], $0x80, $0x38;
	[tilespmem:$0x10E80] =	vst v63  }
0x13d: {  	s26 =	simm.s32 $0x0;
	_ =	swait.ge [sflag:s5], $0x400  }
0x13e: {  	s28 =	sand.u32 $0x70, s26;
	s6 =	sand.u32 $0x1C00, s26;
	[sflag:s5] =	ssyncset.done $0x0  }
0x13f: {  	s29 =	sor.u32 s28, s6;
	[sflag:s5] =	ssyncadd.s32 $0xFFFFFC00  }
0x140: {  	v48 =	vld [tilespmem:s29+$0x8F00]  }
0x141: {  	v49 =	vld [tilespmem:s29+$0x8E80];
	_ =	sdelay $0x1  }
0x142: {  	v2 =	vld [tilespmem:s29+$0x8F80];
	_ =	sdelay $0x1  }
0x143: {  	v3 =	vld [tilespmem:s29+$0x9000]  }
0x144: {  	v0 =	vadd.f32 v48, v49  }
0x145: {  	v50 =	vld [tilespmem:s29+$0x9080]  }
0x146: {  	v0 =	vadd.f32 v2, v0  }
0x147: {  	v51 =	vld [tilespmem:s29+$0x9100]  }
0x148: {  	v0 =	vadd.f32 v3, v0  }
0x149: {  	v52 =	vld [tilespmem:s29+$0x9180]  }
0x14a: {  	v0 =	vadd.f32 v50, v0  }
0x14b: {  	v53 =	vld [tilespmem:s29+$0x9200]  }
0x14c: {  	v0 =	vadd.f32 v51, v0  }
0x14d: {  	v54 =	vld [tilespmem:s29+$0xAE80]  }
0x14e: {  	v0 =	vadd.f32 v52, v0  }
0x14f: {  	v55 =	vld [tilespmem:s29+$0xAF00]  }
0x150: {  	v0 =	vadd.f32 v53, v0  }
0x151: {  	v56 =	vld [tilespmem:s29+$0xAF80]  }
0x152: {  	v0 =	vadd.f32 v54, v0  }
0x153: {  	v57 =	vld [tilespmem:s29+$0xB000]  }
0x154: {  	v0 =	vadd.f32 v55, v0  }
0x155: {  	v58 =	vld [tilespmem:s29+$0xB080]  }
0x156: {  	v0 =	vadd.f32 v56, v0  }
0x157: {  	v59 =	vld [tilespmem:s29+$0xB100]  }
0x158: {  	v0 =	vadd.f32 v57, v0  }
0x159: {  	v60 =	vld [tilespmem:s29+$0xB180]  }
0x15a: {  	v0 =	vadd.f32 v58, v0  }
0x15b: {  	v61 =	vld [tilespmem:s29+$0xB200]  }
0x15c: {  	v0 =	vadd.f32 v59, v0;
	_ =	sdelay $0x1  }
0x15d: {  	v0 =	vadd.f32 v60, v0;
	_ =	sdelay $0x1  }
0x15e: {  	v0 =	vadd.f32 v61, v0;
	_ =	sdelay $0x1  }
0x15f: {  	v0 =	vadd.f32 $1.000000000e+00, v0;
	_ =	sdelay $0x1  }
0x160: {  	v62 =	vshra.s32 v0, $0x1;
	v0 =	vmul.f32 $5.000000000e-01, v0  }
0x161: {  	v1 =	vsub.s32 $0x5F3759DF, v62  }
0x162: {  	v63 =	vmul.f32 v1, v0;
	_ =	sdelay $0x1  }
0x163: {  	v2 =	vmul.f32 v1, v63;
	_ =	sdelay $0x1  }
0x164: {  	v2 =	vsub.f32 $1.500000000e+00, v2;
	_ =	sdelay $0x1  }
0x165: {  	v1 =	vmul.f32 v1, v2;
	_ =	sdelay $0x1  }
0x166: {  	v2 =	vmul.f32 v1, v0;
	_ =	sdelay $0x1  }
0x167: {  	v2 =	vmul.f32 v2, v1;
	_ =	sdelay $0x1  }
0x168: {  	v2 =	vsub.f32 $1.500000000e+00, v2;
	_ =	sdelay $0x1  }
0x169: {  	v1 =	vmul.f32 v2, v1;
	_ =	sdelay $0x1  }
0x16a: {  	v0 =	vmul.f32 v1, v0;
	_ =	sdelay $0x1  }
0x16b: {  	v0 =	vmul.f32 v0, v1;
	_ =	sdelay $0x1  }
0x16c: {  	v0 =	vsub.f32 $1.500000000e+00, v0;
	_ =	sdelay $0x1  }
0x16d: {  	s30 =	simm.s32 $0x10;
	s5 =	simm.s32 $0x80;
	v0 =	vmul.f32 v0, v1  }
0x16e: {  	s6 =	sand.u32 $0x70, s30;
	s31 =	sand.u32 $0x1C00, s5  }
0x16f: {  	s7 =	sor.u32 s6, s31;
	s6 =	simm.s32 $0x20;
	[tilespmem:s4+$0x0] =	vst v0  }
.LBB2_5:
0x170: {  	p0 =	sne.s32 s6, $0x3F0;
	v0 =	vld [tilespmem:s7+$0x8F00]  }
0x171: {  	v1 =	vld [tilespmem:s7+$0x8E80];
	_ =	sdelay $0x1  }
0x172: {  	v2 =	vld [tilespmem:s7+$0x8F80];
	_ =	sdelay $0x1  }
0x173: {  	v3 =	vld [tilespmem:s7+$0x9000]  }
0x174: {  	v0 =	vadd.f32 v0, v1  }
0x175: {  	v1 =	vld [tilespmem:s7+$0x9080]  }
0x176: {  	v0 =	vadd.f32 v2, v0  }
0x177: {  	v2 =	vld [tilespmem:s7+$0x9100]  }
0x178: {  	v0 =	vadd.f32 v3, v0  }
0x179: {  	v3 =	vld [tilespmem:s7+$0x9180]  }
0x17a: {  	v0 =	vadd.f32 v1, v0  }
0x17b: {  	v1 =	vld [tilespmem:s7+$0x9200]  }
0x17c: {  	v0 =	vadd.f32 v2, v0  }
0x17d: {  	v2 =	vld [tilespmem:s7+$0xAE80]  }
0x17e: {  	v0 =	vadd.f32 v3, v0  }
0x17f: {  	v3 =	vld [tilespmem:s7+$0xAF00]  }
0x180: {  	v0 =	vadd.f32 v1, v0  }
0x181: {  	v1 =	vld [tilespmem:s7+$0xAF80]  }
0x182: {  	v0 =	vadd.f32 v2, v0  }
0x183: {  	v2 =	vld [tilespmem:s7+$0xB000]  }
0x184: {  	v0 =	vadd.f32 v3, v0  }
0x185: {  	v3 =	vld [tilespmem:s7+$0xB080]  }
0x186: {  	v0 =	vadd.f32 v1, v0  }
0x187: {  	v1 =	vld [tilespmem:s7+$0xB100]  }
0x188: {  	v0 =	vadd.f32 v2, v0  }
0x189: {  	v2 =	vld [tilespmem:s7+$0xB180]  }
0x18a: {  	v0 =	vadd.f32 v3, v0  }
0x18b: {  	v3 =	vld [tilespmem:s7+$0xB200]  }
0x18c: {  	v0 =	vadd.f32 v1, v0;
	_ =	sdelay $0x1  }
0x18d: {  	v0 =	vadd.f32 v2, v0;
	_ =	sdelay $0x1  }
0x18e: {  	v0 =	vadd.f32 v3, v0;
	_ =	sdelay $0x1  }
0x18f: {  	v0 =	vadd.f32 $1.000000000e+00, v0;
	_ =	sdelay $0x1  }
0x190: {  	v1 =	vshra.s32 v0, $0x1;
	v0 =	vmul.f32 $5.000000000e-01, v0  }
0x191: {  	v1 =	vsub.s32 $0x5F3759DF, v1  }
0x192: {  	v2 =	vmul.f32 v1, v0;
	_ =	sdelay $0x1  }
0x193: {  	v2 =	vmul.f32 v1, v2;
	_ =	sdelay $0x1  }
0x194: {  	v2 =	vsub.f32 $1.500000000e+00, v2;
	_ =	sdelay $0x1  }
0x195: {  	v1 =	vmul.f32 v1, v2;
	_ =	sdelay $0x1  }
0x196: {  	v2 =	vmul.f32 v1, v0;
	_ =	sdelay $0x1  }
0x197: {  	v2 =	vmul.f32 v2, v1;
	_ =	sdelay $0x1  }
0x198: {  	v2 =	vsub.f32 $1.500000000e+00, v2;
	_ =	sdelay $0x1  }
0x199: {  	v1 =	vmul.f32 v2, v1;
	_ =	sdelay $0x1  }
0x19a: {  	v0 =	vmul.f32 v1, v0;
	_ =	sdelay $0x1  }
0x19b: {  	v0 =	vmul.f32 v0, v1;
	_ =	sdelay $0x1  }
.Ltmp2:
0x19c: {  	v0 =	vsub.f32 $1.500000000e+00, v0;
	(pc) =	sbr.rel @p0 .LBB2_5-.Ltmp2, $4  }
0x19d: {  	_ = 	snop  }
0x19e: {  	s5 =	sadd.s32 $0x80, s5;
	v0 =	vmul.f32 v0, v1  }
0x19f: {  	s4 =	sadd.s32 $0x10, s4;
	s8 =	sand.u32 $0x1C00, s5;
	s7 =	sand.u32 $0x70, s6  }
0x1a0: {  	s6 =	sadd.s32 $0x10, s6;
	s7 =	sor.u32 s7, s8;
	[tilespmem:s4+$0x0] =	vst v0  }
0x1a1: {  	v0 =	vld [tilespmem:s7+$0x8F00]  }
0x1a2: {  	v1 =	vld [tilespmem:s7+$0x8E80];
	_ =	sdelay $0x1  }
0x1a3: {  	v2 =	vld [tilespmem:s7+$0x8F80];
	_ =	sdelay $0x1  }
0x1a4: {  	v3 =	vld [tilespmem:s7+$0x9000]  }
0x1a5: {  	v0 =	vadd.f32 v0, v1  }
0x1a6: {  	v50 =	vld [tilespmem:s7+$0x9080]  }
0x1a7: {  	v0 =	vadd.f32 v2, v0  }
0x1a8: {  	v51 =	vld [tilespmem:s7+$0x9100]  }
0x1a9: {  	v0 =	vadd.f32 v3, v0  }
0x1aa: {  	v52 =	vld [tilespmem:s7+$0x9180]  }
0x1ab: {  	v0 =	vadd.f32 v50, v0  }
0x1ac: {  	v53 =	vld [tilespmem:s7+$0x9200]  }
0x1ad: {  	v0 =	vadd.f32 v51, v0  }
0x1ae: {  	v54 =	vld [tilespmem:s7+$0xAE80]  }
0x1af: {  	v0 =	vadd.f32 v52, v0  }
0x1b0: {  	v55 =	vld [tilespmem:s7+$0xAF00]  }
0x1b1: {  	v0 =	vadd.f32 v53, v0  }
0x1b2: {  	v56 =	vld [tilespmem:s7+$0xAF80]  }
0x1b3: {  	v0 =	vadd.f32 v54, v0  }
0x1b4: {  	v57 =	vld [tilespmem:s7+$0xB000]  }
0x1b5: {  	v0 =	vadd.f32 v55, v0  }
0x1b6: {  	v58 =	vld [tilespmem:s7+$0xB080]  }
0x1b7: {  	v0 =	vadd.f32 v56, v0  }
0x1b8: {  	v59 =	vld [tilespmem:s7+$0xB100]  }
0x1b9: {  	v0 =	vadd.f32 v57, v0  }
0x1ba: {  	v60 =	vld [tilespmem:s7+$0xB180]  }
0x1bb: {  	v0 =	vadd.f32 v58, v0  }
0x1bc: {  	v61 =	vld [tilespmem:s7+$0xB200]  }
0x1bd: {  	v0 =	vadd.f32 v59, v0;
	_ =	sdelay $0x1  }
0x1be: {  	v0 =	vadd.f32 v60, v0;
	_ =	sdelay $0x1  }
0x1bf: {  	v0 =	vadd.f32 v61, v0;
	_ =	sdelay $0x1  }
0x1c0: {  	v0 =	vadd.f32 $1.000000000e+00, v0;
	_ =	sdelay $0x1  }
0x1c1: {  	v62 =	vshra.s32 v0, $0x1;
	v0 =	vmul.f32 $5.000000000e-01, v0  }
0x1c2: {  	v1 =	vsub.s32 $0x5F3759DF, v62  }
0x1c3: {  	v63 =	vmul.f32 v1, v0;
	_ =	sdelay $0x1  }
0x1c4: {  	v2 =	vmul.f32 v1, v63;
	_ =	sdelay $0x1  }
0x1c5: {  	v2 =	vsub.f32 $1.500000000e+00, v2;
	_ =	sdelay $0x1  }
0x1c6: {  	v1 =	vmul.f32 v1, v2;
	_ =	sdelay $0x1  }
0x1c7: {  	v2 =	vmul.f32 v1, v0;
	_ =	sdelay $0x1  }
0x1c8: {  	v2 =	vmul.f32 v2, v1;
	_ =	sdelay $0x1  }
0x1c9: {  	v2 =	vsub.f32 $1.500000000e+00, v2;
	_ =	sdelay $0x1  }
0x1ca: {  	v1 =	vmul.f32 v2, v1;
	_ =	sdelay $0x1  }
0x1cb: {  	v0 =	vmul.f32 v1, v0;
	_ =	sdelay $0x1  }
0x1cc: {  	v0 =	vmul.f32 v0, v1;
	_ =	sdelay $0x1  }
0x1cd: {  	v0 =	vsub.f32 $1.500000000e+00, v0;
	_ =	sdelay $0x1  }
0x1ce: {  	v0 =	vmul.f32 v0, v1  }
0x1cf: {  	s4 =	sadd.s32 $0x10, s4;
	s2 =	sadd.s32 s3, s2  }
0x1d0: {  	s29 =	simm.s32 $0x0;
	s30 =	simm.s32 $0x4E80;
	s31 =	simm.s32 $0x1;
	[tilespmem:s4+$0x0] =	vst v0  }
0x1d1: {  	[hbm4b:s2+s29] =	stream.linear.scatter [tilespmem:s30], [sflag:$0x1], $0x400, $0x38;
	[tilespmem:$0x10E80] =	vst v63  }
0x1d2: {  	_ =	swait.ge [sflag:s31], $0x400  }
0x1d3: {  	[sflag:s31] =	ssyncset.done $0x0  }
0x1d4: {  	[sflag:s31] =	ssyncadd.s32 $0xFFFFFC00  }
0x1d5: {  	_ =	sfence.sel $0x180000  }
0x1d6: {  	[bflag:$0x0] =	sbarrier.arrive $0xFFFF  }
0x1d7: {  	p0 =	sne.s32 s0, $0x0;
	_ =	strace $0x90000047  }
0x1d8: {  	s0 =	sadd.s32 @!p0 $0x100000, s1;
	[bflag:$0x2] =	sbarrier.arrive $0xFFFF  }
0x1d9: {  	[sflag:s0] =	ssyncadd.tile.s32 @!p0 $0x1;
	_ =	shalt  }
.Lfunc_end2:
_tile_overlayer_lowered:
.L_overlay_start_2:
0x1da: {  	(tag) =	ssettag $0x2  }
0x1db: {  	s0 =	rddreg [dreg:$0x0];
	s2 =	stileid.u32  }
0x1dc: {  	s1 =	rddreg [dreg:$0x1];
	p0 =	sne.s32 s2, $0x0  }
0x1dd: {  	s3 =	rddreg [dreg:$0x2];
	[bflag:$0x3] =	sbarrier.arrive $0xFFFF;
	s2 =	simm.s32 @!p0 $0x1C01  }
0x1de: {  	[timem:s3], [sflag:s2] =	dma.local @!p0 [hbm:s0], s1  }
0x1df: {  	s0 =	simm.s32 @!p0 $0x1  }
0x1e0: {  	_ =	swait.ge @!p0 [sflag:s0], s1  }
0x1e1: {  	s1 =	ssub.s32 @!p0 $0x0, s1;
	[sflag:s0] =	ssyncset.done @!p0 $0x0  }
0x1e2: {  	[sflag:s0] =	ssyncadd.s32 @!p0 s1  }
0x1e3: {  	[bflag:$0x3] =	sbarrier.arrive $0xFFFF  }
0x1e4: {  	_ =	shalt  }

</sc_bundles>
